<compile_context>
chip_gen: v7x
topology: tpu7x:2x2x1
jax: 0.10.2.dev20260603
libtpu: 0.0.44.dev20260713+nightly
codegen_flags: <defaults>
</compile_context>

<pallas_src>
import functools

import jax
import jax.numpy as jnp
from jax import lax
from jax.experimental import pallas as pl
from jax.experimental.pallas import tpu as pltpu
from jax.experimental.pallas import tpu_sc as plsc

MAX_SPEAKERS = 1000000
EMBED_DIM = 64
HIDDEN_SIZE = 1024
BATCH = 16384
_L = 16
_NBUF = 7


def _make_sc_gather(B):
    info = plsc.get_sparse_core_info()
    NC, NS = info.num_cores, info.num_subcores
    NW = NC * NS
    b_per_w = B // NW
    mesh = plsc.VectorSubcoreMesh(core_axis_name="c", subcore_axis_name="s")

    @functools.partial(
        pl.kernel,
        mesh=mesh,
        out_type=jax.ShapeDtypeStruct((B, 2 * EMBED_DIM), jnp.float32),
        scratch_types=[
            pltpu.VMEM((b_per_w + _L,), jnp.int32),
            pltpu.VMEM((_NBUF, EMBED_DIM, 2 * EMBED_DIM), jnp.float32),
            pltpu.VMEM((b_per_w, 2 * EMBED_DIM), jnp.float32),
            pltpu.SemaphoreType.DMA,
        ],
        compiler_params=pltpu.CompilerParams(needs_layout_passes=False),
    )
    def gather_kernel(tableT_hbm, idx_hbm, x2_hbm, idx_v, slab_v, rows_v, sem):
        wid = lax.axis_index("s") * NC + lax.axis_index("c")
        base = wid * b_per_w
        pltpu.sync_copy(idx_hbm.at[pl.ds(base, b_per_w)], idx_v.at[pl.ds(0, b_per_w)])

        cvec = [lax.iota(jnp.int32, _L) + k * _L for k in range(4)]

        def fetch(scalar_id, buf):
            tc = lax.shift_right_logical(scalar_id, 7) * 128
            pltpu.async_copy(
                tableT_hbm.at[:, pl.ds(tc, 128)], slab_v.at[buf], sem
            )

        def extract(j, scalar_id, buf):
            lvec = jnp.full((_L,), scalar_id & 127, jnp.int32)
            for k in range(4):
                vals = plsc.load_gather(slab_v.at[buf], [cvec[k], lvec])
                rows_v[j, pl.ds(k * _L, _L)] = vals

        v0 = idx_v[pl.ds(0, _L)]
        for b in range(_NBUF):
            fetch(v0[b], b)

        n_blocks = b_per_w // _L

        def block_body(r, _):
            j0 = r * _L
            v_cur = idx_v[pl.ds(j0, _L)]
            v_nxt = idx_v[pl.ds(j0 + _L, _L)]
            for t in range(_L):
                j = j0 + t
                buf = (
                    lax.rem(j, _NBUF)
                    if _L % _NBUF
                    else t % _NBUF
                )
                pltpu.make_async_copy(
                    tableT_hbm.at[:, pl.ds(0, 128)], slab_v.at[buf], sem
                ).wait()
                extract(j, v_cur[t], buf)
                nid = (
                    v_cur[t + _NBUF] if t + _NBUF < _L else v_nxt[t + _NBUF - _L]
                )

                @pl.when(j + _NBUF < b_per_w)
                def _():
                    fetch(nid, buf)

            return ()

        lax.fori_loop(0, n_blocks, block_body, (), unroll=False)
        pltpu.sync_copy(rows_v, x2_hbm.at[pl.ds(base, b_per_w)])

    return gather_kernel


def _proj_body(x2_ref, wt_ref, b_ref, o_ref):
    o_ref[...] = (
        lax.dot_general(
            x2_ref[:, :EMBED_DIM],
            wt_ref[...],
            (((1,), (0,)), ((), ())),
            preferred_element_type=jnp.float32,
        )
        + b_ref[...]
    )


def _proj_body_acc(x2_ref, wt_ref, b_ref, prev_ref, o_ref):
    del prev_ref
    _proj_body(x2_ref, wt_ref, b_ref, o_ref)


_NCHUNK = 1
_BB = 2048


def _make_tc_proj(B, H, chunk):
    BC = B // _NCHUNK
    r0 = (chunk * BC) // _BB
    in_specs = [
        pl.BlockSpec((_BB, 2 * EMBED_DIM), lambda i: (i, 0)),
        pl.BlockSpec((EMBED_DIM, H), lambda i: (0, 0)),
        pl.BlockSpec((1, H), lambda i: (0, 0)),
    ]
    kwargs = {}
    body = _proj_body
    if chunk > 0:
        in_specs.append(pl.BlockSpec(memory_space=pl.ANY))
        kwargs["input_output_aliases"] = {3: 0}
        body = _proj_body_acc
    return pl.pallas_call(
        body,
        grid=(BC // _BB,),
        in_specs=in_specs,
        out_specs=pl.BlockSpec((_BB, H), lambda i: (r0 + i, 0)),
        out_shape=jax.ShapeDtypeStruct((B, H), jnp.float32),
        **kwargs,
    )


@jax.jit
def kernel(speaker_ids, table, W, b):
    ids = speaker_ids.astype(jnp.int32)
    tableT = table.T
    Wt = W.T
    b2 = b.reshape(1, HIDDEN_SIZE)
    BC = BATCH // _NCHUNK
    gather = _make_sc_gather(BC)
    x2s = [
        gather(tableT, lax.slice(ids, (c * BC,), ((c + 1) * BC,)))
        for c in range(_NCHUNK)
    ]
    out = _make_tc_proj(BATCH, HIDDEN_SIZE, 0)(x2s[0], Wt, b2)
    for c in range(1, _NCHUNK):
        out = _make_tc_proj(BATCH, HIDDEN_SIZE, c)(x2s[c], Wt, b2, out)
    return out

# --- scband reference (transcript-rebuilt; emitter-appended) ---
"""Pipeline reference for scband-speaker-embedding-8761733284147 (READ-ONLY COPY).

The authoritative reference and input builder live on the scoring server;
editing this copy changes nothing except your own understanding.
"""

import jax, jax.numpy as jnp
import numpy as np

MAX_SPEAKERS = 1000000
EMBED_DIM = 64
HIDDEN_SIZE = 1024
BATCH = 16384

def setup_inputs(seed: int = 0) -> dict:
    key = jax.random.key(seed)
    k_ids, k_tab, k_w, k_b = jax.random.split(key, 4)
    speaker_ids = jax.random.randint(k_ids, (BATCH,), 0, MAX_SPEAKERS, dtype=jnp.int64 if jax.config.jax_enable_x64 else jnp.int32)
    table = jax.random.normal(k_tab, (MAX_SPEAKERS, EMBED_DIM), dtype=jnp.float32)
    # nn.Linear default init: U(-1/sqrt(fan_in), 1/sqrt(fan_in))
    bound = 1.0 / np.sqrt(EMBED_DIM)
    W = jax.random.uniform(k_w, (HIDDEN_SIZE, EMBED_DIM), minval=-bound, maxval=bound, dtype=jnp.float32)
    b = jax.random.uniform(k_b, (HIDDEN_SIZE,), minval=-bound, maxval=bound, dtype=jnp.float32)
    return {"speaker_ids": speaker_ids, "table": table, "W": W, "b": b}

def reference(speaker_ids, table, W, b):
    # x = self.embedding(speaker_ids)
    x = jnp.take(table, speaker_ids, axis=0)  # [B, EMBED_DIM]
    # return self.proj(x)  -- nn.Linear: x @ W.T + b
    out = x @ W.T + b  # [B, HIDDEN_SIZE]
    return out

if __name__ == "__main__":
    import jax
    _d = setup_inputs()
    print(jax.jit(kernel)(*tuple(_d.values())))

</pallas_src>

<mosaic_0001>
#map = affine_map<(d0, d1) -> (0, 0)>
#map1 = affine_map<(d0, d1) -> (0)>
module attributes {stable_mosaic.version = 14 : i64} {
  func.func @gather_kernel(%arg0: i32, %arg1: i32, %arg2: memref<64x1000000xf32, #tpu.memory_space<hbm>>, %arg3: memref<16384xi32, #tpu.memory_space<hbm>>, %arg4: memref<16384x128xf32, #tpu.memory_space<hbm>>, %arg5: memref<528xi32, #tpu.memory_space<vmem>>, %arg6: memref<7x64x128xf32, #tpu.memory_space<vmem>>, %arg7: memref<512x128xf32, #tpu.memory_space<vmem>>, %arg8: memref<!tpu.dma_semaphore, #tpu.memory_space<semaphore_mem>>) attributes {dimension_semantics = [#tpu.dimension_semantics<core_parallel>, #tpu.dimension_semantics<subcore_parallel>], iteration_bounds = array<i64: 2, 16>, scalar_prefetch = 0 : i64, scratch_operands = 4 : i64, tpu.core_type = #tpu.core_type<sc_vector_subcore>, window_params = [{transform_indices = #map}, {transform_indices = #map1}, {transform_indices = #map}]} {
    %mul3A = arith.constant 2 : i32
    %mul3A_0 = arith.muli %arg1, %mul3A : i32
    %add3A = arith.addi %mul3A_0, %arg0 : i32
    %mul3A_1 = arith.constant 512 : i32
    %mul3A_2 = arith.muli %add3A, %mul3A_1 : i32
    "tpu.region"() ({
      %run_scoped3A = tpu.sem_alloc : memref<!tpu.dma_semaphore, #tpu.memory_space<semaphore_mem>>
      %dma_start3A_152 = arith.constant 0 : i32
      %dma_start3A_153 = tpu.memref_slice %arg5[%dma_start3A_152] : memref<528xi32, #tpu.memory_space<vmem>> -> memref<512xi32, #tpu.memory_space<vmem>>
      %dma_start3A_154 = tpu.memref_slice %arg3[%mul3A_2] : memref<16384xi32, #tpu.memory_space<hbm>> -> memref<512xi32, #tpu.memory_space<hbm>>
      %dma_start3A_155 = arith.constant 0 : i32
      %dma_start3A_156 = tpu.memref_slice %arg5[%dma_start3A_155] : memref<528xi32, #tpu.memory_space<vmem>> -> memref<512xi32, #tpu.memory_space<vmem>>
      %dma_start3A_157 = tpu.memref_slice %arg3[%mul3A_2] : memref<16384xi32, #tpu.memory_space<hbm>> -> memref<512xi32, #tpu.memory_space<hbm>>
      tpu.enqueue_dma source(%dma_start3A_157 : memref<512xi32, #tpu.memory_space<hbm>>) target(%dma_start3A_156 : memref<512xi32, #tpu.memory_space<vmem>>) target_semaphore(%run_scoped3A : memref<!tpu.dma_semaphore, #tpu.memory_space<semaphore_mem>>)
      %dma_wait3A = arith.constant 0 : i32
      %dma_wait3A_158 = tpu.memref_slice %arg5[%dma_wait3A] : memref<528xi32, #tpu.memory_space<vmem>> -> memref<512xi32, #tpu.memory_space<vmem>>
      %dma_wait3A_159 = tpu.memref_slice %arg3[%mul3A_2] : memref<16384xi32, #tpu.memory_space<hbm>> -> memref<512xi32, #tpu.memory_space<hbm>>
      %dma_wait3A_160 = arith.constant 0 : i32
      %dma_wait3A_161 = tpu.memref_slice %arg5[%dma_wait3A_160] : memref<528xi32, #tpu.memory_space<vmem>> -> memref<512xi32, #tpu.memory_space<vmem>>
      %dma_wait3A_162 = tpu.memref_slice %arg3[%mul3A_2] : memref<16384xi32, #tpu.memory_space<hbm>> -> memref<512xi32, #tpu.memory_space<hbm>>
      tpu.wait_dma2 semaphore(%run_scoped3A : memref<!tpu.dma_semaphore, #tpu.memory_space<semaphore_mem>>) src(%dma_wait3A_162 : memref<512xi32, #tpu.memory_space<hbm>>) dst(%dma_wait3A_161 : memref<512xi32, #tpu.memory_space<vmem>>)
      tpu.yield
    }) : () -> ()
    %iota3A = tpu.iota {dimensions = array<i32: 0>} : vector<16xi32>
    %add3A_3 = arith.constant 0 : i32
    %add3A_4 = vector.broadcast %add3A_3 : i32 to vector<16xi32>
    %add3A_5 = arith.addi %iota3A, %add3A_4 : vector<16xi32>
    %iota3A_6 = tpu.iota {dimensions = array<i32: 0>} : vector<16xi32>
    %add3A_7 = arith.constant 16 : i32
    %add3A_8 = vector.broadcast %add3A_7 : i32 to vector<16xi32>
    %add3A_9 = arith.addi %iota3A_6, %add3A_8 : vector<16xi32>
    %iota3A_10 = tpu.iota {dimensions = array<i32: 0>} : vector<16xi32>
    %add3A_11 = arith.constant 32 : i32
    %add3A_12 = vector.broadcast %add3A_11 : i32 to vector<16xi32>
    %add3A_13 = arith.addi %iota3A_10, %add3A_12 : vector<16xi32>
    %iota3A_14 = tpu.iota {dimensions = array<i32: 0>} : vector<16xi32>
    %add3A_15 = arith.constant 48 : i32
    %add3A_16 = vector.broadcast %add3A_15 : i32 to vector<16xi32>
    %add3A_17 = arith.addi %iota3A_14, %add3A_16 : vector<16xi32>
    %get3A = arith.constant 0 : index
    %get3A_18 = tpu.vector_load %arg5[%get3A] {strides = array<i32>} : memref<528xi32, #tpu.memory_space<vmem>>, vector<16xi32>,
    %slice3A = vector.extract_strided_slice %get3A_18 {offsets = [0], sizes = [1], strides = [1]} : vector<16xi32> to vector<1xi32>
    %squeeze3A = vector.extract %slice3A[0] : i32 from vector<1xi32>
    %shift_right_logical3A = arith.constant 7 : i32
    %shift_right_logical3A_19 = arith.shrui %squeeze3A, %shift_right_logical3A : i32
    %mul3A_20 = arith.constant 128 : i32
    %mul3A_21 = arith.muli %shift_right_logical3A_19, %mul3A_20 : i32
    %dma_start3A = arith.constant 0 : i32
    %dma_start3A_22 = arith.constant 0 : i32
    %dma_start3A_23 = arith.constant 0 : i32
    %dma_start3A_24 = tpu.memref_slice %arg6[%dma_start3A, %dma_start3A_22, %dma_start3A_23] : memref<7x64x128xf32, #tpu.memory_space<vmem>> -> memref<1x64x128xf32, #tpu.memory_space<vmem>>
    %dma_start3A_25 = tpu.memref_squeeze %dma_start3A_24 : memref<1x64x128xf32, #tpu.memory_space<vmem>> -> memref<64x128xf32, #tpu.memory_space<vmem>>
    %dma_start3A_26 = arith.constant 0 : i32
    %dma_start3A_27 = tpu.memref_slice %arg2[%dma_start3A_26, %mul3A_21] : memref<64x1000000xf32, #tpu.memory_space<hbm>> -> memref<64x128xf32, #tpu.memory_space<hbm>>
    %dma_start3A_28 = arith.constant 0 : i32
    %dma_start3A_29 = arith.constant 0 : i32
    %dma_start3A_30 = tpu.memref_slice %arg6[%dma_start3A, %dma_start3A_28, %dma_start3A_29] : memref<7x64x128xf32, #tpu.memory_space<vmem>> -> memref<1x64x128xf32, #tpu.memory_space<vmem>>
    %dma_start3A_31 = tpu.memref_squeeze %dma_start3A_30 : memref<1x64x128xf32, #tpu.memory_space<vmem>> -> memref<64x128xf32, #tpu.memory_space<vmem>>
    %dma_start3A_32 = arith.constant 0 : i32
    %dma_start3A_33 = tpu.memref_slice %arg2[%dma_start3A_32, %mul3A_21] : memref<64x1000000xf32, #tpu.memory_space<hbm>> -> memref<64x128xf32, #tpu.memory_space<hbm>>
    tpu.enqueue_dma source(%dma_start3A_33 : memref<64x128xf32, #tpu.memory_space<hbm>>) target(%dma_start3A_31 : memref<64x128xf32, #tpu.memory_space<vmem>>) target_semaphore(%arg8 : memref<!tpu.dma_semaphore, #tpu.memory_space<semaphore_mem>>)
    %slice3A_34 = vector.extract_strided_slice %get3A_18 {offsets = [1], sizes = [1], strides = [1]} : vector<16xi32> to vector<1xi32>
    %squeeze3A_35 = vector.extract %slice3A_34[0] : i32 from vector<1xi32>
    %shift_right_logical3A_36 = arith.constant 7 : i32
    %shift_right_logical3A_37 = arith.shrui %squeeze3A_35, %shift_right_logical3A_36 : i32
    %mul3A_38 = arith.constant 128 : i32
    %mul3A_39 = arith.muli %shift_right_logical3A_37, %mul3A_38 : i32
    %dma_start3A_40 = arith.constant 1 : i32
    %dma_start3A_41 = arith.constant 0 : i32
    %dma_start3A_42 = arith.constant 0 : i32
    %dma_start3A_43 = tpu.memref_slice %arg6[%dma_start3A_40, %dma_start3A_41, %dma_start3A_42] : memref<7x64x128xf32, #tpu.memory_space<vmem>> -> memref<1x64x128xf32, #tpu.memory_space<vmem>>
    %dma_start3A_44 = tpu.memref_squeeze %dma_start3A_43 : memref<1x64x128xf32, #tpu.memory_space<vmem>> -> memref<64x128xf32, #tpu.memory_space<vmem>>
    %dma_start3A_45 = arith.constant 0 : i32
    %dma_start3A_46 = tpu.memref_slice %arg2[%dma_start3A_45, %mul3A_39] : memref<64x1000000xf32, #tpu.memory_space<hbm>> -> memref<64x128xf32, #tpu.memory_space<hbm>>
    %dma_start3A_47 = arith.constant 0 : i32
    %dma_start3A_48 = arith.constant 0 : i32
    %dma_start3A_49 = tpu.memref_slice %arg6[%dma_start3A_40, %dma_start3A_47, %dma_start3A_48] : memref<7x64x128xf32, #tpu.memory_space<vmem>> -> memref<1x64x128xf32, #tpu.memory_space<vmem>>
    %dma_start3A_50 = tpu.memref_squeeze %dma_start3A_49 : memref<1x64x128xf32, #tpu.memory_space<vmem>> -> memref<64x128xf32, #tpu.memory_space<vmem>>
    %dma_start3A_51 = arith.constant 0 : i32
    %dma_start3A_52 = tpu.memref_slice %arg2[%dma_start3A_51, %mul3A_39] : memref<64x1000000xf32, #tpu.memory_space<hbm>> -> memref<64x128xf32, #tpu.memory_space<hbm>>
    tpu.enqueue_dma source(%dma_start3A_52 : memref<64x128xf32, #tpu.memory_space<hbm>>) target(%dma_start3A_50 : memref<64x128xf32, #tpu.memory_space<vmem>>) target_semaphore(%arg8 : memref<!tpu.dma_semaphore, #tpu.memory_space<semaphore_mem>>)
    %slice3A_53 = vector.extract_strided_slice %get3A_18 {offsets = [2], sizes = [1], strides = [1]} : vector<16xi32> to vector<1xi32>
    %squeeze3A_54 = vector.extract %slice3A_53[0] : i32 from vector<1xi32>
    %shift_right_logical3A_55 = arith.constant 7 : i32
    %shift_right_logical3A_56 = arith.shrui %squeeze3A_54, %shift_right_logical3A_55 : i32
    %mul3A_57 = arith.constant 128 : i32
    %mul3A_58 = arith.muli %shift_right_logical3A_56, %mul3A_57 : i32
    %dma_start3A_59 = arith.constant 2 : i32
    %dma_start3A_60 = arith.constant 0 : i32
    %dma_start3A_61 = arith.constant 0 : i32
    %dma_start3A_62 = tpu.memref_slice %arg6[%dma_start3A_59, %dma_start3A_60, %dma_start3A_61] : memref<7x64x128xf32, #tpu.memory_space<vmem>> -> memref<1x64x128xf32, #tpu.memory_space<vmem>>
    %dma_start3A_63 = tpu.memref_squeeze %dma_start3A_62 : memref<1x64x128xf32, #tpu.memory_space<vmem>> -> memref<64x128xf32, #tpu.memory_space<vmem>>
    %dma_start3A_64 = arith.constant 0 : i32
    %dma_start3A_65 = tpu.memref_slice %arg2[%dma_start3A_64, %mul3A_58] : memref<64x1000000xf32, #tpu.memory_space<hbm>> -> memref<64x128xf32, #tpu.memory_space<hbm>>
    %dma_start3A_66 = arith.constant 0 : i32
    %dma_start3A_67 = arith.constant 0 : i32
    %dma_start3A_68 = tpu.memref_slice %arg6[%dma_start3A_59, %dma_start3A_66, %dma_start3A_67] : memref<7x64x128xf32, #tpu.memory_space<vmem>> -> memref<1x64x128xf32, #tpu.memory_space<vmem>>
    %dma_start3A_69 = tpu.memref_squeeze %dma_start3A_68 : memref<1x64x128xf32, #tpu.memory_space<vmem>> -> memref<64x128xf32, #tpu.memory_space<vmem>>
    %dma_start3A_70 = arith.constant 0 : i32
    %dma_start3A_71 = tpu.memref_slice %arg2[%dma_start3A_70, %mul3A_58] : memref<64x1000000xf32, #tpu.memory_space<hbm>> -> memref<64x128xf32, #tpu.memory_space<hbm>>
    tpu.enqueue_dma source(%dma_start3A_71 : memref<64x128xf32, #tpu.memory_space<hbm>>) target(%dma_start3A_69 : memref<64x128xf32, #tpu.memory_space<vmem>>) target_semaphore(%arg8 : memref<!tpu.dma_semaphore, #tpu.memory_space<semaphore_mem>>)
    %slice3A_72 = vector.extract_strided_slice %get3A_18 {offsets = [3], sizes = [1], strides = [1]} : vector<16xi32> to vector<1xi32>
    %squeeze3A_73 = vector.extract %slice3A_72[0] : i32 from vector<1xi32>
    %shift_right_logical3A_74 = arith.constant 7 : i32
    %shift_right_logical3A_75 = arith.shrui %squeeze3A_73, %shift_right_logical3A_74 : i32
    %mul3A_76 = arith.constant 128 : i32
    %mul3A_77 = arith.muli %shift_right_logical3A_75, %mul3A_76 : i32
    %dma_start3A_78 = arith.constant 3 : i32
    %dma_start3A_79 = arith.constant 0 : i32
    %dma_start3A_80 = arith.constant 0 : i32
    %dma_start3A_81 = tpu.memref_slice %arg6[%dma_start3A_78, %dma_start3A_79, %dma_start3A_80] : memref<7x64x128xf32, #tpu.memory_space<vmem>> -> memref<1x64x128xf32, #tpu.memory_space<vmem>>
    %dma_start3A_82 = tpu.memref_squeeze %dma_start3A_81 : memref<1x64x128xf32, #tpu.memory_space<vmem>> -> memref<64x128xf32, #tpu.memory_space<vmem>>
    %dma_start3A_83 = arith.constant 0 : i32
    %dma_start3A_84 = tpu.memref_slice %arg2[%dma_start3A_83, %mul3A_77] : memref<64x1000000xf32, #tpu.memory_space<hbm>> -> memref<64x128xf32, #tpu.memory_space<hbm>>
    %dma_start3A_85 = arith.constant 0 : i32
    %dma_start3A_86 = arith.constant 0 : i32
    %dma_start3A_87 = tpu.memref_slice %arg6[%dma_start3A_78, %dma_start3A_85, %dma_start3A_86] : memref<7x64x128xf32, #tpu.memory_space<vmem>> -> memref<1x64x128xf32, #tpu.memory_space<vmem>>
    %dma_start3A_88 = tpu.memref_squeeze %dma_start3A_87 : memref<1x64x128xf32, #tpu.memory_space<vmem>> -> memref<64x128xf32, #tpu.memory_space<vmem>>
    %dma_start3A_89 = arith.constant 0 : i32
    %dma_start3A_90 = tpu.memref_slice %arg2[%dma_start3A_89, %mul3A_77] : memref<64x1000000xf32, #tpu.memory_space<hbm>> -> memref<64x128xf32, #tpu.memory_space<hbm>>
    tpu.enqueue_dma source(%dma_start3A_90 : memref<64x128xf32, #tpu.memory_space<hbm>>) target(%dma_start3A_88 : memref<64x128xf32, #tpu.memory_space<vmem>>) target_semaphore(%arg8 : memref<!tpu.dma_semaphore, #tpu.memory_space<semaphore_mem>>)
    %slice3A_91 = vector.extract_strided_slice %get3A_18 {offsets = [4], sizes = [1], strides = [1]} : vector<16xi32> to vector<1xi32>
    %squeeze3A_92 = vector.extract %slice3A_91[0] : i32 from vector<1xi32>
    %shift_right_logical3A_93 = arith.constant 7 : i32
    %shift_right_logical3A_94 = arith.shrui %squeeze3A_92, %shift_right_logical3A_93 : i32
    %mul3A_95 = arith.constant 128 : i32
    %mul3A_96 = arith.muli %shift_right_logical3A_94, %mul3A_95 : i32
    %dma_start3A_97 = arith.constant 4 : i32
    %dma_start3A_98 = arith.constant 0 : i32
    %dma_start3A_99 = arith.constant 0 : i32
    %dma_start3A_100 = tpu.memref_slice %arg6[%dma_start3A_97, %dma_start3A_98, %dma_start3A_99] : memref<7x64x128xf32, #tpu.memory_space<vmem>> -> memref<1x64x128xf32, #tpu.memory_space<vmem>>
    %dma_start3A_101 = tpu.memref_squeeze %dma_start3A_100 : memref<1x64x128xf32, #tpu.memory_space<vmem>> -> memref<64x128xf32, #tpu.memory_space<vmem>>
    %dma_start3A_102 = arith.constant 0 : i32
    %dma_start3A_103 = tpu.memref_slice %arg2[%dma_start3A_102, %mul3A_96] : memref<64x1000000xf32, #tpu.memory_space<hbm>> -> memref<64x128xf32, #tpu.memory_space<hbm>>
    %dma_start3A_104 = arith.constant 0 : i32
    %dma_start3A_105 = arith.constant 0 : i32
    %dma_start3A_106 = tpu.memref_slice %arg6[%dma_start3A_97, %dma_start3A_104, %dma_start3A_105] : memref<7x64x128xf32, #tpu.memory_space<vmem>> -> memref<1x64x128xf32, #tpu.memory_space<vmem>>
    %dma_start3A_107 = tpu.memref_squeeze %dma_start3A_106 : memref<1x64x128xf32, #tpu.memory_space<vmem>> -> memref<64x128xf32, #tpu.memory_space<vmem>>
    %dma_start3A_108 = arith.constant 0 : i32
    %dma_start3A_109 = tpu.memref_slice %arg2[%dma_start3A_108, %mul3A_96] : memref<64x1000000xf32, #tpu.memory_space<hbm>> -> memref<64x128xf32, #tpu.memory_space<hbm>>
    tpu.enqueue_dma source(%dma_start3A_109 : memref<64x128xf32, #tpu.memory_space<hbm>>) target(%dma_start3A_107 : memref<64x128xf32, #tpu.memory_space<vmem>>) target_semaphore(%arg8 : memref<!tpu.dma_semaphore, #tpu.memory_space<semaphore_mem>>)
    %slice3A_110 = vector.extract_strided_slice %get3A_18 {offsets = [5], sizes = [1], strides = [1]} : vector<16xi32> to vector<1xi32>
    %squeeze3A_111 = vector.extract %slice3A_110[0] : i32 from vector<1xi32>
    %shift_right_logical3A_112 = arith.constant 7 : i32
    %shift_right_logical3A_113 = arith.shrui %squeeze3A_111, %shift_right_logical3A_112 : i32
    %mul3A_114 = arith.constant 128 : i32
    %mul3A_115 = arith.muli %shift_right_logical3A_113, %mul3A_114 : i32
    %dma_start3A_116 = arith.constant 5 : i32
    %dma_start3A_117 = arith.constant 0 : i32
    %dma_start3A_118 = arith.constant 0 : i32
    %dma_start3A_119 = tpu.memref_slice %arg6[%dma_start3A_116, %dma_start3A_117, %dma_start3A_118] : memref<7x64x128xf32, #tpu.memory_space<vmem>> -> memref<1x64x128xf32, #tpu.memory_space<vmem>>
    %dma_start3A_120 = tpu.memref_squeeze %dma_start3A_119 : memref<1x64x128xf32, #tpu.memory_space<vmem>> -> memref<64x128xf32, #tpu.memory_space<vmem>>
    %dma_start3A_121 = arith.constant 0 : i32
    %dma_start3A_122 = tpu.memref_slice %arg2[%dma_start3A_121, %mul3A_115] : memref<64x1000000xf32, #tpu.memory_space<hbm>> -> memref<64x128xf32, #tpu.memory_space<hbm>>
    %dma_start3A_123 = arith.constant 0 : i32
    %dma_start3A_124 = arith.constant 0 : i32
    %dma_start3A_125 = tpu.memref_slice %arg6[%dma_start3A_116, %dma_start3A_123, %dma_start3A_124] : memref<7x64x128xf32, #tpu.memory_space<vmem>> -> memref<1x64x128xf32, #tpu.memory_space<vmem>>
    %dma_start3A_126 = tpu.memref_squeeze %dma_start3A_125 : memref<1x64x128xf32, #tpu.memory_space<vmem>> -> memref<64x128xf32, #tpu.memory_space<vmem>>
    %dma_start3A_127 = arith.constant 0 : i32
    %dma_start3A_128 = tpu.memref_slice %arg2[%dma_start3A_127, %mul3A_115] : memref<64x1000000xf32, #tpu.memory_space<hbm>> -> memref<64x128xf32, #tpu.memory_space<hbm>>
    tpu.enqueue_dma source(%dma_start3A_128 : memref<64x128xf32, #tpu.memory_space<hbm>>) target(%dma_start3A_126 : memref<64x128xf32, #tpu.memory_space<vmem>>) target_semaphore(%arg8 : memref<!tpu.dma_semaphore, #tpu.memory_space<semaphore_mem>>)
    %slice3A_129 = vector.extract_strided_slice %get3A_18 {offsets = [6], sizes = [1], strides = [1]} : vector<16xi32> to vector<1xi32>
    %squeeze3A_130 = vector.extract %slice3A_129[0] : i32 from vector<1xi32>
    %shift_right_logical3A_131 = arith.constant 7 : i32
    %shift_right_logical3A_132 = arith.shrui %squeeze3A_130, %shift_right_logical3A_131 : i32
    %mul3A_133 = arith.constant 128 : i32
    %mul3A_134 = arith.muli %shift_right_logical3A_132, %mul3A_133 : i32
    %dma_start3A_135 = arith.constant 6 : i32
    %dma_start3A_136 = arith.constant 0 : i32
    %dma_start3A_137 = arith.constant 0 : i32
    %dma_start3A_138 = tpu.memref_slice %arg6[%dma_start3A_135, %dma_start3A_136, %dma_start3A_137] : memref<7x64x128xf32, #tpu.memory_space<vmem>> -> memref<1x64x128xf32, #tpu.memory_space<vmem>>
    %dma_start3A_139 = tpu.memref_squeeze %dma_start3A_138 : memref<1x64x128xf32, #tpu.memory_space<vmem>> -> memref<64x128xf32, #tpu.memory_space<vmem>>
    %dma_start3A_140 = arith.constant 0 : i32
    %dma_start3A_141 = tpu.memref_slice %arg2[%dma_start3A_140, %mul3A_134] : memref<64x1000000xf32, #tpu.memory_space<hbm>> -> memref<64x128xf32, #tpu.memory_space<hbm>>
    %dma_start3A_142 = arith.constant 0 : i32
    %dma_start3A_143 = arith.constant 0 : i32
    %dma_start3A_144 = tpu.memref_slice %arg6[%dma_start3A_135, %dma_start3A_142, %dma_start3A_143] : memref<7x64x128xf32, #tpu.memory_space<vmem>> -> memref<1x64x128xf32, #tpu.memory_space<vmem>>
    %dma_start3A_145 = tpu.memref_squeeze %dma_start3A_144 : memref<1x64x128xf32, #tpu.memory_space<vmem>> -> memref<64x128xf32, #tpu.memory_space<vmem>>
    %dma_start3A_146 = arith.constant 0 : i32
    %dma_start3A_147 = tpu.memref_slice %arg2[%dma_start3A_146, %mul3A_134] : memref<64x1000000xf32, #tpu.memory_space<hbm>> -> memref<64x128xf32, #tpu.memory_space<hbm>>
    tpu.enqueue_dma source(%dma_start3A_147 : memref<64x128xf32, #tpu.memory_space<hbm>>) target(%dma_start3A_145 : memref<64x128xf32, #tpu.memory_space<vmem>>) target_semaphore(%arg8 : memref<!tpu.dma_semaphore, #tpu.memory_space<semaphore_mem>>)
    %scan3A = arith.constant 0 : i32
    %scan3A_148 = arith.constant 32 : i32
    %scan3A_149 = arith.addi %scan3A, %scan3A_148 : i32
    %scan3A_150 = arith.constant 1 : i32
    scf.for %scan3A_152 = %scan3A to %scan3A_149 step %scan3A_150  : i32 {
      %mul3A_153 = arith.constant 16 : i32
      %mul3A_154 = arith.muli %scan3A_152, %mul3A_153 : i32
      %get3A_155 = arith.index_cast %mul3A_154 : i32 to index
      %get3A_156 = tpu.vector_load %arg5[%get3A_155] {strides = array<i32>} : memref<528xi32, #tpu.memory_space<vmem>>, vector<16xi32>,
      %add3A_157 = arith.constant 16 : i32
      %add3A_158 = arith.addi %mul3A_154, %add3A_157 : i32
      %get3A_159 = arith.index_cast %add3A_158 : i32 to index
      %get3A_160 = tpu.vector_load %arg5[%get3A_159] {strides = array<i32>} : memref<528xi32, #tpu.memory_space<vmem>>, vector<16xi32>,
      %add3A_161 = arith.constant 0 : i32
      %add3A_162 = arith.addi %mul3A_154, %add3A_161 : i32
      %rem3A = arith.constant 7 : i32
      %rem3A_163 = arith.remsi %add3A_162, %rem3A : i32
      %dma_wait3A = arith.constant 0 : i32
      %dma_wait3A_164 = arith.constant 0 : i32
      %dma_wait3A_165 = tpu.memref_slice %arg6[%rem3A_163, %dma_wait3A, %dma_wait3A_164] : memref<7x64x128xf32, #tpu.memory_space<vmem>> -> memref<1x64x128xf32, #tpu.memory_space<vmem>>
      %dma_wait3A_166 = tpu.memref_squeeze %dma_wait3A_165 : memref<1x64x128xf32, #tpu.memory_space<vmem>> -> memref<64x128xf32, #tpu.memory_space<vmem>>
      %dma_wait3A_167 = arith.constant 0 : i32
      %dma_wait3A_168 = arith.constant 0 : i32
      %dma_wait3A_169 = tpu.memref_slice %arg2[%dma_wait3A_167, %dma_wait3A_168] : memref<64x1000000xf32, #tpu.memory_space<hbm>> -> memref<64x128xf32, #tpu.memory_space<hbm>>
      %dma_wait3A_170 = arith.constant 0 : i32
      %dma_wait3A_171 = arith.constant 0 : i32
      %dma_wait3A_172 = tpu.memref_slice %arg6[%rem3A_163, %dma_wait3A_170, %dma_wait3A_171] : memref<7x64x128xf32, #tpu.memory_space<vmem>> -> memref<1x64x128xf32, #tpu.memory_space<vmem>>
      %dma_wait3A_173 = tpu.memref_squeeze %dma_wait3A_172 : memref<1x64x128xf32, #tpu.memory_space<vmem>> -> memref<64x128xf32, #tpu.memory_space<vmem>>
      %dma_wait3A_174 = arith.constant 0 : i32
      %dma_wait3A_175 = arith.constant 0 : i32
      %dma_wait3A_176 = tpu.memref_slice %arg2[%dma_wait3A_174, %dma_wait3A_175] : memref<64x1000000xf32, #tpu.memory_space<hbm>> -> memref<64x128xf32, #tpu.memory_space<hbm>>
      tpu.wait_dma2 semaphore(%arg8 : memref<!tpu.dma_semaphore, #tpu.memory_space<semaphore_mem>>) src(%dma_wait3A_176 : memref<64x128xf32, #tpu.memory_space<hbm>>) dst(%dma_wait3A_173 : memref<64x128xf32, #tpu.memory_space<vmem>>)
      %slice3A_177 = vector.extract_strided_slice %get3A_156 {offsets = [0], sizes = [1], strides = [1]} : vector<16xi32> to vector<1xi32>
      %squeeze3A_178 = vector.extract %slice3A_177[0] : i32 from vector<1xi32>
      %and3A = arith.constant 127 : i32
      %and3A_179 = arith.andi %squeeze3A_178, %and3A : i32
      %broadcast_in_dim3A = vector.broadcast %and3A_179 : i32 to vector<16xi32>
      %gather3A = arith.constant 0 : i32
      %gather3A_180 = arith.constant 0 : i32
      %gather3A_181 = tpu.memref_slice %arg6[%rem3A_163, %gather3A, %gather3A_180] : memref<7x64x128xf32, #tpu.memory_space<vmem>> -> memref<1x64x128xf32, #tpu.memory_space<vmem>>
      %gather3A_182 = tpu.memref_squeeze %gather3A_181 : memref<1x64x128xf32, #tpu.memory_space<vmem>> -> memref<64x128xf32, #tpu.memory_space<vmem>>
      %gather3A_183 = tpu.vector_load_idx %gather3A_182[%add3A_5, %broadcast_in_dim3A] : memref<64x128xf32, #tpu.memory_space<vmem>>[vector<16xi32>, vector<16xi32>], vector<16xf32>,
      %swap3A = arith.index_cast %add3A_162 : i32 to index
      %swap3A_184 = arith.constant 0 : index
      %swap3A_185 = tpu.vector_load %arg7[%swap3A, %swap3A_184] {strides = array<i32>} : memref<512x128xf32, #tpu.memory_space<vmem>>, vector<16xf32>,
      tpu.vector_store %arg7[%swap3A, %swap3A_184], %gather3A_183 {strides = array<i32>} : memref<512x128xf32, #tpu.memory_space<vmem>>, vector<16xf32>,
      %gather3A_186 = arith.constant 0 : i32
      %gather3A_187 = arith.constant 0 : i32
      %gather3A_188 = tpu.memref_slice %arg6[%rem3A_163, %gather3A_186, %gather3A_187] : memref<7x64x128xf32, #tpu.memory_space<vmem>> -> memref<1x64x128xf32, #tpu.memory_space<vmem>>
      %gather3A_189 = tpu.memref_squeeze %gather3A_188 : memref<1x64x128xf32, #tpu.memory_space<vmem>> -> memref<64x128xf32, #tpu.memory_space<vmem>>
      %gather3A_190 = tpu.vector_load_idx %gather3A_189[%add3A_9, %broadcast_in_dim3A] : memref<64x128xf32, #tpu.memory_space<vmem>>[vector<16xi32>, vector<16xi32>], vector<16xf32>,
      %swap3A_191 = arith.index_cast %add3A_162 : i32 to index
      %swap3A_192 = arith.constant 16 : index
      %swap3A_193 = tpu.vector_load %arg7[%swap3A_191, %swap3A_192] {strides = array<i32>} : memref<512x128xf32, #tpu.memory_space<vmem>>, vector<16xf32>,
      tpu.vector_store %arg7[%swap3A_191, %swap3A_192], %gather3A_190 {strides = array<i32>} : memref<512x128xf32, #tpu.memory_space<vmem>>, vector<16xf32>,
      %gather3A_194 = arith.constant 0 : i32
      %gather3A_195 = arith.constant 0 : i32
      %gather3A_196 = tpu.memref_slice %arg6[%rem3A_163, %gather3A_194, %gather3A_195] : memref<7x64x128xf32, #tpu.memory_space<vmem>> -> memref<1x64x128xf32, #tpu.memory_space<vmem>>
      %gather3A_197 = tpu.memref_squeeze %gather3A_196 : memref<1x64x128xf32, #tpu.memory_space<vmem>> -> memref<64x128xf32, #tpu.memory_space<vmem>>
      %gather3A_198 = tpu.vector_load_idx %gather3A_197[%add3A_13, %broadcast_in_dim3A] : memref<64x128xf32, #tpu.memory_space<vmem>>[vector<16xi32>, vector<16xi32>], vector<16xf32>,
      %swap3A_199 = arith.index_cast %add3A_162 : i32 to index
      %swap3A_200 = arith.constant 32 : index
      %swap3A_201 = tpu.vector_load %arg7[%swap3A_199, %swap3A_200] {strides = array<i32>} : memref<512x128xf32, #tpu.memory_space<vmem>>, vector<16xf32>,
      tpu.vector_store %arg7[%swap3A_199, %swap3A_200], %gather3A_198 {strides = array<i32>} : memref<512x128xf32, #tpu.memory_space<vmem>>, vector<16xf32>,
      %gather3A_202 = arith.constant 0 : i32
      %gather3A_203 = arith.constant 0 : i32
      %gather3A_204 = tpu.memref_slice %arg6[%rem3A_163, %gather3A_202, %gather3A_203] : memref<7x64x128xf32, #tpu.memory_space<vmem>> -> memref<1x64x128xf32, #tpu.memory_space<vmem>>
      %gather3A_205 = tpu.memref_squeeze %gather3A_204 : memref<1x64x128xf32, #tpu.memory_space<vmem>> -> memref<64x128xf32, #tpu.memory_space<vmem>>
      %gather3A_206 = tpu.vector_load_idx %gather3A_205[%add3A_17, %broadcast_in_dim3A] : memref<64x128xf32, #tpu.memory_space<vmem>>[vector<16xi32>, vector<16xi32>], vector<16xf32>,
      %swap3A_207 = arith.index_cast %add3A_162 : i32 to index
      %swap3A_208 = arith.constant 48 : index
      %swap3A_209 = tpu.vector_load %arg7[%swap3A_207, %swap3A_208] {strides = array<i32>} : memref<512x128xf32, #tpu.memory_space<vmem>>, vector<16xf32>,
      tpu.vector_store %arg7[%swap3A_207, %swap3A_208], %gather3A_206 {strides = array<i32>} : memref<512x128xf32, #tpu.memory_space<vmem>>, vector<16xf32>,
      %slice3A_210 = vector.extract_strided_slice %get3A_156 {offsets = [7], sizes = [1], strides = [1]} : vector<16xi32> to vector<1xi32>
      %squeeze3A_211 = vector.extract %slice3A_210[0] : i32 from vector<1xi32>
      %add3A_212 = arith.constant 7 : i32
      %add3A_213 = arith.addi %add3A_162, %add3A_212 : i32
      %lt3A = arith.constant 512 : i32
      %lt3A_214 = arith.cmpi slt, %add3A_213, %lt3A : i32
      %convert_element_type3A = arith.extui %lt3A_214 : i1 to i32
      %cond3A = arith.constant 0 : i32
      %cond3A_215 = arith.cmpi ne, %convert_element_type3A, %cond3A : i32
      scf.if %cond3A_215 {
        %shift_right_logical3A_1176 = arith.constant 7 : i32
        %shift_right_logical3A_1177 = arith.shrui %squeeze3A_211, %shift_right_logical3A_1176 : i32
        %mul3A_1178 = arith.constant 128 : i32
        %mul3A_1179 = arith.muli %shift_right_logical3A_1177, %mul3A_1178 : i32
        %dma_start3A_1180 = arith.constant 0 : i32
        %dma_start3A_1181 = arith.constant 0 : i32
        %dma_start3A_1182 = tpu.memref_slice %arg6[%rem3A_163, %dma_start3A_1180, %dma_start3A_1181] : memref<7x64x128xf32, #tpu.memory_space<vmem>> -> memref<1x64x128xf32, #tpu.memory_space<vmem>>
        %dma_start3A_1183 = tpu.memref_squeeze %dma_start3A_1182 : memref<1x64x128xf32, #tpu.memory_space<vmem>> -> memref<64x128xf32, #tpu.memory_space<vmem>>
        %dma_start3A_1184 = arith.constant 0 : i32
        %dma_start3A_1185 = tpu.memref_slice %arg2[%dma_start3A_1184, %mul3A_1179] : memref<64x1000000xf32, #tpu.memory_space<hbm>> -> memref<64x128xf32, #tpu.memory_space<hbm>>
        %dma_start3A_1186 = arith.constant 0 : i32
        %dma_start3A_1187 = arith.constant 0 : i32
        %dma_start3A_1188 = tpu.memref_slice %arg6[%rem3A_163, %dma_start3A_1186, %dma_start3A_1187] : memref<7x64x128xf32, #tpu.memory_space<vmem>> -> memref<1x64x128xf32, #tpu.memory_space<vmem>>
        %dma_start3A_1189 = tpu.memref_squeeze %dma_start3A_1188 : memref<1x64x128xf32, #tpu.memory_space<vmem>> -> memref<64x128xf32, #tpu.memory_space<vmem>>
        %dma_start3A_1190 = arith.constant 0 : i32
        %dma_start3A_1191 = tpu.memref_slice %arg2[%dma_start3A_1190, %mul3A_1179] : memref<64x1000000xf32, #tpu.memory_space<hbm>> -> memref<64x128xf32, #tpu.memory_space<hbm>>
        tpu.enqueue_dma source(%dma_start3A_1191 : memref<64x128xf32, #tpu.memory_space<hbm>>) target(%dma_start3A_1189 : memref<64x128xf32, #tpu.memory_space<vmem>>) target_semaphore(%arg8 : memref<!tpu.dma_semaphore, #tpu.memory_space<semaphore_mem>>)
      } else {
      }
      %add3A_216 = arith.constant 1 : i32
      %add3A_217 = arith.addi %mul3A_154, %add3A_216 : i32
      %rem3A_218 = arith.constant 7 : i32
      %rem3A_219 = arith.remsi %add3A_217, %rem3A_218 : i32
      %dma_wait3A_220 = arith.constant 0 : i32
      %dma_wait3A_221 = arith.constant 0 : i32
      %dma_wait3A_222 = tpu.memref_slice %arg6[%rem3A_219, %dma_wait3A_220, %dma_wait3A_221] : memref<7x64x128xf32, #tpu.memory_space<vmem>> -> memref<1x64x128xf32, #tpu.memory_space<vmem>>
      %dma_wait3A_223 = tpu.memref_squeeze %dma_wait3A_222 : memref<1x64x128xf32, #tpu.memory_space<vmem>> -> memref<64x128xf32, #tpu.memory_space<vmem>>
      %dma_wait3A_224 = arith.constant 0 : i32
      %dma_wait3A_225 = arith.constant 0 : i32
      %dma_wait3A_226 = tpu.memref_slice %arg2[%dma_wait3A_224, %dma_wait3A_225] : memref<64x1000000xf32, #tpu.memory_space<hbm>> -> memref<64x128xf32, #tpu.memory_space<hbm>>
      %dma_wait3A_227 = arith.constant 0 : i32
      %dma_wait3A_228 = arith.constant 0 : i32
      %dma_wait3A_229 = tpu.memref_slice %arg6[%rem3A_219, %dma_wait3A_227, %dma_wait3A_228] : memref<7x64x128xf32, #tpu.memory_space<vmem>> -> memref<1x64x128xf32, #tpu.memory_space<vmem>>
      %dma_wait3A_230 = tpu.memref_squeeze %dma_wait3A_229 : memref<1x64x128xf32, #tpu.memory_space<vmem>> -> memref<64x128xf32, #tpu.memory_space<vmem>>
      %dma_wait3A_231 = arith.constant 0 : i32
      %dma_wait3A_232 = arith.constant 0 : i32
      %dma_wait3A_233 = tpu.memref_slice %arg2[%dma_wait3A_231, %dma_wait3A_232] : memref<64x1000000xf32, #tpu.memory_space<hbm>> -> memref<64x128xf32, #tpu.memory_space<hbm>>
      tpu.wait_dma2 semaphore(%arg8 : memref<!tpu.dma_semaphore, #tpu.memory_space<semaphore_mem>>) src(%dma_wait3A_233 : memref<64x128xf32, #tpu.memory_space<hbm>>) dst(%dma_wait3A_230 : memref<64x128xf32, #tpu.memory_space<vmem>>)
      %slice3A_234 = vector.extract_strided_slice %get3A_156 {offsets = [1], sizes = [1], strides = [1]} : vector<16xi32> to vector<1xi32>
      %squeeze3A_235 = vector.extract %slice3A_234[0] : i32 from vector<1xi32>
      %and3A_236 = arith.constant 127 : i32
      %and3A_237 = arith.andi %squeeze3A_235, %and3A_236 : i32
      %broadcast_in_dim3A_238 = vector.broadcast %and3A_237 : i32 to vector<16xi32>
      %gather3A_239 = arith.constant 0 : i32
      %gather3A_240 = arith.constant 0 : i32
      %gather3A_241 = tpu.memref_slice %arg6[%rem3A_219, %gather3A_239, %gather3A_240] : memref<7x64x128xf32, #tpu.memory_space<vmem>> -> memref<1x64x128xf32, #tpu.memory_space<vmem>>
      %gather3A_242 = tpu.memref_squeeze %gather3A_241 : memref<1x64x128xf32, #tpu.memory_space<vmem>> -> memref<64x128xf32, #tpu.memory_space<vmem>>
      %gather3A_243 = tpu.vector_load_idx %gather3A_242[%add3A_5, %broadcast_in_dim3A_238] : memref<64x128xf32, #tpu.memory_space<vmem>>[vector<16xi32>, vector<16xi32>], vector<16xf32>,
      %swap3A_244 = arith.index_cast %add3A_217 : i32 to index
      %swap3A_245 = arith.constant 0 : index
      %swap3A_246 = tpu.vector_load %arg7[%swap3A_244, %swap3A_245] {strides = array<i32>} : memref<512x128xf32, #tpu.memory_space<vmem>>, vector<16xf32>,
      tpu.vector_store %arg7[%swap3A_244, %swap3A_245], %gather3A_243 {strides = array<i32>} : memref<512x128xf32, #tpu.memory_space<vmem>>, vector<16xf32>,
      %gather3A_247 = arith.constant 0 : i32
      %gather3A_248 = arith.constant 0 : i32
      %gather3A_249 = tpu.memref_slice %arg6[%rem3A_219, %gather3A_247, %gather3A_248] : memref<7x64x128xf32, #tpu.memory_space<vmem>> -> memref<1x64x128xf32, #tpu.memory_space<vmem>>
      %gather3A_250 = tpu.memref_squeeze %gather3A_249 : memref<1x64x128xf32, #tpu.memory_space<vmem>> -> memref<64x128xf32, #tpu.memory_space<vmem>>
      %gather3A_251 = tpu.vector_load_idx %gather3A_250[%add3A_9, %broadcast_in_dim3A_238] : memref<64x128xf32, #tpu.memory_space<vmem>>[vector<16xi32>, vector<16xi32>], vector<16xf32>,
      %swap3A_252 = arith.index_cast %add3A_217 : i32 to index
      %swap3A_253 = arith.constant 16 : index
      %swap3A_254 = tpu.vector_load %arg7[%swap3A_252, %swap3A_253] {strides = array<i32>} : memref<512x128xf32, #tpu.memory_space<vmem>>, vector<16xf32>,
      tpu.vector_store %arg7[%swap3A_252, %swap3A_253], %gather3A_251 {strides = array<i32>} : memref<512x128xf32, #tpu.memory_space<vmem>>, vector<16xf32>,
      %gather3A_255 = arith.constant 0 : i32
      %gather3A_256 = arith.constant 0 : i32
      %gather3A_257 = tpu.memref_slice %arg6[%rem3A_219, %gather3A_255, %gather3A_256] : memref<7x64x128xf32, #tpu.memory_space<vmem>> -> memref<1x64x128xf32, #tpu.memory_space<vmem>>
      %gather3A_258 = tpu.memref_squeeze %gather3A_257 : memref<1x64x128xf32, #tpu.memory_space<vmem>> -> memref<64x128xf32, #tpu.memory_space<vmem>>
      %gather3A_259 = tpu.vector_load_idx %gather3A_258[%add3A_13, %broadcast_in_dim3A_238] : memref<64x128xf32, #tpu.memory_space<vmem>>[vector<16xi32>, vector<16xi32>], vector<16xf32>,
      %swap3A_260 = arith.index_cast %add3A_217 : i32 to index
      %swap3A_261 = arith.constant 32 : index
      %swap3A_262 = tpu.vector_load %arg7[%swap3A_260, %swap3A_261] {strides = array<i32>} : memref<512x128xf32, #tpu.memory_space<vmem>>, vector<16xf32>,
      tpu.vector_store %arg7[%swap3A_260, %swap3A_261], %gather3A_259 {strides = array<i32>} : memref<512x128xf32, #tpu.memory_space<vmem>>, vector<16xf32>,
      %gather3A_263 = arith.constant 0 : i32
      %gather3A_264 = arith.constant 0 : i32
      %gather3A_265 = tpu.memref_slice %arg6[%rem3A_219, %gather3A_263, %gather3A_264] : memref<7x64x128xf32, #tpu.memory_space<vmem>> -> memref<1x64x128xf32, #tpu.memory_space<vmem>>
      %gather3A_266 = tpu.memref_squeeze %gather3A_265 : memref<1x64x128xf32, #tpu.memory_space<vmem>> -> memref<64x128xf32, #tpu.memory_space<vmem>>
      %gather3A_267 = tpu.vector_load_idx %gather3A_266[%add3A_17, %broadcast_in_dim3A_238] : memref<64x128xf32, #tpu.memory_space<vmem>>[vector<16xi32>, vector<16xi32>], vector<16xf32>,
      %swap3A_268 = arith.index_cast %add3A_217 : i32 to index
      %swap3A_269 = arith.constant 48 : index
      %swap3A_270 = tpu.vector_load %arg7[%swap3A_268, %swap3A_269] {strides = array<i32>} : memref<512x128xf32, #tpu.memory_space<vmem>>, vector<16xf32>,
      tpu.vector_store %arg7[%swap3A_268, %swap3A_269], %gather3A_267 {strides = array<i32>} : memref<512x128xf32, #tpu.memory_space<vmem>>, vector<16xf32>,
      %slice3A_271 = vector.extract_strided_slice %get3A_156 {offsets = [8], sizes = [1], strides = [1]} : vector<16xi32> to vector<1xi32>
      %squeeze3A_272 = vector.extract %slice3A_271[0] : i32 from vector<1xi32>
      %add3A_273 = arith.constant 7 : i32
      %add3A_274 = arith.addi %add3A_217, %add3A_273 : i32
      %lt3A_275 = arith.constant 512 : i32
      %lt3A_276 = arith.cmpi slt, %add3A_274, %lt3A_275 : i32
      %convert_element_type3A_277 = arith.extui %lt3A_276 : i1 to i32
      %cond3A_278 = arith.constant 0 : i32
      %cond3A_279 = arith.cmpi ne, %convert_element_type3A_277, %cond3A_278 : i32
      scf.if %cond3A_279 {
        %shift_right_logical3A_1176 = arith.constant 7 : i32
        %shift_right_logical3A_1177 = arith.shrui %squeeze3A_272, %shift_right_logical3A_1176 : i32
        %mul3A_1178 = arith.constant 128 : i32
        %mul3A_1179 = arith.muli %shift_right_logical3A_1177, %mul3A_1178 : i32
        %dma_start3A_1180 = arith.constant 0 : i32
        %dma_start3A_1181 = arith.constant 0 : i32
        %dma_start3A_1182 = tpu.memref_slice %arg6[%rem3A_219, %dma_start3A_1180, %dma_start3A_1181] : memref<7x64x128xf32, #tpu.memory_space<vmem>> -> memref<1x64x128xf32, #tpu.memory_space<vmem>>
        %dma_start3A_1183 = tpu.memref_squeeze %dma_start3A_1182 : memref<1x64x128xf32, #tpu.memory_space<vmem>> -> memref<64x128xf32, #tpu.memory_space<vmem>>
        %dma_start3A_1184 = arith.constant 0 : i32
        %dma_start3A_1185 = tpu.memref_slice %arg2[%dma_start3A_1184, %mul3A_1179] : memref<64x1000000xf32, #tpu.memory_space<hbm>> -> memref<64x128xf32, #tpu.memory_space<hbm>>
        %dma_start3A_1186 = arith.constant 0 : i32
        %dma_start3A_1187 = arith.constant 0 : i32
        %dma_start3A_1188 = tpu.memref_slice %arg6[%rem3A_219, %dma_start3A_1186, %dma_start3A_1187] : memref<7x64x128xf32, #tpu.memory_space<vmem>> -> memref<1x64x128xf32, #tpu.memory_space<vmem>>
        %dma_start3A_1189 = tpu.memref_squeeze %dma_start3A_1188 : memref<1x64x128xf32, #tpu.memory_space<vmem>> -> memref<64x128xf32, #tpu.memory_space<vmem>>
        %dma_start3A_1190 = arith.constant 0 : i32
        %dma_start3A_1191 = tpu.memref_slice %arg2[%dma_start3A_1190, %mul3A_1179] : memref<64x1000000xf32, #tpu.memory_space<hbm>> -> memref<64x128xf32, #tpu.memory_space<hbm>>
        tpu.enqueue_dma source(%dma_start3A_1191 : memref<64x128xf32, #tpu.memory_space<hbm>>) target(%dma_start3A_1189 : memref<64x128xf32, #tpu.memory_space<vmem>>) target_semaphore(%arg8 : memref<!tpu.dma_semaphore, #tpu.memory_space<semaphore_mem>>)
      } else {
      }
      %add3A_280 = arith.constant 2 : i32
      %add3A_281 = arith.addi %mul3A_154, %add3A_280 : i32
      %rem3A_282 = arith.constant 7 : i32
      %rem3A_283 = arith.remsi %add3A_281, %rem3A_282 : i32
      %dma_wait3A_284 = arith.constant 0 : i32
      %dma_wait3A_285 = arith.constant 0 : i32
      %dma_wait3A_286 = tpu.memref_slice %arg6[%rem3A_283, %dma_wait3A_284, %dma_wait3A_285] : memref<7x64x128xf32, #tpu.memory_space<vmem>> -> memref<1x64x128xf32, #tpu.memory_space<vmem>>
      %dma_wait3A_287 = tpu.memref_squeeze %dma_wait3A_286 : memref<1x64x128xf32, #tpu.memory_space<vmem>> -> memref<64x128xf32, #tpu.memory_space<vmem>>
      %dma_wait3A_288 = arith.constant 0 : i32
      %dma_wait3A_289 = arith.constant 0 : i32
      %dma_wait3A_290 = tpu.memref_slice %arg2[%dma_wait3A_288, %dma_wait3A_289] : memref<64x1000000xf32, #tpu.memory_space<hbm>> -> memref<64x128xf32, #tpu.memory_space<hbm>>
      %dma_wait3A_291 = arith.constant 0 : i32
      %dma_wait3A_292 = arith.constant 0 : i32
      %dma_wait3A_293 = tpu.memref_slice %arg6[%rem3A_283, %dma_wait3A_291, %dma_wait3A_292] : memref<7x64x128xf32, #tpu.memory_space<vmem>> -> memref<1x64x128xf32, #tpu.memory_space<vmem>>
      %dma_wait3A_294 = tpu.memref_squeeze %dma_wait3A_293 : memref<1x64x128xf32, #tpu.memory_space<vmem>> -> memref<64x128xf32, #tpu.memory_space<vmem>>
      %dma_wait3A_295 = arith.constant 0 : i32
      %dma_wait3A_296 = arith.constant 0 : i32
      %dma_wait3A_297 = tpu.memref_slice %arg2[%dma_wait3A_295, %dma_wait3A_296] : memref<64x1000000xf32, #tpu.memory_space<hbm>> -> memref<64x128xf32, #tpu.memory_space<hbm>>
      tpu.wait_dma2 semaphore(%arg8 : memref<!tpu.dma_semaphore, #tpu.memory_space<semaphore_mem>>) src(%dma_wait3A_297 : memref<64x128xf32, #tpu.memory_space<hbm>>) dst(%dma_wait3A_294 : memref<64x128xf32, #tpu.memory_space<vmem>>)
      %slice3A_298 = vector.extract_strided_slice %get3A_156 {offsets = [2], sizes = [1], strides = [1]} : vector<16xi32> to vector<1xi32>
      %squeeze3A_299 = vector.extract %slice3A_298[0] : i32 from vector<1xi32>
      %and3A_300 = arith.constant 127 : i32
      %and3A_301 = arith.andi %squeeze3A_299, %and3A_300 : i32
      %broadcast_in_dim3A_302 = vector.broadcast %and3A_301 : i32 to vector<16xi32>
      %gather3A_303 = arith.constant 0 : i32
      %gather3A_304 = arith.constant 0 : i32
      %gather3A_305 = tpu.memref_slice %arg6[%rem3A_283, %gather3A_303, %gather3A_304] : memref<7x64x128xf32, #tpu.memory_space<vmem>> -> memref<1x64x128xf32, #tpu.memory_space<vmem>>
      %gather3A_306 = tpu.memref_squeeze %gather3A_305 : memref<1x64x128xf32, #tpu.memory_space<vmem>> -> memref<64x128xf32, #tpu.memory_space<vmem>>
      %gather3A_307 = tpu.vector_load_idx %gather3A_306[%add3A_5, %broadcast_in_dim3A_302] : memref<64x128xf32, #tpu.memory_space<vmem>>[vector<16xi32>, vector<16xi32>], vector<16xf32>,
      %swap3A_308 = arith.index_cast %add3A_281 : i32 to index
      %swap3A_309 = arith.constant 0 : index
      %swap3A_310 = tpu.vector_load %arg7[%swap3A_308, %swap3A_309] {strides = array<i32>} : memref<512x128xf32, #tpu.memory_space<vmem>>, vector<16xf32>,
      tpu.vector_store %arg7[%swap3A_308, %swap3A_309], %gather3A_307 {strides = array<i32>} : memref<512x128xf32, #tpu.memory_space<vmem>>, vector<16xf32>,
      %gather3A_311 = arith.constant 0 : i32
      %gather3A_312 = arith.constant 0 : i32
      %gather3A_313 = tpu.memref_slice %arg6[%rem3A_283, %gather3A_311, %gather3A_312] : memref<7x64x128xf32, #tpu.memory_space<vmem>> -> memref<1x64x128xf32, #tpu.memory_space<vmem>>
      %gather3A_314 = tpu.memref_squeeze %gather3A_313 : memref<1x64x128xf32, #tpu.memory_space<vmem>> -> memref<64x128xf32, #tpu.memory_space<vmem>>
      %gather3A_315 = tpu.vector_load_idx %gather3A_314[%add3A_9, %broadcast_in_dim3A_302] : memref<64x128xf32, #tpu.memory_space<vmem>>[vector<16xi32>, vector<16xi32>], vector<16xf32>,
      %swap3A_316 = arith.index_cast %add3A_281 : i32 to index
      %swap3A_317 = arith.constant 16 : index
      %swap3A_318 = tpu.vector_load %arg7[%swap3A_316, %swap3A_317] {strides = array<i32>} : memref<512x128xf32, #tpu.memory_space<vmem>>, vector<16xf32>,
      tpu.vector_store %arg7[%swap3A_316, %swap3A_317], %gather3A_315 {strides = array<i32>} : memref<512x128xf32, #tpu.memory_space<vmem>>, vector<16xf32>,
      %gather3A_319 = arith.constant 0 : i32
      %gather3A_320 = arith.constant 0 : i32
      %gather3A_321 = tpu.memref_slice %arg6[%rem3A_283, %gather3A_319, %gather3A_320] : memref<7x64x128xf32, #tpu.memory_space<vmem>> -> memref<1x64x128xf32, #tpu.memory_space<vmem>>
      %gather3A_322 = tpu.memref_squeeze %gather3A_321 : memref<1x64x128xf32, #tpu.memory_space<vmem>> -> memref<64x128xf32, #tpu.memory_space<vmem>>
      %gather3A_323 = tpu.vector_load_idx %gather3A_322[%add3A_13, %broadcast_in_dim3A_302] : memref<64x128xf32, #tpu.memory_space<vmem>>[vector<16xi32>, vector<16xi32>], vector<16xf32>,
      %swap3A_324 = arith.index_cast %add3A_281 : i32 to index
      %swap3A_325 = arith.constant 32 : index
      %swap3A_326 = tpu.vector_load %arg7[%swap3A_324, %swap3A_325] {strides = array<i32>} : memref<512x128xf32, #tpu.memory_space<vmem>>, vector<16xf32>,
      tpu.vector_store %arg7[%swap3A_324, %swap3A_325], %gather3A_323 {strides = array<i32>} : memref<512x128xf32, #tpu.memory_space<vmem>>, vector<16xf32>,
      %gather3A_327 = arith.constant 0 : i32
      %gather3A_328 = arith.constant 0 : i32
      %gather3A_329 = tpu.memref_slice %arg6[%rem3A_283, %gather3A_327, %gather3A_328] : memref<7x64x128xf32, #tpu.memory_space<vmem>> -> memref<1x64x128xf32, #tpu.memory_space<vmem>>
      %gather3A_330 = tpu.memref_squeeze %gather3A_329 : memref<1x64x128xf32, #tpu.memory_space<vmem>> -> memref<64x128xf32, #tpu.memory_space<vmem>>
      %gather3A_331 = tpu.vector_load_idx %gather3A_330[%add3A_17, %broadcast_in_dim3A_302] : memref<64x128xf32, #tpu.memory_space<vmem>>[vector<16xi32>, vector<16xi32>], vector<16xf32>,
      %swap3A_332 = arith.index_cast %add3A_281 : i32 to index
      %swap3A_333 = arith.constant 48 : index
      %swap3A_334 = tpu.vector_load %arg7[%swap3A_332, %swap3A_333] {strides = array<i32>} : memref<512x128xf32, #tpu.memory_space<vmem>>, vector<16xf32>,
      tpu.vector_store %arg7[%swap3A_332, %swap3A_333], %gather3A_331 {strides = array<i32>} : memref<512x128xf32, #tpu.memory_space<vmem>>, vector<16xf32>,
      %slice3A_335 = vector.extract_strided_slice %get3A_156 {offsets = [9], sizes = [1], strides = [1]} : vector<16xi32> to vector<1xi32>
      %squeeze3A_336 = vector.extract %slice3A_335[0] : i32 from vector<1xi32>
      %add3A_337 = arith.constant 7 : i32
      %add3A_338 = arith.addi %add3A_281, %add3A_337 : i32
      %lt3A_339 = arith.constant 512 : i32
      %lt3A_340 = arith.cmpi slt, %add3A_338, %lt3A_339 : i32
      %convert_element_type3A_341 = arith.extui %lt3A_340 : i1 to i32
      %cond3A_342 = arith.constant 0 : i32
      %cond3A_343 = arith.cmpi ne, %convert_element_type3A_341, %cond3A_342 : i32
      scf.if %cond3A_343 {
        %shift_right_logical3A_1176 = arith.constant 7 : i32
        %shift_right_logical3A_1177 = arith.shrui %squeeze3A_336, %shift_right_logical3A_1176 : i32
        %mul3A_1178 = arith.constant 128 : i32
        %mul3A_1179 = arith.muli %shift_right_logical3A_1177, %mul3A_1178 : i32
        %dma_start3A_1180 = arith.constant 0 : i32
        %dma_start3A_1181 = arith.constant 0 : i32
        %dma_start3A_1182 = tpu.memref_slice %arg6[%rem3A_283, %dma_start3A_1180, %dma_start3A_1181] : memref<7x64x128xf32, #tpu.memory_space<vmem>> -> memref<1x64x128xf32, #tpu.memory_space<vmem>>
        %dma_start3A_1183 = tpu.memref_squeeze %dma_start3A_1182 : memref<1x64x128xf32, #tpu.memory_space<vmem>> -> memref<64x128xf32, #tpu.memory_space<vmem>>
        %dma_start3A_1184 = arith.constant 0 : i32
        %dma_start3A_1185 = tpu.memref_slice %arg2[%dma_start3A_1184, %mul3A_1179] : memref<64x1000000xf32, #tpu.memory_space<hbm>> -> memref<64x128xf32, #tpu.memory_space<hbm>>
        %dma_start3A_1186 = arith.constant 0 : i32
        %dma_start3A_1187 = arith.constant 0 : i32
        %dma_start3A_1188 = tpu.memref_slice %arg6[%rem3A_283, %dma_start3A_1186, %dma_start3A_1187] : memref<7x64x128xf32, #tpu.memory_space<vmem>> -> memref<1x64x128xf32, #tpu.memory_space<vmem>>
        %dma_start3A_1189 = tpu.memref_squeeze %dma_start3A_1188 : memref<1x64x128xf32, #tpu.memory_space<vmem>> -> memref<64x128xf32, #tpu.memory_space<vmem>>
        %dma_start3A_1190 = arith.constant 0 : i32
        %dma_start3A_1191 = tpu.memref_slice %arg2[%dma_start3A_1190, %mul3A_1179] : memref<64x1000000xf32, #tpu.memory_space<hbm>> -> memref<64x128xf32, #tpu.memory_space<hbm>>
        tpu.enqueue_dma source(%dma_start3A_1191 : memref<64x128xf32, #tpu.memory_space<hbm>>) target(%dma_start3A_1189 : memref<64x128xf32, #tpu.memory_space<vmem>>) target_semaphore(%arg8 : memref<!tpu.dma_semaphore, #tpu.memory_space<semaphore_mem>>)
      } else {
      }
      %add3A_344 = arith.constant 3 : i32
      %add3A_345 = arith.addi %mul3A_154, %add3A_344 : i32
      %rem3A_346 = arith.constant 7 : i32
      %rem3A_347 = arith.remsi %add3A_345, %rem3A_346 : i32
      %dma_wait3A_348 = arith.constant 0 : i32
      %dma_wait3A_349 = arith.constant 0 : i32
      %dma_wait3A_350 = tpu.memref_slice %arg6[%rem3A_347, %dma_wait3A_348, %dma_wait3A_349] : memref<7x64x128xf32, #tpu.memory_space<vmem>> -> memref<1x64x128xf32, #tpu.memory_space<vmem>>
      %dma_wait3A_351 = tpu.memref_squeeze %dma_wait3A_350 : memref<1x64x128xf32, #tpu.memory_space<vmem>> -> memref<64x128xf32, #tpu.memory_space<vmem>>
      %dma_wait3A_352 = arith.constant 0 : i32
      %dma_wait3A_353 = arith.constant 0 : i32
      %dma_wait3A_354 = tpu.memref_slice %arg2[%dma_wait3A_352, %dma_wait3A_353] : memref<64x1000000xf32, #tpu.memory_space<hbm>> -> memref<64x128xf32, #tpu.memory_space<hbm>>
      %dma_wait3A_355 = arith.constant 0 : i32
      %dma_wait3A_356 = arith.constant 0 : i32
      %dma_wait3A_357 = tpu.memref_slice %arg6[%rem3A_347, %dma_wait3A_355, %dma_wait3A_356] : memref<7x64x128xf32, #tpu.memory_space<vmem>> -> memref<1x64x128xf32, #tpu.memory_space<vmem>>
      %dma_wait3A_358 = tpu.memref_squeeze %dma_wait3A_357 : memref<1x64x128xf32, #tpu.memory_space<vmem>> -> memref<64x128xf32, #tpu.memory_space<vmem>>
      %dma_wait3A_359 = arith.constant 0 : i32
      %dma_wait3A_360 = arith.constant 0 : i32
      %dma_wait3A_361 = tpu.memref_slice %arg2[%dma_wait3A_359, %dma_wait3A_360] : memref<64x1000000xf32, #tpu.memory_space<hbm>> -> memref<64x128xf32, #tpu.memory_space<hbm>>
      tpu.wait_dma2 semaphore(%arg8 : memref<!tpu.dma_semaphore, #tpu.memory_space<semaphore_mem>>) src(%dma_wait3A_361 : memref<64x128xf32, #tpu.memory_space<hbm>>) dst(%dma_wait3A_358 : memref<64x128xf32, #tpu.memory_space<vmem>>)
      %slice3A_362 = vector.extract_strided_slice %get3A_156 {offsets = [3], sizes = [1], strides = [1]} : vector<16xi32> to vector<1xi32>
      %squeeze3A_363 = vector.extract %slice3A_362[0] : i32 from vector<1xi32>
      %and3A_364 = arith.constant 127 : i32
      %and3A_365 = arith.andi %squeeze3A_363, %and3A_364 : i32
      %broadcast_in_dim3A_366 = vector.broadcast %and3A_365 : i32 to vector<16xi32>
      %gather3A_367 = arith.constant 0 : i32
      %gather3A_368 = arith.constant 0 : i32
      %gather3A_369 = tpu.memref_slice %arg6[%rem3A_347, %gather3A_367, %gather3A_368] : memref<7x64x128xf32, #tpu.memory_space<vmem>> -> memref<1x64x128xf32, #tpu.memory_space<vmem>>
      %gather3A_370 = tpu.memref_squeeze %gather3A_369 : memref<1x64x128xf32, #tpu.memory_space<vmem>> -> memref<64x128xf32, #tpu.memory_space<vmem>>
      %gather3A_371 = tpu.vector_load_idx %gather3A_370[%add3A_5, %broadcast_in_dim3A_366] : memref<64x128xf32, #tpu.memory_space<vmem>>[vector<16xi32>, vector<16xi32>], vector<16xf32>,
      %swap3A_372 = arith.index_cast %add3A_345 : i32 to index
      %swap3A_373 = arith.constant 0 : index
      %swap3A_374 = tpu.vector_load %arg7[%swap3A_372, %swap3A_373] {strides = array<i32>} : memref<512x128xf32, #tpu.memory_space<vmem>>, vector<16xf32>,
      tpu.vector_store %arg7[%swap3A_372, %swap3A_373], %gather3A_371 {strides = array<i32>} : memref<512x128xf32, #tpu.memory_space<vmem>>, vector<16xf32>,
      %gather3A_375 = arith.constant 0 : i32
      %gather3A_376 = arith.constant 0 : i32
      %gather3A_377 = tpu.memref_slice %arg6[%rem3A_347, %gather3A_375, %gather3A_376] : memref<7x64x128xf32, #tpu.memory_space<vmem>> -> memref<1x64x128xf32, #tpu.memory_space<vmem>>
      %gather3A_378 = tpu.memref_squeeze %gather3A_377 : memref<1x64x128xf32, #tpu.memory_space<vmem>> -> memref<64x128xf32, #tpu.memory_space<vmem>>
      %gather3A_379 = tpu.vector_load_idx %gather3A_378[%add3A_9, %broadcast_in_dim3A_366] : memref<64x128xf32, #tpu.memory_space<vmem>>[vector<16xi32>, vector<16xi32>], vector<16xf32>,
      %swap3A_380 = arith.index_cast %add3A_345 : i32 to index
      %swap3A_381 = arith.constant 16 : index
      %swap3A_382 = tpu.vector_load %arg7[%swap3A_380, %swap3A_381] {strides = array<i32>} : memref<512x128xf32, #tpu.memory_space<vmem>>, vector<16xf32>,
      tpu.vector_store %arg7[%swap3A_380, %swap3A_381], %gather3A_379 {strides = array<i32>} : memref<512x128xf32, #tpu.memory_space<vmem>>, vector<16xf32>,
      %gather3A_383 = arith.constant 0 : i32
      %gather3A_384 = arith.constant 0 : i32
      %gather3A_385 = tpu.memref_slice %arg6[%rem3A_347, %gather3A_383, %gather3A_384] : memref<7x64x128xf32, #tpu.memory_space<vmem>> -> memref<1x64x128xf32, #tpu.memory_space<vmem>>
      %gather3A_386 = tpu.memref_squeeze %gather3A_385 : memref<1x64x128xf32, #tpu.memory_space<vmem>> -> memref<64x128xf32, #tpu.memory_space<vmem>>
      %gather3A_387 = tpu.vector_load_idx %gather3A_386[%add3A_13, %broadcast_in_dim3A_366] : memref<64x128xf32, #tpu.memory_space<vmem>>[vector<16xi32>, vector<16xi32>], vector<16xf32>,
      %swap3A_388 = arith.index_cast %add3A_345 : i32 to index
      %swap3A_389 = arith.constant 32 : index
      %swap3A_390 = tpu.vector_load %arg7[%swap3A_388, %swap3A_389] {strides = array<i32>} : memref<512x128xf32, #tpu.memory_space<vmem>>, vector<16xf32>,
      tpu.vector_store %arg7[%swap3A_388, %swap3A_389], %gather3A_387 {strides = array<i32>} : memref<512x128xf32, #tpu.memory_space<vmem>>, vector<16xf32>,
      %gather3A_391 = arith.constant 0 : i32
      %gather3A_392 = arith.constant 0 : i32
      %gather3A_393 = tpu.memref_slice %arg6[%rem3A_347, %gather3A_391, %gather3A_392] : memref<7x64x128xf32, #tpu.memory_space<vmem>> -> memref<1x64x128xf32, #tpu.memory_space<vmem>>
      %gather3A_394 = tpu.memref_squeeze %gather3A_393 : memref<1x64x128xf32, #tpu.memory_space<vmem>> -> memref<64x128xf32, #tpu.memory_space<vmem>>
      %gather3A_395 = tpu.vector_load_idx %gather3A_394[%add3A_17, %broadcast_in_dim3A_366] : memref<64x128xf32, #tpu.memory_space<vmem>>[vector<16xi32>, vector<16xi32>], vector<16xf32>,
      %swap3A_396 = arith.index_cast %add3A_345 : i32 to index
      %swap3A_397 = arith.constant 48 : index
      %swap3A_398 = tpu.vector_load %arg7[%swap3A_396, %swap3A_397] {strides = array<i32>} : memref<512x128xf32, #tpu.memory_space<vmem>>, vector<16xf32>,
      tpu.vector_store %arg7[%swap3A_396, %swap3A_397], %gather3A_395 {strides = array<i32>} : memref<512x128xf32, #tpu.memory_space<vmem>>, vector<16xf32>,
      %slice3A_399 = vector.extract_strided_slice %get3A_156 {offsets = [10], sizes = [1], strides = [1]} : vector<16xi32> to vector<1xi32>
      %squeeze3A_400 = vector.extract %slice3A_399[0] : i32 from vector<1xi32>
      %add3A_401 = arith.constant 7 : i32
      %add3A_402 = arith.addi %add3A_345, %add3A_401 : i32
      %lt3A_403 = arith.constant 512 : i32
      %lt3A_404 = arith.cmpi slt, %add3A_402, %lt3A_403 : i32
      %convert_element_type3A_405 = arith.extui %lt3A_404 : i1 to i32
      %cond3A_406 = arith.constant 0 : i32
      %cond3A_407 = arith.cmpi ne, %convert_element_type3A_405, %cond3A_406 : i32
      scf.if %cond3A_407 {
        %shift_right_logical3A_1176 = arith.constant 7 : i32
        %shift_right_logical3A_1177 = arith.shrui %squeeze3A_400, %shift_right_logical3A_1176 : i32
        %mul3A_1178 = arith.constant 128 : i32
        %mul3A_1179 = arith.muli %shift_right_logical3A_1177, %mul3A_1178 : i32
        %dma_start3A_1180 = arith.constant 0 : i32
        %dma_start3A_1181 = arith.constant 0 : i32
        %dma_start3A_1182 = tpu.memref_slice %arg6[%rem3A_347, %dma_start3A_1180, %dma_start3A_1181] : memref<7x64x128xf32, #tpu.memory_space<vmem>> -> memref<1x64x128xf32, #tpu.memory_space<vmem>>
        %dma_start3A_1183 = tpu.memref_squeeze %dma_start3A_1182 : memref<1x64x128xf32, #tpu.memory_space<vmem>> -> memref<64x128xf32, #tpu.memory_space<vmem>>
        %dma_start3A_1184 = arith.constant 0 : i32
        %dma_start3A_1185 = tpu.memref_slice %arg2[%dma_start3A_1184, %mul3A_1179] : memref<64x1000000xf32, #tpu.memory_space<hbm>> -> memref<64x128xf32, #tpu.memory_space<hbm>>
        %dma_start3A_1186 = arith.constant 0 : i32
        %dma_start3A_1187 = arith.constant 0 : i32
        %dma_start3A_1188 = tpu.memref_slice %arg6[%rem3A_347, %dma_start3A_1186, %dma_start3A_1187] : memref<7x64x128xf32, #tpu.memory_space<vmem>> -> memref<1x64x128xf32, #tpu.memory_space<vmem>>
        %dma_start3A_1189 = tpu.memref_squeeze %dma_start3A_1188 : memref<1x64x128xf32, #tpu.memory_space<vmem>> -> memref<64x128xf32, #tpu.memory_space<vmem>>
        %dma_start3A_1190 = arith.constant 0 : i32
        %dma_start3A_1191 = tpu.memref_slice %arg2[%dma_start3A_1190, %mul3A_1179] : memref<64x1000000xf32, #tpu.memory_space<hbm>> -> memref<64x128xf32, #tpu.memory_space<hbm>>
        tpu.enqueue_dma source(%dma_start3A_1191 : memref<64x128xf32, #tpu.memory_space<hbm>>) target(%dma_start3A_1189 : memref<64x128xf32, #tpu.memory_space<vmem>>) target_semaphore(%arg8 : memref<!tpu.dma_semaphore, #tpu.memory_space<semaphore_mem>>)
      } else {
      }
      %add3A_408 = arith.constant 4 : i32
      %add3A_409 = arith.addi %mul3A_154, %add3A_408 : i32
      %rem3A_410 = arith.constant 7 : i32
      %rem3A_411 = arith.remsi %add3A_409, %rem3A_410 : i32
      %dma_wait3A_412 = arith.constant 0 : i32
      %dma_wait3A_413 = arith.constant 0 : i32
      %dma_wait3A_414 = tpu.memref_slice %arg6[%rem3A_411, %dma_wait3A_412, %dma_wait3A_413] : memref<7x64x128xf32, #tpu.memory_space<vmem>> -> memref<1x64x128xf32, #tpu.memory_space<vmem>>
      %dma_wait3A_415 = tpu.memref_squeeze %dma_wait3A_414 : memref<1x64x128xf32, #tpu.memory_space<vmem>> -> memref<64x128xf32, #tpu.memory_space<vmem>>
      %dma_wait3A_416 = arith.constant 0 : i32
      %dma_wait3A_417 = arith.constant 0 : i32
      %dma_wait3A_418 = tpu.memref_slice %arg2[%dma_wait3A_416, %dma_wait3A_417] : memref<64x1000000xf32, #tpu.memory_space<hbm>> -> memref<64x128xf32, #tpu.memory_space<hbm>>
      %dma_wait3A_419 = arith.constant 0 : i32
      %dma_wait3A_420 = arith.constant 0 : i32
      %dma_wait3A_421 = tpu.memref_slice %arg6[%rem3A_411, %dma_wait3A_419, %dma_wait3A_420] : memref<7x64x128xf32, #tpu.memory_space<vmem>> -> memref<1x64x128xf32, #tpu.memory_space<vmem>>
      %dma_wait3A_422 = tpu.memref_squeeze %dma_wait3A_421 : memref<1x64x128xf32, #tpu.memory_space<vmem>> -> memref<64x128xf32, #tpu.memory_space<vmem>>
      %dma_wait3A_423 = arith.constant 0 : i32
      %dma_wait3A_424 = arith.constant 0 : i32
      %dma_wait3A_425 = tpu.memref_slice %arg2[%dma_wait3A_423, %dma_wait3A_424] : memref<64x1000000xf32, #tpu.memory_space<hbm>> -> memref<64x128xf32, #tpu.memory_space<hbm>>
      tpu.wait_dma2 semaphore(%arg8 : memref<!tpu.dma_semaphore, #tpu.memory_space<semaphore_mem>>) src(%dma_wait3A_425 : memref<64x128xf32, #tpu.memory_space<hbm>>) dst(%dma_wait3A_422 : memref<64x128xf32, #tpu.memory_space<vmem>>)
      %slice3A_426 = vector.extract_strided_slice %get3A_156 {offsets = [4], sizes = [1], strides = [1]} : vector<16xi32> to vector<1xi32>
      %squeeze3A_427 = vector.extract %slice3A_426[0] : i32 from vector<1xi32>
      %and3A_428 = arith.constant 127 : i32
      %and3A_429 = arith.andi %squeeze3A_427, %and3A_428 : i32
      %broadcast_in_dim3A_430 = vector.broadcast %and3A_429 : i32 to vector<16xi32>
      %gather3A_431 = arith.constant 0 : i32
      %gather3A_432 = arith.constant 0 : i32
      %gather3A_433 = tpu.memref_slice %arg6[%rem3A_411, %gather3A_431, %gather3A_432] : memref<7x64x128xf32, #tpu.memory_space<vmem>> -> memref<1x64x128xf32, #tpu.memory_space<vmem>>
      %gather3A_434 = tpu.memref_squeeze %gather3A_433 : memref<1x64x128xf32, #tpu.memory_space<vmem>> -> memref<64x128xf32, #tpu.memory_space<vmem>>
      %gather3A_435 = tpu.vector_load_idx %gather3A_434[%add3A_5, %broadcast_in_dim3A_430] : memref<64x128xf32, #tpu.memory_space<vmem>>[vector<16xi32>, vector<16xi32>], vector<16xf32>,
      %swap3A_436 = arith.index_cast %add3A_409 : i32 to index
      %swap3A_437 = arith.constant 0 : index
      %swap3A_438 = tpu.vector_load %arg7[%swap3A_436, %swap3A_437] {strides = array<i32>} : memref<512x128xf32, #tpu.memory_space<vmem>>, vector<16xf32>,
      tpu.vector_store %arg7[%swap3A_436, %swap3A_437], %gather3A_435 {strides = array<i32>} : memref<512x128xf32, #tpu.memory_space<vmem>>, vector<16xf32>,
      %gather3A_439 = arith.constant 0 : i32
      %gather3A_440 = arith.constant 0 : i32
      %gather3A_441 = tpu.memref_slice %arg6[%rem3A_411, %gather3A_439, %gather3A_440] : memref<7x64x128xf32, #tpu.memory_space<vmem>> -> memref<1x64x128xf32, #tpu.memory_space<vmem>>
      %gather3A_442 = tpu.memref_squeeze %gather3A_441 : memref<1x64x128xf32, #tpu.memory_space<vmem>> -> memref<64x128xf32, #tpu.memory_space<vmem>>
      %gather3A_443 = tpu.vector_load_idx %gather3A_442[%add3A_9, %broadcast_in_dim3A_430] : memref<64x128xf32, #tpu.memory_space<vmem>>[vector<16xi32>, vector<16xi32>], vector<16xf32>,
      %swap3A_444 = arith.index_cast %add3A_409 : i32 to index
      %swap3A_445 = arith.constant 16 : index
      %swap3A_446 = tpu.vector_load %arg7[%swap3A_444, %swap3A_445] {strides = array<i32>} : memref<512x128xf32, #tpu.memory_space<vmem>>, vector<16xf32>,
      tpu.vector_store %arg7[%swap3A_444, %swap3A_445], %gather3A_443 {strides = array<i32>} : memref<512x128xf32, #tpu.memory_space<vmem>>, vector<16xf32>,
      %gather3A_447 = arith.constant 0 : i32
      %gather3A_448 = arith.constant 0 : i32
      %gather3A_449 = tpu.memref_slice %arg6[%rem3A_411, %gather3A_447, %gather3A_448] : memref<7x64x128xf32, #tpu.memory_space<vmem>> -> memref<1x64x128xf32, #tpu.memory_space<vmem>>
      %gather3A_450 = tpu.memref_squeeze %gather3A_449 : memref<1x64x128xf32, #tpu.memory_space<vmem>> -> memref<64x128xf32, #tpu.memory_space<vmem>>
      %gather3A_451 = tpu.vector_load_idx %gather3A_450[%add3A_13, %broadcast_in_dim3A_430] : memref<64x128xf32, #tpu.memory_space<vmem>>[vector<16xi32>, vector<16xi32>], vector<16xf32>,
      %swap3A_452 = arith.index_cast %add3A_409 : i32 to index
      %swap3A_453 = arith.constant 32 : index
      %swap3A_454 = tpu.vector_load %arg7[%swap3A_452, %swap3A_453] {strides = array<i32>} : memref<512x128xf32, #tpu.memory_space<vmem>>, vector<16xf32>,
      tpu.vector_store %arg7[%swap3A_452, %swap3A_453], %gather3A_451 {strides = array<i32>} : memref<512x128xf32, #tpu.memory_space<vmem>>, vector<16xf32>,
      %gather3A_455 = arith.constant 0 : i32
      %gather3A_456 = arith.constant 0 : i32
      %gather3A_457 = tpu.memref_slice %arg6[%rem3A_411, %gather3A_455, %gather3A_456] : memref<7x64x128xf32, #tpu.memory_space<vmem>> -> memref<1x64x128xf32, #tpu.memory_space<vmem>>
      %gather3A_458 = tpu.memref_squeeze %gather3A_457 : memref<1x64x128xf32, #tpu.memory_space<vmem>> -> memref<64x128xf32, #tpu.memory_space<vmem>>
      %gather3A_459 = tpu.vector_load_idx %gather3A_458[%add3A_17, %broadcast_in_dim3A_430] : memref<64x128xf32, #tpu.memory_space<vmem>>[vector<16xi32>, vector<16xi32>], vector<16xf32>,
      %swap3A_460 = arith.index_cast %add3A_409 : i32 to index
      %swap3A_461 = arith.constant 48 : index
      %swap3A_462 = tpu.vector_load %arg7[%swap3A_460, %swap3A_461] {strides = array<i32>} : memref<512x128xf32, #tpu.memory_space<vmem>>, vector<16xf32>,
      tpu.vector_store %arg7[%swap3A_460, %swap3A_461], %gather3A_459 {strides = array<i32>} : memref<512x128xf32, #tpu.memory_space<vmem>>, vector<16xf32>,
      %slice3A_463 = vector.extract_strided_slice %get3A_156 {offsets = [11], sizes = [1], strides = [1]} : vector<16xi32> to vector<1xi32>
      %squeeze3A_464 = vector.extract %slice3A_463[0] : i32 from vector<1xi32>
      %add3A_465 = arith.constant 7 : i32
      %add3A_466 = arith.addi %add3A_409, %add3A_465 : i32
      %lt3A_467 = arith.constant 512 : i32
      %lt3A_468 = arith.cmpi slt, %add3A_466, %lt3A_467 : i32
      %convert_element_type3A_469 = arith.extui %lt3A_468 : i1 to i32
      %cond3A_470 = arith.constant 0 : i32
      %cond3A_471 = arith.cmpi ne, %convert_element_type3A_469, %cond3A_470 : i32
      scf.if %cond3A_471 {
        %shift_right_logical3A_1176 = arith.constant 7 : i32
        %shift_right_logical3A_1177 = arith.shrui %squeeze3A_464, %shift_right_logical3A_1176 : i32
        %mul3A_1178 = arith.constant 128 : i32
        %mul3A_1179 = arith.muli %shift_right_logical3A_1177, %mul3A_1178 : i32
        %dma_start3A_1180 = arith.constant 0 : i32
        %dma_start3A_1181 = arith.constant 0 : i32
        %dma_start3A_1182 = tpu.memref_slice %arg6[%rem3A_411, %dma_start3A_1180, %dma_start3A_1181] : memref<7x64x128xf32, #tpu.memory_space<vmem>> -> memref<1x64x128xf32, #tpu.memory_space<vmem>>
        %dma_start3A_1183 = tpu.memref_squeeze %dma_start3A_1182 : memref<1x64x128xf32, #tpu.memory_space<vmem>> -> memref<64x128xf32, #tpu.memory_space<vmem>>
        %dma_start3A_1184 = arith.constant 0 : i32
        %dma_start3A_1185 = tpu.memref_slice %arg2[%dma_start3A_1184, %mul3A_1179] : memref<64x1000000xf32, #tpu.memory_space<hbm>> -> memref<64x128xf32, #tpu.memory_space<hbm>>
        %dma_start3A_1186 = arith.constant 0 : i32
        %dma_start3A_1187 = arith.constant 0 : i32
        %dma_start3A_1188 = tpu.memref_slice %arg6[%rem3A_411, %dma_start3A_1186, %dma_start3A_1187] : memref<7x64x128xf32, #tpu.memory_space<vmem>> -> memref<1x64x128xf32, #tpu.memory_space<vmem>>
        %dma_start3A_1189 = tpu.memref_squeeze %dma_start3A_1188 : memref<1x64x128xf32, #tpu.memory_space<vmem>> -> memref<64x128xf32, #tpu.memory_space<vmem>>
        %dma_start3A_1190 = arith.constant 0 : i32
        %dma_start3A_1191 = tpu.memref_slice %arg2[%dma_start3A_1190, %mul3A_1179] : memref<64x1000000xf32, #tpu.memory_space<hbm>> -> memref<64x128xf32, #tpu.memory_space<hbm>>
        tpu.enqueue_dma source(%dma_start3A_1191 : memref<64x128xf32, #tpu.memory_space<hbm>>) target(%dma_start3A_1189 : memref<64x128xf32, #tpu.memory_space<vmem>>) target_semaphore(%arg8 : memref<!tpu.dma_semaphore, #tpu.memory_space<semaphore_mem>>)
      } else {
      }
      %add3A_472 = arith.constant 5 : i32
      %add3A_473 = arith.addi %mul3A_154, %add3A_472 : i32
      %rem3A_474 = arith.constant 7 : i32
      %rem3A_475 = arith.remsi %add3A_473, %rem3A_474 : i32
      %dma_wait3A_476 = arith.constant 0 : i32
      %dma_wait3A_477 = arith.constant 0 : i32
      %dma_wait3A_478 = tpu.memref_slice %arg6[%rem3A_475, %dma_wait3A_476, %dma_wait3A_477] : memref<7x64x128xf32, #tpu.memory_space<vmem>> -> memref<1x64x128xf32, #tpu.memory_space<vmem>>
      %dma_wait3A_479 = tpu.memref_squeeze %dma_wait3A_478 : memref<1x64x128xf32, #tpu.memory_space<vmem>> -> memref<64x128xf32, #tpu.memory_space<vmem>>
      %dma_wait3A_480 = arith.constant 0 : i32
      %dma_wait3A_481 = arith.constant 0 : i32
      %dma_wait3A_482 = tpu.memref_slice %arg2[%dma_wait3A_480, %dma_wait3A_481] : memref<64x1000000xf32, #tpu.memory_space<hbm>> -> memref<64x128xf32, #tpu.memory_space<hbm>>
      %dma_wait3A_483 = arith.constant 0 : i32
      %dma_wait3A_484 = arith.constant 0 : i32
      %dma_wait3A_485 = tpu.memref_slice %arg6[%rem3A_475, %dma_wait3A_483, %dma_wait3A_484] : memref<7x64x128xf32, #tpu.memory_space<vmem>> -> memref<1x64x128xf32, #tpu.memory_space<vmem>>
      %dma_wait3A_486 = tpu.memref_squeeze %dma_wait3A_485 : memref<1x64x128xf32, #tpu.memory_space<vmem>> -> memref<64x128xf32, #tpu.memory_space<vmem>>
      %dma_wait3A_487 = arith.constant 0 : i32
      %dma_wait3A_488 = arith.constant 0 : i32
      %dma_wait3A_489 = tpu.memref_slice %arg2[%dma_wait3A_487, %dma_wait3A_488] : memref<64x1000000xf32, #tpu.memory_space<hbm>> -> memref<64x128xf32, #tpu.memory_space<hbm>>
      tpu.wait_dma2 semaphore(%arg8 : memref<!tpu.dma_semaphore, #tpu.memory_space<semaphore_mem>>) src(%dma_wait3A_489 : memref<64x128xf32, #tpu.memory_space<hbm>>) dst(%dma_wait3A_486 : memref<64x128xf32, #tpu.memory_space<vmem>>)
      %slice3A_490 = vector.extract_strided_slice %get3A_156 {offsets = [5], sizes = [1], strides = [1]} : vector<16xi32> to vector<1xi32>
      %squeeze3A_491 = vector.extract %slice3A_490[0] : i32 from vector<1xi32>
      %and3A_492 = arith.constant 127 : i32
      %and3A_493 = arith.andi %squeeze3A_491, %and3A_492 : i32
      %broadcast_in_dim3A_494 = vector.broadcast %and3A_493 : i32 to vector<16xi32>
      %gather3A_495 = arith.constant 0 : i32
      %gather3A_496 = arith.constant 0 : i32
      %gather3A_497 = tpu.memref_slice %arg6[%rem3A_475, %gather3A_495, %gather3A_496] : memref<7x64x128xf32, #tpu.memory_space<vmem>> -> memref<1x64x128xf32, #tpu.memory_space<vmem>>
      %gather3A_498 = tpu.memref_squeeze %gather3A_497 : memref<1x64x128xf32, #tpu.memory_space<vmem>> -> memref<64x128xf32, #tpu.memory_space<vmem>>
      %gather3A_499 = tpu.vector_load_idx %gather3A_498[%add3A_5, %broadcast_in_dim3A_494] : memref<64x128xf32, #tpu.memory_space<vmem>>[vector<16xi32>, vector<16xi32>], vector<16xf32>,
      %swap3A_500 = arith.index_cast %add3A_473 : i32 to index
      %swap3A_501 = arith.constant 0 : index
      %swap3A_502 = tpu.vector_load %arg7[%swap3A_500, %swap3A_501] {strides = array<i32>} : memref<512x128xf32, #tpu.memory_space<vmem>>, vector<16xf32>,
      tpu.vector_store %arg7[%swap3A_500, %swap3A_501], %gather3A_499 {strides = array<i32>} : memref<512x128xf32, #tpu.memory_space<vmem>>, vector<16xf32>,
      %gather3A_503 = arith.constant 0 : i32
      %gather3A_504 = arith.constant 0 : i32
      %gather3A_505 = tpu.memref_slice %arg6[%rem3A_475, %gather3A_503, %gather3A_504] : memref<7x64x128xf32, #tpu.memory_space<vmem>> -> memref<1x64x128xf32, #tpu.memory_space<vmem>>
      %gather3A_506 = tpu.memref_squeeze %gather3A_505 : memref<1x64x128xf32, #tpu.memory_space<vmem>> -> memref<64x128xf32, #tpu.memory_space<vmem>>
      %gather3A_507 = tpu.vector_load_idx %gather3A_506[%add3A_9, %broadcast_in_dim3A_494] : memref<64x128xf32, #tpu.memory_space<vmem>>[vector<16xi32>, vector<16xi32>], vector<16xf32>,
      %swap3A_508 = arith.index_cast %add3A_473 : i32 to index
      %swap3A_509 = arith.constant 16 : index
      %swap3A_510 = tpu.vector_load %arg7[%swap3A_508, %swap3A_509] {strides = array<i32>} : memref<512x128xf32, #tpu.memory_space<vmem>>, vector<16xf32>,
      tpu.vector_store %arg7[%swap3A_508, %swap3A_509], %gather3A_507 {strides = array<i32>} : memref<512x128xf32, #tpu.memory_space<vmem>>, vector<16xf32>,
      %gather3A_511 = arith.constant 0 : i32
      %gather3A_512 = arith.constant 0 : i32
      %gather3A_513 = tpu.memref_slice %arg6[%rem3A_475, %gather3A_511, %gather3A_512] : memref<7x64x128xf32, #tpu.memory_space<vmem>> -> memref<1x64x128xf32, #tpu.memory_space<vmem>>
      %gather3A_514 = tpu.memref_squeeze %gather3A_513 : memref<1x64x128xf32, #tpu.memory_space<vmem>> -> memref<64x128xf32, #tpu.memory_space<vmem>>
      %gather3A_515 = tpu.vector_load_idx %gather3A_514[%add3A_13, %broadcast_in_dim3A_494] : memref<64x128xf32, #tpu.memory_space<vmem>>[vector<16xi32>, vector<16xi32>], vector<16xf32>,
      %swap3A_516 = arith.index_cast %add3A_473 : i32 to index
      %swap3A_517 = arith.constant 32 : index
      %swap3A_518 = tpu.vector_load %arg7[%swap3A_516, %swap3A_517] {strides = array<i32>} : memref<512x128xf32, #tpu.memory_space<vmem>>, vector<16xf32>,
      tpu.vector_store %arg7[%swap3A_516, %swap3A_517], %gather3A_515 {strides = array<i32>} : memref<512x128xf32, #tpu.memory_space<vmem>>, vector<16xf32>,
      %gather3A_519 = arith.constant 0 : i32
      %gather3A_520 = arith.constant 0 : i32
      %gather3A_521 = tpu.memref_slice %arg6[%rem3A_475, %gather3A_519, %gather3A_520] : memref<7x64x128xf32, #tpu.memory_space<vmem>> -> memref<1x64x128xf32, #tpu.memory_space<vmem>>
      %gather3A_522 = tpu.memref_squeeze %gather3A_521 : memref<1x64x128xf32, #tpu.memory_space<vmem>> -> memref<64x128xf32, #tpu.memory_space<vmem>>
      %gather3A_523 = tpu.vector_load_idx %gather3A_522[%add3A_17, %broadcast_in_dim3A_494] : memref<64x128xf32, #tpu.memory_space<vmem>>[vector<16xi32>, vector<16xi32>], vector<16xf32>,
      %swap3A_524 = arith.index_cast %add3A_473 : i32 to index
      %swap3A_525 = arith.constant 48 : index
      %swap3A_526 = tpu.vector_load %arg7[%swap3A_524, %swap3A_525] {strides = array<i32>} : memref<512x128xf32, #tpu.memory_space<vmem>>, vector<16xf32>,
      tpu.vector_store %arg7[%swap3A_524, %swap3A_525], %gather3A_523 {strides = array<i32>} : memref<512x128xf32, #tpu.memory_space<vmem>>, vector<16xf32>,
      %slice3A_527 = vector.extract_strided_slice %get3A_156 {offsets = [12], sizes = [1], strides = [1]} : vector<16xi32> to vector<1xi32>
      %squeeze3A_528 = vector.extract %slice3A_527[0] : i32 from vector<1xi32>
      %add3A_529 = arith.constant 7 : i32
      %add3A_530 = arith.addi %add3A_473, %add3A_529 : i32
      %lt3A_531 = arith.constant 512 : i32
      %lt3A_532 = arith.cmpi slt, %add3A_530, %lt3A_531 : i32
      %convert_element_type3A_533 = arith.extui %lt3A_532 : i1 to i32
      %cond3A_534 = arith.constant 0 : i32
      %cond3A_535 = arith.cmpi ne, %convert_element_type3A_533, %cond3A_534 : i32
      scf.if %cond3A_535 {
        %shift_right_logical3A_1176 = arith.constant 7 : i32
        %shift_right_logical3A_1177 = arith.shrui %squeeze3A_528, %shift_right_logical3A_1176 : i32
        %mul3A_1178 = arith.constant 128 : i32
        %mul3A_1179 = arith.muli %shift_right_logical3A_1177, %mul3A_1178 : i32
        %dma_start3A_1180 = arith.constant 0 : i32
        %dma_start3A_1181 = arith.constant 0 : i32
        %dma_start3A_1182 = tpu.memref_slice %arg6[%rem3A_475, %dma_start3A_1180, %dma_start3A_1181] : memref<7x64x128xf32, #tpu.memory_space<vmem>> -> memref<1x64x128xf32, #tpu.memory_space<vmem>>
        %dma_start3A_1183 = tpu.memref_squeeze %dma_start3A_1182 : memref<1x64x128xf32, #tpu.memory_space<vmem>> -> memref<64x128xf32, #tpu.memory_space<vmem>>
        %dma_start3A_1184 = arith.constant 0 : i32
        %dma_start3A_1185 = tpu.memref_slice %arg2[%dma_start3A_1184, %mul3A_1179] : memref<64x1000000xf32, #tpu.memory_space<hbm>> -> memref<64x128xf32, #tpu.memory_space<hbm>>
        %dma_start3A_1186 = arith.constant 0 : i32
        %dma_start3A_1187 = arith.constant 0 : i32
        %dma_start3A_1188 = tpu.memref_slice %arg6[%rem3A_475, %dma_start3A_1186, %dma_start3A_1187] : memref<7x64x128xf32, #tpu.memory_space<vmem>> -> memref<1x64x128xf32, #tpu.memory_space<vmem>>
        %dma_start3A_1189 = tpu.memref_squeeze %dma_start3A_1188 : memref<1x64x128xf32, #tpu.memory_space<vmem>> -> memref<64x128xf32, #tpu.memory_space<vmem>>
        %dma_start3A_1190 = arith.constant 0 : i32
        %dma_start3A_1191 = tpu.memref_slice %arg2[%dma_start3A_1190, %mul3A_1179] : memref<64x1000000xf32, #tpu.memory_space<hbm>> -> memref<64x128xf32, #tpu.memory_space<hbm>>
        tpu.enqueue_dma source(%dma_start3A_1191 : memref<64x128xf32, #tpu.memory_space<hbm>>) target(%dma_start3A_1189 : memref<64x128xf32, #tpu.memory_space<vmem>>) target_semaphore(%arg8 : memref<!tpu.dma_semaphore, #tpu.memory_space<semaphore_mem>>)
      } else {
      }
      %add3A_536 = arith.constant 6 : i32
      %add3A_537 = arith.addi %mul3A_154, %add3A_536 : i32
      %rem3A_538 = arith.constant 7 : i32
      %rem3A_539 = arith.remsi %add3A_537, %rem3A_538 : i32
      %dma_wait3A_540 = arith.constant 0 : i32
      %dma_wait3A_541 = arith.constant 0 : i32
      %dma_wait3A_542 = tpu.memref_slice %arg6[%rem3A_539, %dma_wait3A_540, %dma_wait3A_541] : memref<7x64x128xf32, #tpu.memory_space<vmem>> -> memref<1x64x128xf32, #tpu.memory_space<vmem>>
      %dma_wait3A_543 = tpu.memref_squeeze %dma_wait3A_542 : memref<1x64x128xf32, #tpu.memory_space<vmem>> -> memref<64x128xf32, #tpu.memory_space<vmem>>
      %dma_wait3A_544 = arith.constant 0 : i32
      %dma_wait3A_545 = arith.constant 0 : i32
      %dma_wait3A_546 = tpu.memref_slice %arg2[%dma_wait3A_544, %dma_wait3A_545] : memref<64x1000000xf32, #tpu.memory_space<hbm>> -> memref<64x128xf32, #tpu.memory_space<hbm>>
      %dma_wait3A_547 = arith.constant 0 : i32
      %dma_wait3A_548 = arith.constant 0 : i32
      %dma_wait3A_549 = tpu.memref_slice %arg6[%rem3A_539, %dma_wait3A_547, %dma_wait3A_548] : memref<7x64x128xf32, #tpu.memory_space<vmem>> -> memref<1x64x128xf32, #tpu.memory_space<vmem>>
      %dma_wait3A_550 = tpu.memref_squeeze %dma_wait3A_549 : memref<1x64x128xf32, #tpu.memory_space<vmem>> -> memref<64x128xf32, #tpu.memory_space<vmem>>
      %dma_wait3A_551 = arith.constant 0 : i32
      %dma_wait3A_552 = arith.constant 0 : i32
      %dma_wait3A_553 = tpu.memref_slice %arg2[%dma_wait3A_551, %dma_wait3A_552] : memref<64x1000000xf32, #tpu.memory_space<hbm>> -> memref<64x128xf32, #tpu.memory_space<hbm>>
      tpu.wait_dma2 semaphore(%arg8 : memref<!tpu.dma_semaphore, #tpu.memory_space<semaphore_mem>>) src(%dma_wait3A_553 : memref<64x128xf32, #tpu.memory_space<hbm>>) dst(%dma_wait3A_550 : memref<64x128xf32, #tpu.memory_space<vmem>>)
      %slice3A_554 = vector.extract_strided_slice %get3A_156 {offsets = [6], sizes = [1], strides = [1]} : vector<16xi32> to vector<1xi32>
      %squeeze3A_555 = vector.extract %slice3A_554[0] : i32 from vector<1xi32>
      %and3A_556 = arith.constant 127 : i32
      %and3A_557 = arith.andi %squeeze3A_555, %and3A_556 : i32
      %broadcast_in_dim3A_558 = vector.broadcast %and3A_557 : i32 to vector<16xi32>
      %gather3A_559 = arith.constant 0 : i32
      %gather3A_560 = arith.constant 0 : i32
      %gather3A_561 = tpu.memref_slice %arg6[%rem3A_539, %gather3A_559, %gather3A_560] : memref<7x64x128xf32, #tpu.memory_space<vmem>> -> memref<1x64x128xf32, #tpu.memory_space<vmem>>
      %gather3A_562 = tpu.memref_squeeze %gather3A_561 : memref<1x64x128xf32, #tpu.memory_space<vmem>> -> memref<64x128xf32, #tpu.memory_space<vmem>>
      %gather3A_563 = tpu.vector_load_idx %gather3A_562[%add3A_5, %broadcast_in_dim3A_558] : memref<64x128xf32, #tpu.memory_space<vmem>>[vector<16xi32>, vector<16xi32>], vector<16xf32>,
      %swap3A_564 = arith.index_cast %add3A_537 : i32 to index
      %swap3A_565 = arith.constant 0 : index
      %swap3A_566 = tpu.vector_load %arg7[%swap3A_564, %swap3A_565] {strides = array<i32>} : memref<512x128xf32, #tpu.memory_space<vmem>>, vector<16xf32>,
      tpu.vector_store %arg7[%swap3A_564, %swap3A_565], %gather3A_563 {strides = array<i32>} : memref<512x128xf32, #tpu.memory_space<vmem>>, vector<16xf32>,
      %gather3A_567 = arith.constant 0 : i32
      %gather3A_568 = arith.constant 0 : i32
      %gather3A_569 = tpu.memref_slice %arg6[%rem3A_539, %gather3A_567, %gather3A_568] : memref<7x64x128xf32, #tpu.memory_space<vmem>> -> memref<1x64x128xf32, #tpu.memory_space<vmem>>
      %gather3A_570 = tpu.memref_squeeze %gather3A_569 : memref<1x64x128xf32, #tpu.memory_space<vmem>> -> memref<64x128xf32, #tpu.memory_space<vmem>>
      %gather3A_571 = tpu.vector_load_idx %gather3A_570[%add3A_9, %broadcast_in_dim3A_558] : memref<64x128xf32, #tpu.memory_space<vmem>>[vector<16xi32>, vector<16xi32>], vector<16xf32>,
      %swap3A_572 = arith.index_cast %add3A_537 : i32 to index
      %swap3A_573 = arith.constant 16 : index
      %swap3A_574 = tpu.vector_load %arg7[%swap3A_572, %swap3A_573] {strides = array<i32>} : memref<512x128xf32, #tpu.memory_space<vmem>>, vector<16xf32>,
      tpu.vector_store %arg7[%swap3A_572, %swap3A_573], %gather3A_571 {strides = array<i32>} : memref<512x128xf32, #tpu.memory_space<vmem>>, vector<16xf32>,
      %gather3A_575 = arith.constant 0 : i32
      %gather3A_576 = arith.constant 0 : i32
      %gather3A_577 = tpu.memref_slice %arg6[%rem3A_539, %gather3A_575, %gather3A_576] : memref<7x64x128xf32, #tpu.memory_space<vmem>> -> memref<1x64x128xf32, #tpu.memory_space<vmem>>
      %gather3A_578 = tpu.memref_squeeze %gather3A_577 : memref<1x64x128xf32, #tpu.memory_space<vmem>> -> memref<64x128xf32, #tpu.memory_space<vmem>>
      %gather3A_579 = tpu.vector_load_idx %gather3A_578[%add3A_13, %broadcast_in_dim3A_558] : memref<64x128xf32, #tpu.memory_space<vmem>>[vector<16xi32>, vector<16xi32>], vector<16xf32>,
      %swap3A_580 = arith.index_cast %add3A_537 : i32 to index
      %swap3A_581 = arith.constant 32 : index
      %swap3A_582 = tpu.vector_load %arg7[%swap3A_580, %swap3A_581] {strides = array<i32>} : memref<512x128xf32, #tpu.memory_space<vmem>>, vector<16xf32>,
      tpu.vector_store %arg7[%swap3A_580, %swap3A_581], %gather3A_579 {strides = array<i32>} : memref<512x128xf32, #tpu.memory_space<vmem>>, vector<16xf32>,
      %gather3A_583 = arith.constant 0 : i32
      %gather3A_584 = arith.constant 0 : i32
      %gather3A_585 = tpu.memref_slice %arg6[%rem3A_539, %gather3A_583, %gather3A_584] : memref<7x64x128xf32, #tpu.memory_space<vmem>> -> memref<1x64x128xf32, #tpu.memory_space<vmem>>
      %gather3A_586 = tpu.memref_squeeze %gather3A_585 : memref<1x64x128xf32, #tpu.memory_space<vmem>> -> memref<64x128xf32, #tpu.memory_space<vmem>>
      %gather3A_587 = tpu.vector_load_idx %gather3A_586[%add3A_17, %broadcast_in_dim3A_558] : memref<64x128xf32, #tpu.memory_space<vmem>>[vector<16xi32>, vector<16xi32>], vector<16xf32>,
      %swap3A_588 = arith.index_cast %add3A_537 : i32 to index
      %swap3A_589 = arith.constant 48 : index
      %swap3A_590 = tpu.vector_load %arg7[%swap3A_588, %swap3A_589] {strides = array<i32>} : memref<512x128xf32, #tpu.memory_space<vmem>>, vector<16xf32>,
      tpu.vector_store %arg7[%swap3A_588, %swap3A_589], %gather3A_587 {strides = array<i32>} : memref<512x128xf32, #tpu.memory_space<vmem>>, vector<16xf32>,
      %slice3A_591 = vector.extract_strided_slice %get3A_156 {offsets = [13], sizes = [1], strides = [1]} : vector<16xi32> to vector<1xi32>
      %squeeze3A_592 = vector.extract %slice3A_591[0] : i32 from vector<1xi32>
      %add3A_593 = arith.constant 7 : i32
      %add3A_594 = arith.addi %add3A_537, %add3A_593 : i32
      %lt3A_595 = arith.constant 512 : i32
      %lt3A_596 = arith.cmpi slt, %add3A_594, %lt3A_595 : i32
      %convert_element_type3A_597 = arith.extui %lt3A_596 : i1 to i32
      %cond3A_598 = arith.constant 0 : i32
      %cond3A_599 = arith.cmpi ne, %convert_element_type3A_597, %cond3A_598 : i32
      scf.if %cond3A_599 {
        %shift_right_logical3A_1176 = arith.constant 7 : i32
        %shift_right_logical3A_1177 = arith.shrui %squeeze3A_592, %shift_right_logical3A_1176 : i32
        %mul3A_1178 = arith.constant 128 : i32
        %mul3A_1179 = arith.muli %shift_right_logical3A_1177, %mul3A_1178 : i32
        %dma_start3A_1180 = arith.constant 0 : i32
        %dma_start3A_1181 = arith.constant 0 : i32
        %dma_start3A_1182 = tpu.memref_slice %arg6[%rem3A_539, %dma_start3A_1180, %dma_start3A_1181] : memref<7x64x128xf32, #tpu.memory_space<vmem>> -> memref<1x64x128xf32, #tpu.memory_space<vmem>>
        %dma_start3A_1183 = tpu.memref_squeeze %dma_start3A_1182 : memref<1x64x128xf32, #tpu.memory_space<vmem>> -> memref<64x128xf32, #tpu.memory_space<vmem>>
        %dma_start3A_1184 = arith.constant 0 : i32
        %dma_start3A_1185 = tpu.memref_slice %arg2[%dma_start3A_1184, %mul3A_1179] : memref<64x1000000xf32, #tpu.memory_space<hbm>> -> memref<64x128xf32, #tpu.memory_space<hbm>>
        %dma_start3A_1186 = arith.constant 0 : i32
        %dma_start3A_1187 = arith.constant 0 : i32
        %dma_start3A_1188 = tpu.memref_slice %arg6[%rem3A_539, %dma_start3A_1186, %dma_start3A_1187] : memref<7x64x128xf32, #tpu.memory_space<vmem>> -> memref<1x64x128xf32, #tpu.memory_space<vmem>>
        %dma_start3A_1189 = tpu.memref_squeeze %dma_start3A_1188 : memref<1x64x128xf32, #tpu.memory_space<vmem>> -> memref<64x128xf32, #tpu.memory_space<vmem>>
        %dma_start3A_1190 = arith.constant 0 : i32
        %dma_start3A_1191 = tpu.memref_slice %arg2[%dma_start3A_1190, %mul3A_1179] : memref<64x1000000xf32, #tpu.memory_space<hbm>> -> memref<64x128xf32, #tpu.memory_space<hbm>>
        tpu.enqueue_dma source(%dma_start3A_1191 : memref<64x128xf32, #tpu.memory_space<hbm>>) target(%dma_start3A_1189 : memref<64x128xf32, #tpu.memory_space<vmem>>) target_semaphore(%arg8 : memref<!tpu.dma_semaphore, #tpu.memory_space<semaphore_mem>>)
      } else {
      }
      %add3A_600 = arith.constant 7 : i32
      %add3A_601 = arith.addi %mul3A_154, %add3A_600 : i32
      %rem3A_602 = arith.constant 7 : i32
      %rem3A_603 = arith.remsi %add3A_601, %rem3A_602 : i32
      %dma_wait3A_604 = arith.constant 0 : i32
      %dma_wait3A_605 = arith.constant 0 : i32
      %dma_wait3A_606 = tpu.memref_slice %arg6[%rem3A_603, %dma_wait3A_604, %dma_wait3A_605] : memref<7x64x128xf32, #tpu.memory_space<vmem>> -> memref<1x64x128xf32, #tpu.memory_space<vmem>>
      %dma_wait3A_607 = tpu.memref_squeeze %dma_wait3A_606 : memref<1x64x128xf32, #tpu.memory_space<vmem>> -> memref<64x128xf32, #tpu.memory_space<vmem>>
      %dma_wait3A_608 = arith.constant 0 : i32
      %dma_wait3A_609 = arith.constant 0 : i32
      %dma_wait3A_610 = tpu.memref_slice %arg2[%dma_wait3A_608, %dma_wait3A_609] : memref<64x1000000xf32, #tpu.memory_space<hbm>> -> memref<64x128xf32, #tpu.memory_space<hbm>>
      %dma_wait3A_611 = arith.constant 0 : i32
      %dma_wait3A_612 = arith.constant 0 : i32
      %dma_wait3A_613 = tpu.memref_slice %arg6[%rem3A_603, %dma_wait3A_611, %dma_wait3A_612] : memref<7x64x128xf32, #tpu.memory_space<vmem>> -> memref<1x64x128xf32, #tpu.memory_space<vmem>>
      %dma_wait3A_614 = tpu.memref_squeeze %dma_wait3A_613 : memref<1x64x128xf32, #tpu.memory_space<vmem>> -> memref<64x128xf32, #tpu.memory_space<vmem>>
      %dma_wait3A_615 = arith.constant 0 : i32
      %dma_wait3A_616 = arith.constant 0 : i32
      %dma_wait3A_617 = tpu.memref_slice %arg2[%dma_wait3A_615, %dma_wait3A_616] : memref<64x1000000xf32, #tpu.memory_space<hbm>> -> memref<64x128xf32, #tpu.memory_space<hbm>>
      tpu.wait_dma2 semaphore(%arg8 : memref<!tpu.dma_semaphore, #tpu.memory_space<semaphore_mem>>) src(%dma_wait3A_617 : memref<64x128xf32, #tpu.memory_space<hbm>>) dst(%dma_wait3A_614 : memref<64x128xf32, #tpu.memory_space<vmem>>)
      %slice3A_618 = vector.extract_strided_slice %get3A_156 {offsets = [7], sizes = [1], strides = [1]} : vector<16xi32> to vector<1xi32>
      %squeeze3A_619 = vector.extract %slice3A_618[0] : i32 from vector<1xi32>
      %and3A_620 = arith.constant 127 : i32
      %and3A_621 = arith.andi %squeeze3A_619, %and3A_620 : i32
      %broadcast_in_dim3A_622 = vector.broadcast %and3A_621 : i32 to vector<16xi32>
      %gather3A_623 = arith.constant 0 : i32
      %gather3A_624 = arith.constant 0 : i32
      %gather3A_625 = tpu.memref_slice %arg6[%rem3A_603, %gather3A_623, %gather3A_624] : memref<7x64x128xf32, #tpu.memory_space<vmem>> -> memref<1x64x128xf32, #tpu.memory_space<vmem>>
      %gather3A_626 = tpu.memref_squeeze %gather3A_625 : memref<1x64x128xf32, #tpu.memory_space<vmem>> -> memref<64x128xf32, #tpu.memory_space<vmem>>
      %gather3A_627 = tpu.vector_load_idx %gather3A_626[%add3A_5, %broadcast_in_dim3A_622] : memref<64x128xf32, #tpu.memory_space<vmem>>[vector<16xi32>, vector<16xi32>], vector<16xf32>,
      %swap3A_628 = arith.index_cast %add3A_601 : i32 to index
      %swap3A_629 = arith.constant 0 : index
      %swap3A_630 = tpu.vector_load %arg7[%swap3A_628, %swap3A_629] {strides = array<i32>} : memref<512x128xf32, #tpu.memory_space<vmem>>, vector<16xf32>,
      tpu.vector_store %arg7[%swap3A_628, %swap3A_629], %gather3A_627 {strides = array<i32>} : memref<512x128xf32, #tpu.memory_space<vmem>>, vector<16xf32>,
      %gather3A_631 = arith.constant 0 : i32
      %gather3A_632 = arith.constant 0 : i32
      %gather3A_633 = tpu.memref_slice %arg6[%rem3A_603, %gather3A_631, %gather3A_632] : memref<7x64x128xf32, #tpu.memory_space<vmem>> -> memref<1x64x128xf32, #tpu.memory_space<vmem>>
      %gather3A_634 = tpu.memref_squeeze %gather3A_633 : memref<1x64x128xf32, #tpu.memory_space<vmem>> -> memref<64x128xf32, #tpu.memory_space<vmem>>
      %gather3A_635 = tpu.vector_load_idx %gather3A_634[%add3A_9, %broadcast_in_dim3A_622] : memref<64x128xf32, #tpu.memory_space<vmem>>[vector<16xi32>, vector<16xi32>], vector<16xf32>,
      %swap3A_636 = arith.index_cast %add3A_601 : i32 to index
      %swap3A_637 = arith.constant 16 : index
      %swap3A_638 = tpu.vector_load %arg7[%swap3A_636, %swap3A_637] {strides = array<i32>} : memref<512x128xf32, #tpu.memory_space<vmem>>, vector<16xf32>,
      tpu.vector_store %arg7[%swap3A_636, %swap3A_637], %gather3A_635 {strides = array<i32>} : memref<512x128xf32, #tpu.memory_space<vmem>>, vector<16xf32>,
      %gather3A_639 = arith.constant 0 : i32
      %gather3A_640 = arith.constant 0 : i32
      %gather3A_641 = tpu.memref_slice %arg6[%rem3A_603, %gather3A_639, %gather3A_640] : memref<7x64x128xf32, #tpu.memory_space<vmem>> -> memref<1x64x128xf32, #tpu.memory_space<vmem>>
      %gather3A_642 = tpu.memref_squeeze %gather3A_641 : memref<1x64x128xf32, #tpu.memory_space<vmem>> -> memref<64x128xf32, #tpu.memory_space<vmem>>
      %gather3A_643 = tpu.vector_load_idx %gather3A_642[%add3A_13, %broadcast_in_dim3A_622] : memref<64x128xf32, #tpu.memory_space<vmem>>[vector<16xi32>, vector<16xi32>], vector<16xf32>,
      %swap3A_644 = arith.index_cast %add3A_601 : i32 to index
      %swap3A_645 = arith.constant 32 : index
      %swap3A_646 = tpu.vector_load %arg7[%swap3A_644, %swap3A_645] {strides = array<i32>} : memref<512x128xf32, #tpu.memory_space<vmem>>, vector<16xf32>,
      tpu.vector_store %arg7[%swap3A_644, %swap3A_645], %gather3A_643 {strides = array<i32>} : memref<512x128xf32, #tpu.memory_space<vmem>>, vector<16xf32>,
      %gather3A_647 = arith.constant 0 : i32
      %gather3A_648 = arith.constant 0 : i32
      %gather3A_649 = tpu.memref_slice %arg6[%rem3A_603, %gather3A_647, %gather3A_648] : memref<7x64x128xf32, #tpu.memory_space<vmem>> -> memref<1x64x128xf32, #tpu.memory_space<vmem>>
      %gather3A_650 = tpu.memref_squeeze %gather3A_649 : memref<1x64x128xf32, #tpu.memory_space<vmem>> -> memref<64x128xf32, #tpu.memory_space<vmem>>
      %gather3A_651 = tpu.vector_load_idx %gather3A_650[%add3A_17, %broadcast_in_dim3A_622] : memref<64x128xf32, #tpu.memory_space<vmem>>[vector<16xi32>, vector<16xi32>], vector<16xf32>,
      %swap3A_652 = arith.index_cast %add3A_601 : i32 to index
      %swap3A_653 = arith.constant 48 : index
      %swap3A_654 = tpu.vector_load %arg7[%swap3A_652, %swap3A_653] {strides = array<i32>} : memref<512x128xf32, #tpu.memory_space<vmem>>, vector<16xf32>,
      tpu.vector_store %arg7[%swap3A_652, %swap3A_653], %gather3A_651 {strides = array<i32>} : memref<512x128xf32, #tpu.memory_space<vmem>>, vector<16xf32>,
      %slice3A_655 = vector.extract_strided_slice %get3A_156 {offsets = [14], sizes = [1], strides = [1]} : vector<16xi32> to vector<1xi32>
      %squeeze3A_656 = vector.extract %slice3A_655[0] : i32 from vector<1xi32>
      %add3A_657 = arith.constant 7 : i32
      %add3A_658 = arith.addi %add3A_601, %add3A_657 : i32
      %lt3A_659 = arith.constant 512 : i32
      %lt3A_660 = arith.cmpi slt, %add3A_658, %lt3A_659 : i32
      %convert_element_type3A_661 = arith.extui %lt3A_660 : i1 to i32
      %cond3A_662 = arith.constant 0 : i32
      %cond3A_663 = arith.cmpi ne, %convert_element_type3A_661, %cond3A_662 : i32
      scf.if %cond3A_663 {
        %shift_right_logical3A_1176 = arith.constant 7 : i32
        %shift_right_logical3A_1177 = arith.shrui %squeeze3A_656, %shift_right_logical3A_1176 : i32
        %mul3A_1178 = arith.constant 128 : i32
        %mul3A_1179 = arith.muli %shift_right_logical3A_1177, %mul3A_1178 : i32
        %dma_start3A_1180 = arith.constant 0 : i32
        %dma_start3A_1181 = arith.constant 0 : i32
        %dma_start3A_1182 = tpu.memref_slice %arg6[%rem3A_603, %dma_start3A_1180, %dma_start3A_1181] : memref<7x64x128xf32, #tpu.memory_space<vmem>> -> memref<1x64x128xf32, #tpu.memory_space<vmem>>
        %dma_start3A_1183 = tpu.memref_squeeze %dma_start3A_1182 : memref<1x64x128xf32, #tpu.memory_space<vmem>> -> memref<64x128xf32, #tpu.memory_space<vmem>>
        %dma_start3A_1184 = arith.constant 0 : i32
        %dma_start3A_1185 = tpu.memref_slice %arg2[%dma_start3A_1184, %mul3A_1179] : memref<64x1000000xf32, #tpu.memory_space<hbm>> -> memref<64x128xf32, #tpu.memory_space<hbm>>
        %dma_start3A_1186 = arith.constant 0 : i32
        %dma_start3A_1187 = arith.constant 0 : i32
        %dma_start3A_1188 = tpu.memref_slice %arg6[%rem3A_603, %dma_start3A_1186, %dma_start3A_1187] : memref<7x64x128xf32, #tpu.memory_space<vmem>> -> memref<1x64x128xf32, #tpu.memory_space<vmem>>
        %dma_start3A_1189 = tpu.memref_squeeze %dma_start3A_1188 : memref<1x64x128xf32, #tpu.memory_space<vmem>> -> memref<64x128xf32, #tpu.memory_space<vmem>>
        %dma_start3A_1190 = arith.constant 0 : i32
        %dma_start3A_1191 = tpu.memref_slice %arg2[%dma_start3A_1190, %mul3A_1179] : memref<64x1000000xf32, #tpu.memory_space<hbm>> -> memref<64x128xf32, #tpu.memory_space<hbm>>
        tpu.enqueue_dma source(%dma_start3A_1191 : memref<64x128xf32, #tpu.memory_space<hbm>>) target(%dma_start3A_1189 : memref<64x128xf32, #tpu.memory_space<vmem>>) target_semaphore(%arg8 : memref<!tpu.dma_semaphore, #tpu.memory_space<semaphore_mem>>)
      } else {
      }
      %add3A_664 = arith.constant 8 : i32
      %add3A_665 = arith.addi %mul3A_154, %add3A_664 : i32
      %rem3A_666 = arith.constant 7 : i32
      %rem3A_667 = arith.remsi %add3A_665, %rem3A_666 : i32
      %dma_wait3A_668 = arith.constant 0 : i32
      %dma_wait3A_669 = arith.constant 0 : i32
      %dma_wait3A_670 = tpu.memref_slice %arg6[%rem3A_667, %dma_wait3A_668, %dma_wait3A_669] : memref<7x64x128xf32, #tpu.memory_space<vmem>> -> memref<1x64x128xf32, #tpu.memory_space<vmem>>
      %dma_wait3A_671 = tpu.memref_squeeze %dma_wait3A_670 : memref<1x64x128xf32, #tpu.memory_space<vmem>> -> memref<64x128xf32, #tpu.memory_space<vmem>>
      %dma_wait3A_672 = arith.constant 0 : i32
      %dma_wait3A_673 = arith.constant 0 : i32
      %dma_wait3A_674 = tpu.memref_slice %arg2[%dma_wait3A_672, %dma_wait3A_673] : memref<64x1000000xf32, #tpu.memory_space<hbm>> -> memref<64x128xf32, #tpu.memory_space<hbm>>
      %dma_wait3A_675 = arith.constant 0 : i32
      %dma_wait3A_676 = arith.constant 0 : i32
      %dma_wait3A_677 = tpu.memref_slice %arg6[%rem3A_667, %dma_wait3A_675, %dma_wait3A_676] : memref<7x64x128xf32, #tpu.memory_space<vmem>> -> memref<1x64x128xf32, #tpu.memory_space<vmem>>
      %dma_wait3A_678 = tpu.memref_squeeze %dma_wait3A_677 : memref<1x64x128xf32, #tpu.memory_space<vmem>> -> memref<64x128xf32, #tpu.memory_space<vmem>>
      %dma_wait3A_679 = arith.constant 0 : i32
      %dma_wait3A_680 = arith.constant 0 : i32
      %dma_wait3A_681 = tpu.memref_slice %arg2[%dma_wait3A_679, %dma_wait3A_680] : memref<64x1000000xf32, #tpu.memory_space<hbm>> -> memref<64x128xf32, #tpu.memory_space<hbm>>
      tpu.wait_dma2 semaphore(%arg8 : memref<!tpu.dma_semaphore, #tpu.memory_space<semaphore_mem>>) src(%dma_wait3A_681 : memref<64x128xf32, #tpu.memory_space<hbm>>) dst(%dma_wait3A_678 : memref<64x128xf32, #tpu.memory_space<vmem>>)
      %slice3A_682 = vector.extract_strided_slice %get3A_156 {offsets = [8], sizes = [1], strides = [1]} : vector<16xi32> to vector<1xi32>
      %squeeze3A_683 = vector.extract %slice3A_682[0] : i32 from vector<1xi32>
      %and3A_684 = arith.constant 127 : i32
      %and3A_685 = arith.andi %squeeze3A_683, %and3A_684 : i32
      %broadcast_in_dim3A_686 = vector.broadcast %and3A_685 : i32 to vector<16xi32>
      %gather3A_687 = arith.constant 0 : i32
      %gather3A_688 = arith.constant 0 : i32
      %gather3A_689 = tpu.memref_slice %arg6[%rem3A_667, %gather3A_687, %gather3A_688] : memref<7x64x128xf32, #tpu.memory_space<vmem>> -> memref<1x64x128xf32, #tpu.memory_space<vmem>>
      %gather3A_690 = tpu.memref_squeeze %gather3A_689 : memref<1x64x128xf32, #tpu.memory_space<vmem>> -> memref<64x128xf32, #tpu.memory_space<vmem>>
      %gather3A_691 = tpu.vector_load_idx %gather3A_690[%add3A_5, %broadcast_in_dim3A_686] : memref<64x128xf32, #tpu.memory_space<vmem>>[vector<16xi32>, vector<16xi32>], vector<16xf32>,
      %swap3A_692 = arith.index_cast %add3A_665 : i32 to index
      %swap3A_693 = arith.constant 0 : index
      %swap3A_694 = tpu.vector_load %arg7[%swap3A_692, %swap3A_693] {strides = array<i32>} : memref<512x128xf32, #tpu.memory_space<vmem>>, vector<16xf32>,
      tpu.vector_store %arg7[%swap3A_692, %swap3A_693], %gather3A_691 {strides = array<i32>} : memref<512x128xf32, #tpu.memory_space<vmem>>, vector<16xf32>,
      %gather3A_695 = arith.constant 0 : i32
      %gather3A_696 = arith.constant 0 : i32
      %gather3A_697 = tpu.memref_slice %arg6[%rem3A_667, %gather3A_695, %gather3A_696] : memref<7x64x128xf32, #tpu.memory_space<vmem>> -> memref<1x64x128xf32, #tpu.memory_space<vmem>>
      %gather3A_698 = tpu.memref_squeeze %gather3A_697 : memref<1x64x128xf32, #tpu.memory_space<vmem>> -> memref<64x128xf32, #tpu.memory_space<vmem>>
      %gather3A_699 = tpu.vector_load_idx %gather3A_698[%add3A_9, %broadcast_in_dim3A_686] : memref<64x128xf32, #tpu.memory_space<vmem>>[vector<16xi32>, vector<16xi32>], vector<16xf32>,
      %swap3A_700 = arith.index_cast %add3A_665 : i32 to index
      %swap3A_701 = arith.constant 16 : index
      %swap3A_702 = tpu.vector_load %arg7[%swap3A_700, %swap3A_701] {strides = array<i32>} : memref<512x128xf32, #tpu.memory_space<vmem>>, vector<16xf32>,
      tpu.vector_store %arg7[%swap3A_700, %swap3A_701], %gather3A_699 {strides = array<i32>} : memref<512x128xf32, #tpu.memory_space<vmem>>, vector<16xf32>,
      %gather3A_703 = arith.constant 0 : i32
      %gather3A_704 = arith.constant 0 : i32
      %gather3A_705 = tpu.memref_slice %arg6[%rem3A_667, %gather3A_703, %gather3A_704] : memref<7x64x128xf32, #tpu.memory_space<vmem>> -> memref<1x64x128xf32, #tpu.memory_space<vmem>>
      %gather3A_706 = tpu.memref_squeeze %gather3A_705 : memref<1x64x128xf32, #tpu.memory_space<vmem>> -> memref<64x128xf32, #tpu.memory_space<vmem>>
      %gather3A_707 = tpu.vector_load_idx %gather3A_706[%add3A_13, %broadcast_in_dim3A_686] : memref<64x128xf32, #tpu.memory_space<vmem>>[vector<16xi32>, vector<16xi32>], vector<16xf32>,
      %swap3A_708 = arith.index_cast %add3A_665 : i32 to index
      %swap3A_709 = arith.constant 32 : index
      %swap3A_710 = tpu.vector_load %arg7[%swap3A_708, %swap3A_709] {strides = array<i32>} : memref<512x128xf32, #tpu.memory_space<vmem>>, vector<16xf32>,
      tpu.vector_store %arg7[%swap3A_708, %swap3A_709], %gather3A_707 {strides = array<i32>} : memref<512x128xf32, #tpu.memory_space<vmem>>, vector<16xf32>,
      %gather3A_711 = arith.constant 0 : i32
      %gather3A_712 = arith.constant 0 : i32
      %gather3A_713 = tpu.memref_slice %arg6[%rem3A_667, %gather3A_711, %gather3A_712] : memref<7x64x128xf32, #tpu.memory_space<vmem>> -> memref<1x64x128xf32, #tpu.memory_space<vmem>>
      %gather3A_714 = tpu.memref_squeeze %gather3A_713 : memref<1x64x128xf32, #tpu.memory_space<vmem>> -> memref<64x128xf32, #tpu.memory_space<vmem>>
      %gather3A_715 = tpu.vector_load_idx %gather3A_714[%add3A_17, %broadcast_in_dim3A_686] : memref<64x128xf32, #tpu.memory_space<vmem>>[vector<16xi32>, vector<16xi32>], vector<16xf32>,
      %swap3A_716 = arith.index_cast %add3A_665 : i32 to index
      %swap3A_717 = arith.constant 48 : index
      %swap3A_718 = tpu.vector_load %arg7[%swap3A_716, %swap3A_717] {strides = array<i32>} : memref<512x128xf32, #tpu.memory_space<vmem>>, vector<16xf32>,
      tpu.vector_store %arg7[%swap3A_716, %swap3A_717], %gather3A_715 {strides = array<i32>} : memref<512x128xf32, #tpu.memory_space<vmem>>, vector<16xf32>,
      %slice3A_719 = vector.extract_strided_slice %get3A_156 {offsets = [15], sizes = [1], strides = [1]} : vector<16xi32> to vector<1xi32>
      %squeeze3A_720 = vector.extract %slice3A_719[0] : i32 from vector<1xi32>
      %add3A_721 = arith.constant 7 : i32
      %add3A_722 = arith.addi %add3A_665, %add3A_721 : i32
      %lt3A_723 = arith.constant 512 : i32
      %lt3A_724 = arith.cmpi slt, %add3A_722, %lt3A_723 : i32
      %convert_element_type3A_725 = arith.extui %lt3A_724 : i1 to i32
      %cond3A_726 = arith.constant 0 : i32
      %cond3A_727 = arith.cmpi ne, %convert_element_type3A_725, %cond3A_726 : i32
      scf.if %cond3A_727 {
        %shift_right_logical3A_1176 = arith.constant 7 : i32
        %shift_right_logical3A_1177 = arith.shrui %squeeze3A_720, %shift_right_logical3A_1176 : i32
        %mul3A_1178 = arith.constant 128 : i32
        %mul3A_1179 = arith.muli %shift_right_logical3A_1177, %mul3A_1178 : i32
        %dma_start3A_1180 = arith.constant 0 : i32
        %dma_start3A_1181 = arith.constant 0 : i32
        %dma_start3A_1182 = tpu.memref_slice %arg6[%rem3A_667, %dma_start3A_1180, %dma_start3A_1181] : memref<7x64x128xf32, #tpu.memory_space<vmem>> -> memref<1x64x128xf32, #tpu.memory_space<vmem>>
        %dma_start3A_1183 = tpu.memref_squeeze %dma_start3A_1182 : memref<1x64x128xf32, #tpu.memory_space<vmem>> -> memref<64x128xf32, #tpu.memory_space<vmem>>
        %dma_start3A_1184 = arith.constant 0 : i32
        %dma_start3A_1185 = tpu.memref_slice %arg2[%dma_start3A_1184, %mul3A_1179] : memref<64x1000000xf32, #tpu.memory_space<hbm>> -> memref<64x128xf32, #tpu.memory_space<hbm>>
        %dma_start3A_1186 = arith.constant 0 : i32
        %dma_start3A_1187 = arith.constant 0 : i32
        %dma_start3A_1188 = tpu.memref_slice %arg6[%rem3A_667, %dma_start3A_1186, %dma_start3A_1187] : memref<7x64x128xf32, #tpu.memory_space<vmem>> -> memref<1x64x128xf32, #tpu.memory_space<vmem>>
        %dma_start3A_1189 = tpu.memref_squeeze %dma_start3A_1188 : memref<1x64x128xf32, #tpu.memory_space<vmem>> -> memref<64x128xf32, #tpu.memory_space<vmem>>
        %dma_start3A_1190 = arith.constant 0 : i32
        %dma_start3A_1191 = tpu.memref_slice %arg2[%dma_start3A_1190, %mul3A_1179] : memref<64x1000000xf32, #tpu.memory_space<hbm>> -> memref<64x128xf32, #tpu.memory_space<hbm>>
        tpu.enqueue_dma source(%dma_start3A_1191 : memref<64x128xf32, #tpu.memory_space<hbm>>) target(%dma_start3A_1189 : memref<64x128xf32, #tpu.memory_space<vmem>>) target_semaphore(%arg8 : memref<!tpu.dma_semaphore, #tpu.memory_space<semaphore_mem>>)
      } else {
      }
      %add3A_728 = arith.constant 9 : i32
      %add3A_729 = arith.addi %mul3A_154, %add3A_728 : i32
      %rem3A_730 = arith.constant 7 : i32
      %rem3A_731 = arith.remsi %add3A_729, %rem3A_730 : i32
      %dma_wait3A_732 = arith.constant 0 : i32
      %dma_wait3A_733 = arith.constant 0 : i32
      %dma_wait3A_734 = tpu.memref_slice %arg6[%rem3A_731, %dma_wait3A_732, %dma_wait3A_733] : memref<7x64x128xf32, #tpu.memory_space<vmem>> -> memref<1x64x128xf32, #tpu.memory_space<vmem>>
      %dma_wait3A_735 = tpu.memref_squeeze %dma_wait3A_734 : memref<1x64x128xf32, #tpu.memory_space<vmem>> -> memref<64x128xf32, #tpu.memory_space<vmem>>
      %dma_wait3A_736 = arith.constant 0 : i32
      %dma_wait3A_737 = arith.constant 0 : i32
      %dma_wait3A_738 = tpu.memref_slice %arg2[%dma_wait3A_736, %dma_wait3A_737] : memref<64x1000000xf32, #tpu.memory_space<hbm>> -> memref<64x128xf32, #tpu.memory_space<hbm>>
      %dma_wait3A_739 = arith.constant 0 : i32
      %dma_wait3A_740 = arith.constant 0 : i32
      %dma_wait3A_741 = tpu.memref_slice %arg6[%rem3A_731, %dma_wait3A_739, %dma_wait3A_740] : memref<7x64x128xf32, #tpu.memory_space<vmem>> -> memref<1x64x128xf32, #tpu.memory_space<vmem>>
      %dma_wait3A_742 = tpu.memref_squeeze %dma_wait3A_741 : memref<1x64x128xf32, #tpu.memory_space<vmem>> -> memref<64x128xf32, #tpu.memory_space<vmem>>
      %dma_wait3A_743 = arith.constant 0 : i32
      %dma_wait3A_744 = arith.constant 0 : i32
      %dma_wait3A_745 = tpu.memref_slice %arg2[%dma_wait3A_743, %dma_wait3A_744] : memref<64x1000000xf32, #tpu.memory_space<hbm>> -> memref<64x128xf32, #tpu.memory_space<hbm>>
      tpu.wait_dma2 semaphore(%arg8 : memref<!tpu.dma_semaphore, #tpu.memory_space<semaphore_mem>>) src(%dma_wait3A_745 : memref<64x128xf32, #tpu.memory_space<hbm>>) dst(%dma_wait3A_742 : memref<64x128xf32, #tpu.memory_space<vmem>>)
      %slice3A_746 = vector.extract_strided_slice %get3A_156 {offsets = [9], sizes = [1], strides = [1]} : vector<16xi32> to vector<1xi32>
      %squeeze3A_747 = vector.extract %slice3A_746[0] : i32 from vector<1xi32>
      %and3A_748 = arith.constant 127 : i32
      %and3A_749 = arith.andi %squeeze3A_747, %and3A_748 : i32
      %broadcast_in_dim3A_750 = vector.broadcast %and3A_749 : i32 to vector<16xi32>
      %gather3A_751 = arith.constant 0 : i32
      %gather3A_752 = arith.constant 0 : i32
      %gather3A_753 = tpu.memref_slice %arg6[%rem3A_731, %gather3A_751, %gather3A_752] : memref<7x64x128xf32, #tpu.memory_space<vmem>> -> memref<1x64x128xf32, #tpu.memory_space<vmem>>
      %gather3A_754 = tpu.memref_squeeze %gather3A_753 : memref<1x64x128xf32, #tpu.memory_space<vmem>> -> memref<64x128xf32, #tpu.memory_space<vmem>>
      %gather3A_755 = tpu.vector_load_idx %gather3A_754[%add3A_5, %broadcast_in_dim3A_750] : memref<64x128xf32, #tpu.memory_space<vmem>>[vector<16xi32>, vector<16xi32>], vector<16xf32>,
      %swap3A_756 = arith.index_cast %add3A_729 : i32 to index
      %swap3A_757 = arith.constant 0 : index
      %swap3A_758 = tpu.vector_load %arg7[%swap3A_756, %swap3A_757] {strides = array<i32>} : memref<512x128xf32, #tpu.memory_space<vmem>>, vector<16xf32>,
      tpu.vector_store %arg7[%swap3A_756, %swap3A_757], %gather3A_755 {strides = array<i32>} : memref<512x128xf32, #tpu.memory_space<vmem>>, vector<16xf32>,
      %gather3A_759 = arith.constant 0 : i32
      %gather3A_760 = arith.constant 0 : i32
      %gather3A_761 = tpu.memref_slice %arg6[%rem3A_731, %gather3A_759, %gather3A_760] : memref<7x64x128xf32, #tpu.memory_space<vmem>> -> memref<1x64x128xf32, #tpu.memory_space<vmem>>
      %gather3A_762 = tpu.memref_squeeze %gather3A_761 : memref<1x64x128xf32, #tpu.memory_space<vmem>> -> memref<64x128xf32, #tpu.memory_space<vmem>>
      %gather3A_763 = tpu.vector_load_idx %gather3A_762[%add3A_9, %broadcast_in_dim3A_750] : memref<64x128xf32, #tpu.memory_space<vmem>>[vector<16xi32>, vector<16xi32>], vector<16xf32>,
      %swap3A_764 = arith.index_cast %add3A_729 : i32 to index
      %swap3A_765 = arith.constant 16 : index
      %swap3A_766 = tpu.vector_load %arg7[%swap3A_764, %swap3A_765] {strides = array<i32>} : memref<512x128xf32, #tpu.memory_space<vmem>>, vector<16xf32>,
      tpu.vector_store %arg7[%swap3A_764, %swap3A_765], %gather3A_763 {strides = array<i32>} : memref<512x128xf32, #tpu.memory_space<vmem>>, vector<16xf32>,
      %gather3A_767 = arith.constant 0 : i32
      %gather3A_768 = arith.constant 0 : i32
      %gather3A_769 = tpu.memref_slice %arg6[%rem3A_731, %gather3A_767, %gather3A_768] : memref<7x64x128xf32, #tpu.memory_space<vmem>> -> memref<1x64x128xf32, #tpu.memory_space<vmem>>
      %gather3A_770 = tpu.memref_squeeze %gather3A_769 : memref<1x64x128xf32, #tpu.memory_space<vmem>> -> memref<64x128xf32, #tpu.memory_space<vmem>>
      %gather3A_771 = tpu.vector_load_idx %gather3A_770[%add3A_13, %broadcast_in_dim3A_750] : memref<64x128xf32, #tpu.memory_space<vmem>>[vector<16xi32>, vector<16xi32>], vector<16xf32>,
      %swap3A_772 = arith.index_cast %add3A_729 : i32 to index
      %swap3A_773 = arith.constant 32 : index
      %swap3A_774 = tpu.vector_load %arg7[%swap3A_772, %swap3A_773] {strides = array<i32>} : memref<512x128xf32, #tpu.memory_space<vmem>>, vector<16xf32>,
      tpu.vector_store %arg7[%swap3A_772, %swap3A_773], %gather3A_771 {strides = array<i32>} : memref<512x128xf32, #tpu.memory_space<vmem>>, vector<16xf32>,
      %gather3A_775 = arith.constant 0 : i32
      %gather3A_776 = arith.constant 0 : i32
      %gather3A_777 = tpu.memref_slice %arg6[%rem3A_731, %gather3A_775, %gather3A_776] : memref<7x64x128xf32, #tpu.memory_space<vmem>> -> memref<1x64x128xf32, #tpu.memory_space<vmem>>
      %gather3A_778 = tpu.memref_squeeze %gather3A_777 : memref<1x64x128xf32, #tpu.memory_space<vmem>> -> memref<64x128xf32, #tpu.memory_space<vmem>>
      %gather3A_779 = tpu.vector_load_idx %gather3A_778[%add3A_17, %broadcast_in_dim3A_750] : memref<64x128xf32, #tpu.memory_space<vmem>>[vector<16xi32>, vector<16xi32>], vector<16xf32>,
      %swap3A_780 = arith.index_cast %add3A_729 : i32 to index
      %swap3A_781 = arith.constant 48 : index
      %swap3A_782 = tpu.vector_load %arg7[%swap3A_780, %swap3A_781] {strides = array<i32>} : memref<512x128xf32, #tpu.memory_space<vmem>>, vector<16xf32>,
      tpu.vector_store %arg7[%swap3A_780, %swap3A_781], %gather3A_779 {strides = array<i32>} : memref<512x128xf32, #tpu.memory_space<vmem>>, vector<16xf32>,
      %slice3A_783 = vector.extract_strided_slice %get3A_160 {offsets = [0], sizes = [1], strides = [1]} : vector<16xi32> to vector<1xi32>
      %squeeze3A_784 = vector.extract %slice3A_783[0] : i32 from vector<1xi32>
      %add3A_785 = arith.constant 7 : i32
      %add3A_786 = arith.addi %add3A_729, %add3A_785 : i32
      %lt3A_787 = arith.constant 512 : i32
      %lt3A_788 = arith.cmpi slt, %add3A_786, %lt3A_787 : i32
      %convert_element_type3A_789 = arith.extui %lt3A_788 : i1 to i32
      %cond3A_790 = arith.constant 0 : i32
      %cond3A_791 = arith.cmpi ne, %convert_element_type3A_789, %cond3A_790 : i32
      scf.if %cond3A_791 {
        %shift_right_logical3A_1176 = arith.constant 7 : i32
        %shift_right_logical3A_1177 = arith.shrui %squeeze3A_784, %shift_right_logical3A_1176 : i32
        %mul3A_1178 = arith.constant 128 : i32
        %mul3A_1179 = arith.muli %shift_right_logical3A_1177, %mul3A_1178 : i32
        %dma_start3A_1180 = arith.constant 0 : i32
        %dma_start3A_1181 = arith.constant 0 : i32
        %dma_start3A_1182 = tpu.memref_slice %arg6[%rem3A_731, %dma_start3A_1180, %dma_start3A_1181] : memref<7x64x128xf32, #tpu.memory_space<vmem>> -> memref<1x64x128xf32, #tpu.memory_space<vmem>>
        %dma_start3A_1183 = tpu.memref_squeeze %dma_start3A_1182 : memref<1x64x128xf32, #tpu.memory_space<vmem>> -> memref<64x128xf32, #tpu.memory_space<vmem>>
        %dma_start3A_1184 = arith.constant 0 : i32
        %dma_start3A_1185 = tpu.memref_slice %arg2[%dma_start3A_1184, %mul3A_1179] : memref<64x1000000xf32, #tpu.memory_space<hbm>> -> memref<64x128xf32, #tpu.memory_space<hbm>>
        %dma_start3A_1186 = arith.constant 0 : i32
        %dma_start3A_1187 = arith.constant 0 : i32
        %dma_start3A_1188 = tpu.memref_slice %arg6[%rem3A_731, %dma_start3A_1186, %dma_start3A_1187] : memref<7x64x128xf32, #tpu.memory_space<vmem>> -> memref<1x64x128xf32, #tpu.memory_space<vmem>>
        %dma_start3A_1189 = tpu.memref_squeeze %dma_start3A_1188 : memref<1x64x128xf32, #tpu.memory_space<vmem>> -> memref<64x128xf32, #tpu.memory_space<vmem>>
        %dma_start3A_1190 = arith.constant 0 : i32
        %dma_start3A_1191 = tpu.memref_slice %arg2[%dma_start3A_1190, %mul3A_1179] : memref<64x1000000xf32, #tpu.memory_space<hbm>> -> memref<64x128xf32, #tpu.memory_space<hbm>>
        tpu.enqueue_dma source(%dma_start3A_1191 : memref<64x128xf32, #tpu.memory_space<hbm>>) target(%dma_start3A_1189 : memref<64x128xf32, #tpu.memory_space<vmem>>) target_semaphore(%arg8 : memref<!tpu.dma_semaphore, #tpu.memory_space<semaphore_mem>>)
      } else {
      }
      %add3A_792 = arith.constant 10 : i32
      %add3A_793 = arith.addi %mul3A_154, %add3A_792 : i32
      %rem3A_794 = arith.constant 7 : i32
      %rem3A_795 = arith.remsi %add3A_793, %rem3A_794 : i32
      %dma_wait3A_796 = arith.constant 0 : i32
      %dma_wait3A_797 = arith.constant 0 : i32
      %dma_wait3A_798 = tpu.memref_slice %arg6[%rem3A_795, %dma_wait3A_796, %dma_wait3A_797] : memref<7x64x128xf32, #tpu.memory_space<vmem>> -> memref<1x64x128xf32, #tpu.memory_space<vmem>>
      %dma_wait3A_799 = tpu.memref_squeeze %dma_wait3A_798 : memref<1x64x128xf32, #tpu.memory_space<vmem>> -> memref<64x128xf32, #tpu.memory_space<vmem>>
      %dma_wait3A_800 = arith.constant 0 : i32
      %dma_wait3A_801 = arith.constant 0 : i32
      %dma_wait3A_802 = tpu.memref_slice %arg2[%dma_wait3A_800, %dma_wait3A_801] : memref<64x1000000xf32, #tpu.memory_space<hbm>> -> memref<64x128xf32, #tpu.memory_space<hbm>>
      %dma_wait3A_803 = arith.constant 0 : i32
      %dma_wait3A_804 = arith.constant 0 : i32
      %dma_wait3A_805 = tpu.memref_slice %arg6[%rem3A_795, %dma_wait3A_803, %dma_wait3A_804] : memref<7x64x128xf32, #tpu.memory_space<vmem>> -> memref<1x64x128xf32, #tpu.memory_space<vmem>>
      %dma_wait3A_806 = tpu.memref_squeeze %dma_wait3A_805 : memref<1x64x128xf32, #tpu.memory_space<vmem>> -> memref<64x128xf32, #tpu.memory_space<vmem>>
      %dma_wait3A_807 = arith.constant 0 : i32
      %dma_wait3A_808 = arith.constant 0 : i32
      %dma_wait3A_809 = tpu.memref_slice %arg2[%dma_wait3A_807, %dma_wait3A_808] : memref<64x1000000xf32, #tpu.memory_space<hbm>> -> memref<64x128xf32, #tpu.memory_space<hbm>>
      tpu.wait_dma2 semaphore(%arg8 : memref<!tpu.dma_semaphore, #tpu.memory_space<semaphore_mem>>) src(%dma_wait3A_809 : memref<64x128xf32, #tpu.memory_space<hbm>>) dst(%dma_wait3A_806 : memref<64x128xf32, #tpu.memory_space<vmem>>)
      %slice3A_810 = vector.extract_strided_slice %get3A_156 {offsets = [10], sizes = [1], strides = [1]} : vector<16xi32> to vector<1xi32>
      %squeeze3A_811 = vector.extract %slice3A_810[0] : i32 from vector<1xi32>
      %and3A_812 = arith.constant 127 : i32
      %and3A_813 = arith.andi %squeeze3A_811, %and3A_812 : i32
      %broadcast_in_dim3A_814 = vector.broadcast %and3A_813 : i32 to vector<16xi32>
      %gather3A_815 = arith.constant 0 : i32
      %gather3A_816 = arith.constant 0 : i32
      %gather3A_817 = tpu.memref_slice %arg6[%rem3A_795, %gather3A_815, %gather3A_816] : memref<7x64x128xf32, #tpu.memory_space<vmem>> -> memref<1x64x128xf32, #tpu.memory_space<vmem>>
      %gather3A_818 = tpu.memref_squeeze %gather3A_817 : memref<1x64x128xf32, #tpu.memory_space<vmem>> -> memref<64x128xf32, #tpu.memory_space<vmem>>
      %gather3A_819 = tpu.vector_load_idx %gather3A_818[%add3A_5, %broadcast_in_dim3A_814] : memref<64x128xf32, #tpu.memory_space<vmem>>[vector<16xi32>, vector<16xi32>], vector<16xf32>,
      %swap3A_820 = arith.index_cast %add3A_793 : i32 to index
      %swap3A_821 = arith.constant 0 : index
      %swap3A_822 = tpu.vector_load %arg7[%swap3A_820, %swap3A_821] {strides = array<i32>} : memref<512x128xf32, #tpu.memory_space<vmem>>, vector<16xf32>,
      tpu.vector_store %arg7[%swap3A_820, %swap3A_821], %gather3A_819 {strides = array<i32>} : memref<512x128xf32, #tpu.memory_space<vmem>>, vector<16xf32>,
      %gather3A_823 = arith.constant 0 : i32
      %gather3A_824 = arith.constant 0 : i32
      %gather3A_825 = tpu.memref_slice %arg6[%rem3A_795, %gather3A_823, %gather3A_824] : memref<7x64x128xf32, #tpu.memory_space<vmem>> -> memref<1x64x128xf32, #tpu.memory_space<vmem>>
      %gather3A_826 = tpu.memref_squeeze %gather3A_825 : memref<1x64x128xf32, #tpu.memory_space<vmem>> -> memref<64x128xf32, #tpu.memory_space<vmem>>
      %gather3A_827 = tpu.vector_load_idx %gather3A_826[%add3A_9, %broadcast_in_dim3A_814] : memref<64x128xf32, #tpu.memory_space<vmem>>[vector<16xi32>, vector<16xi32>], vector<16xf32>,
      %swap3A_828 = arith.index_cast %add3A_793 : i32 to index
      %swap3A_829 = arith.constant 16 : index
      %swap3A_830 = tpu.vector_load %arg7[%swap3A_828, %swap3A_829] {strides = array<i32>} : memref<512x128xf32, #tpu.memory_space<vmem>>, vector<16xf32>,
      tpu.vector_store %arg7[%swap3A_828, %swap3A_829], %gather3A_827 {strides = array<i32>} : memref<512x128xf32, #tpu.memory_space<vmem>>, vector<16xf32>,
      %gather3A_831 = arith.constant 0 : i32
      %gather3A_832 = arith.constant 0 : i32
      %gather3A_833 = tpu.memref_slice %arg6[%rem3A_795, %gather3A_831, %gather3A_832] : memref<7x64x128xf32, #tpu.memory_space<vmem>> -> memref<1x64x128xf32, #tpu.memory_space<vmem>>
      %gather3A_834 = tpu.memref_squeeze %gather3A_833 : memref<1x64x128xf32, #tpu.memory_space<vmem>> -> memref<64x128xf32, #tpu.memory_space<vmem>>
      %gather3A_835 = tpu.vector_load_idx %gather3A_834[%add3A_13, %broadcast_in_dim3A_814] : memref<64x128xf32, #tpu.memory_space<vmem>>[vector<16xi32>, vector<16xi32>], vector<16xf32>,
      %swap3A_836 = arith.index_cast %add3A_793 : i32 to index
      %swap3A_837 = arith.constant 32 : index
      %swap3A_838 = tpu.vector_load %arg7[%swap3A_836, %swap3A_837] {strides = array<i32>} : memref<512x128xf32, #tpu.memory_space<vmem>>, vector<16xf32>,
      tpu.vector_store %arg7[%swap3A_836, %swap3A_837], %gather3A_835 {strides = array<i32>} : memref<512x128xf32, #tpu.memory_space<vmem>>, vector<16xf32>,
      %gather3A_839 = arith.constant 0 : i32
      %gather3A_840 = arith.constant 0 : i32
      %gather3A_841 = tpu.memref_slice %arg6[%rem3A_795, %gather3A_839, %gather3A_840] : memref<7x64x128xf32, #tpu.memory_space<vmem>> -> memref<1x64x128xf32, #tpu.memory_space<vmem>>
      %gather3A_842 = tpu.memref_squeeze %gather3A_841 : memref<1x64x128xf32, #tpu.memory_space<vmem>> -> memref<64x128xf32, #tpu.memory_space<vmem>>
      %gather3A_843 = tpu.vector_load_idx %gather3A_842[%add3A_17, %broadcast_in_dim3A_814] : memref<64x128xf32, #tpu.memory_space<vmem>>[vector<16xi32>, vector<16xi32>], vector<16xf32>,
      %swap3A_844 = arith.index_cast %add3A_793 : i32 to index
      %swap3A_845 = arith.constant 48 : index
      %swap3A_846 = tpu.vector_load %arg7[%swap3A_844, %swap3A_845] {strides = array<i32>} : memref<512x128xf32, #tpu.memory_space<vmem>>, vector<16xf32>,
      tpu.vector_store %arg7[%swap3A_844, %swap3A_845], %gather3A_843 {strides = array<i32>} : memref<512x128xf32, #tpu.memory_space<vmem>>, vector<16xf32>,
      %slice3A_847 = vector.extract_strided_slice %get3A_160 {offsets = [1], sizes = [1], strides = [1]} : vector<16xi32> to vector<1xi32>
      %squeeze3A_848 = vector.extract %slice3A_847[0] : i32 from vector<1xi32>
      %add3A_849 = arith.constant 7 : i32
      %add3A_850 = arith.addi %add3A_793, %add3A_849 : i32
      %lt3A_851 = arith.constant 512 : i32
      %lt3A_852 = arith.cmpi slt, %add3A_850, %lt3A_851 : i32
      %convert_element_type3A_853 = arith.extui %lt3A_852 : i1 to i32
      %cond3A_854 = arith.constant 0 : i32
      %cond3A_855 = arith.cmpi ne, %convert_element_type3A_853, %cond3A_854 : i32
      scf.if %cond3A_855 {
        %shift_right_logical3A_1176 = arith.constant 7 : i32
        %shift_right_logical3A_1177 = arith.shrui %squeeze3A_848, %shift_right_logical3A_1176 : i32
        %mul3A_1178 = arith.constant 128 : i32
        %mul3A_1179 = arith.muli %shift_right_logical3A_1177, %mul3A_1178 : i32
        %dma_start3A_1180 = arith.constant 0 : i32
        %dma_start3A_1181 = arith.constant 0 : i32
        %dma_start3A_1182 = tpu.memref_slice %arg6[%rem3A_795, %dma_start3A_1180, %dma_start3A_1181] : memref<7x64x128xf32, #tpu.memory_space<vmem>> -> memref<1x64x128xf32, #tpu.memory_space<vmem>>
        %dma_start3A_1183 = tpu.memref_squeeze %dma_start3A_1182 : memref<1x64x128xf32, #tpu.memory_space<vmem>> -> memref<64x128xf32, #tpu.memory_space<vmem>>
        %dma_start3A_1184 = arith.constant 0 : i32
        %dma_start3A_1185 = tpu.memref_slice %arg2[%dma_start3A_1184, %mul3A_1179] : memref<64x1000000xf32, #tpu.memory_space<hbm>> -> memref<64x128xf32, #tpu.memory_space<hbm>>
        %dma_start3A_1186 = arith.constant 0 : i32
        %dma_start3A_1187 = arith.constant 0 : i32
        %dma_start3A_1188 = tpu.memref_slice %arg6[%rem3A_795, %dma_start3A_1186, %dma_start3A_1187] : memref<7x64x128xf32, #tpu.memory_space<vmem>> -> memref<1x64x128xf32, #tpu.memory_space<vmem>>
        %dma_start3A_1189 = tpu.memref_squeeze %dma_start3A_1188 : memref<1x64x128xf32, #tpu.memory_space<vmem>> -> memref<64x128xf32, #tpu.memory_space<vmem>>
        %dma_start3A_1190 = arith.constant 0 : i32
        %dma_start3A_1191 = tpu.memref_slice %arg2[%dma_start3A_1190, %mul3A_1179] : memref<64x1000000xf32, #tpu.memory_space<hbm>> -> memref<64x128xf32, #tpu.memory_space<hbm>>
        tpu.enqueue_dma source(%dma_start3A_1191 : memref<64x128xf32, #tpu.memory_space<hbm>>) target(%dma_start3A_1189 : memref<64x128xf32, #tpu.memory_space<vmem>>) target_semaphore(%arg8 : memref<!tpu.dma_semaphore, #tpu.memory_space<semaphore_mem>>)
      } else {
      }
      %add3A_856 = arith.constant 11 : i32
      %add3A_857 = arith.addi %mul3A_154, %add3A_856 : i32
      %rem3A_858 = arith.constant 7 : i32
      %rem3A_859 = arith.remsi %add3A_857, %rem3A_858 : i32
      %dma_wait3A_860 = arith.constant 0 : i32
      %dma_wait3A_861 = arith.constant 0 : i32
      %dma_wait3A_862 = tpu.memref_slice %arg6[%rem3A_859, %dma_wait3A_860, %dma_wait3A_861] : memref<7x64x128xf32, #tpu.memory_space<vmem>> -> memref<1x64x128xf32, #tpu.memory_space<vmem>>
      %dma_wait3A_863 = tpu.memref_squeeze %dma_wait3A_862 : memref<1x64x128xf32, #tpu.memory_space<vmem>> -> memref<64x128xf32, #tpu.memory_space<vmem>>
      %dma_wait3A_864 = arith.constant 0 : i32
      %dma_wait3A_865 = arith.constant 0 : i32
      %dma_wait3A_866 = tpu.memref_slice %arg2[%dma_wait3A_864, %dma_wait3A_865] : memref<64x1000000xf32, #tpu.memory_space<hbm>> -> memref<64x128xf32, #tpu.memory_space<hbm>>
      %dma_wait3A_867 = arith.constant 0 : i32
      %dma_wait3A_868 = arith.constant 0 : i32
      %dma_wait3A_869 = tpu.memref_slice %arg6[%rem3A_859, %dma_wait3A_867, %dma_wait3A_868] : memref<7x64x128xf32, #tpu.memory_space<vmem>> -> memref<1x64x128xf32, #tpu.memory_space<vmem>>
      %dma_wait3A_870 = tpu.memref_squeeze %dma_wait3A_869 : memref<1x64x128xf32, #tpu.memory_space<vmem>> -> memref<64x128xf32, #tpu.memory_space<vmem>>
      %dma_wait3A_871 = arith.constant 0 : i32
      %dma_wait3A_872 = arith.constant 0 : i32
      %dma_wait3A_873 = tpu.memref_slice %arg2[%dma_wait3A_871, %dma_wait3A_872] : memref<64x1000000xf32, #tpu.memory_space<hbm>> -> memref<64x128xf32, #tpu.memory_space<hbm>>
      tpu.wait_dma2 semaphore(%arg8 : memref<!tpu.dma_semaphore, #tpu.memory_space<semaphore_mem>>) src(%dma_wait3A_873 : memref<64x128xf32, #tpu.memory_space<hbm>>) dst(%dma_wait3A_870 : memref<64x128xf32, #tpu.memory_space<vmem>>)
      %slice3A_874 = vector.extract_strided_slice %get3A_156 {offsets = [11], sizes = [1], strides = [1]} : vector<16xi32> to vector<1xi32>
      %squeeze3A_875 = vector.extract %slice3A_874[0] : i32 from vector<1xi32>
      %and3A_876 = arith.constant 127 : i32
      %and3A_877 = arith.andi %squeeze3A_875, %and3A_876 : i32
      %broadcast_in_dim3A_878 = vector.broadcast %and3A_877 : i32 to vector<16xi32>
      %gather3A_879 = arith.constant 0 : i32
      %gather3A_880 = arith.constant 0 : i32
      %gather3A_881 = tpu.memref_slice %arg6[%rem3A_859, %gather3A_879, %gather3A_880] : memref<7x64x128xf32, #tpu.memory_space<vmem>> -> memref<1x64x128xf32, #tpu.memory_space<vmem>>
      %gather3A_882 = tpu.memref_squeeze %gather3A_881 : memref<1x64x128xf32, #tpu.memory_space<vmem>> -> memref<64x128xf32, #tpu.memory_space<vmem>>
      %gather3A_883 = tpu.vector_load_idx %gather3A_882[%add3A_5, %broadcast_in_dim3A_878] : memref<64x128xf32, #tpu.memory_space<vmem>>[vector<16xi32>, vector<16xi32>], vector<16xf32>,
      %swap3A_884 = arith.index_cast %add3A_857 : i32 to index
      %swap3A_885 = arith.constant 0 : index
      %swap3A_886 = tpu.vector_load %arg7[%swap3A_884, %swap3A_885] {strides = array<i32>} : memref<512x128xf32, #tpu.memory_space<vmem>>, vector<16xf32>,
      tpu.vector_store %arg7[%swap3A_884, %swap3A_885], %gather3A_883 {strides = array<i32>} : memref<512x128xf32, #tpu.memory_space<vmem>>, vector<16xf32>,
      %gather3A_887 = arith.constant 0 : i32
      %gather3A_888 = arith.constant 0 : i32
      %gather3A_889 = tpu.memref_slice %arg6[%rem3A_859, %gather3A_887, %gather3A_888] : memref<7x64x128xf32, #tpu.memory_space<vmem>> -> memref<1x64x128xf32, #tpu.memory_space<vmem>>
      %gather3A_890 = tpu.memref_squeeze %gather3A_889 : memref<1x64x128xf32, #tpu.memory_space<vmem>> -> memref<64x128xf32, #tpu.memory_space<vmem>>
      %gather3A_891 = tpu.vector_load_idx %gather3A_890[%add3A_9, %broadcast_in_dim3A_878] : memref<64x128xf32, #tpu.memory_space<vmem>>[vector<16xi32>, vector<16xi32>], vector<16xf32>,
      %swap3A_892 = arith.index_cast %add3A_857 : i32 to index
      %swap3A_893 = arith.constant 16 : index
      %swap3A_894 = tpu.vector_load %arg7[%swap3A_892, %swap3A_893] {strides = array<i32>} : memref<512x128xf32, #tpu.memory_space<vmem>>, vector<16xf32>,
      tpu.vector_store %arg7[%swap3A_892, %swap3A_893], %gather3A_891 {strides = array<i32>} : memref<512x128xf32, #tpu.memory_space<vmem>>, vector<16xf32>,
      %gather3A_895 = arith.constant 0 : i32
      %gather3A_896 = arith.constant 0 : i32
      %gather3A_897 = tpu.memref_slice %arg6[%rem3A_859, %gather3A_895, %gather3A_896] : memref<7x64x128xf32, #tpu.memory_space<vmem>> -> memref<1x64x128xf32, #tpu.memory_space<vmem>>
      %gather3A_898 = tpu.memref_squeeze %gather3A_897 : memref<1x64x128xf32, #tpu.memory_space<vmem>> -> memref<64x128xf32, #tpu.memory_space<vmem>>
      %gather3A_899 = tpu.vector_load_idx %gather3A_898[%add3A_13, %broadcast_in_dim3A_878] : memref<64x128xf32, #tpu.memory_space<vmem>>[vector<16xi32>, vector<16xi32>], vector<16xf32>,
      %swap3A_900 = arith.index_cast %add3A_857 : i32 to index
      %swap3A_901 = arith.constant 32 : index
      %swap3A_902 = tpu.vector_load %arg7[%swap3A_900, %swap3A_901] {strides = array<i32>} : memref<512x128xf32, #tpu.memory_space<vmem>>, vector<16xf32>,
      tpu.vector_store %arg7[%swap3A_900, %swap3A_901], %gather3A_899 {strides = array<i32>} : memref<512x128xf32, #tpu.memory_space<vmem>>, vector<16xf32>,
      %gather3A_903 = arith.constant 0 : i32
      %gather3A_904 = arith.constant 0 : i32
      %gather3A_905 = tpu.memref_slice %arg6[%rem3A_859, %gather3A_903, %gather3A_904] : memref<7x64x128xf32, #tpu.memory_space<vmem>> -> memref<1x64x128xf32, #tpu.memory_space<vmem>>
      %gather3A_906 = tpu.memref_squeeze %gather3A_905 : memref<1x64x128xf32, #tpu.memory_space<vmem>> -> memref<64x128xf32, #tpu.memory_space<vmem>>
      %gather3A_907 = tpu.vector_load_idx %gather3A_906[%add3A_17, %broadcast_in_dim3A_878] : memref<64x128xf32, #tpu.memory_space<vmem>>[vector<16xi32>, vector<16xi32>], vector<16xf32>,
      %swap3A_908 = arith.index_cast %add3A_857 : i32 to index
      %swap3A_909 = arith.constant 48 : index
      %swap3A_910 = tpu.vector_load %arg7[%swap3A_908, %swap3A_909] {strides = array<i32>} : memref<512x128xf32, #tpu.memory_space<vmem>>, vector<16xf32>,
      tpu.vector_store %arg7[%swap3A_908, %swap3A_909], %gather3A_907 {strides = array<i32>} : memref<512x128xf32, #tpu.memory_space<vmem>>, vector<16xf32>,
      %slice3A_911 = vector.extract_strided_slice %get3A_160 {offsets = [2], sizes = [1], strides = [1]} : vector<16xi32> to vector<1xi32>
      %squeeze3A_912 = vector.extract %slice3A_911[0] : i32 from vector<1xi32>
      %add3A_913 = arith.constant 7 : i32
      %add3A_914 = arith.addi %add3A_857, %add3A_913 : i32
      %lt3A_915 = arith.constant 512 : i32
      %lt3A_916 = arith.cmpi slt, %add3A_914, %lt3A_915 : i32
      %convert_element_type3A_917 = arith.extui %lt3A_916 : i1 to i32
      %cond3A_918 = arith.constant 0 : i32
      %cond3A_919 = arith.cmpi ne, %convert_element_type3A_917, %cond3A_918 : i32
      scf.if %cond3A_919 {
        %shift_right_logical3A_1176 = arith.constant 7 : i32
        %shift_right_logical3A_1177 = arith.shrui %squeeze3A_912, %shift_right_logical3A_1176 : i32
        %mul3A_1178 = arith.constant 128 : i32
        %mul3A_1179 = arith.muli %shift_right_logical3A_1177, %mul3A_1178 : i32
        %dma_start3A_1180 = arith.constant 0 : i32
        %dma_start3A_1181 = arith.constant 0 : i32
        %dma_start3A_1182 = tpu.memref_slice %arg6[%rem3A_859, %dma_start3A_1180, %dma_start3A_1181] : memref<7x64x128xf32, #tpu.memory_space<vmem>> -> memref<1x64x128xf32, #tpu.memory_space<vmem>>
        %dma_start3A_1183 = tpu.memref_squeeze %dma_start3A_1182 : memref<1x64x128xf32, #tpu.memory_space<vmem>> -> memref<64x128xf32, #tpu.memory_space<vmem>>
        %dma_start3A_1184 = arith.constant 0 : i32
        %dma_start3A_1185 = tpu.memref_slice %arg2[%dma_start3A_1184, %mul3A_1179] : memref<64x1000000xf32, #tpu.memory_space<hbm>> -> memref<64x128xf32, #tpu.memory_space<hbm>>
        %dma_start3A_1186 = arith.constant 0 : i32
        %dma_start3A_1187 = arith.constant 0 : i32
        %dma_start3A_1188 = tpu.memref_slice %arg6[%rem3A_859, %dma_start3A_1186, %dma_start3A_1187] : memref<7x64x128xf32, #tpu.memory_space<vmem>> -> memref<1x64x128xf32, #tpu.memory_space<vmem>>
        %dma_start3A_1189 = tpu.memref_squeeze %dma_start3A_1188 : memref<1x64x128xf32, #tpu.memory_space<vmem>> -> memref<64x128xf32, #tpu.memory_space<vmem>>
        %dma_start3A_1190 = arith.constant 0 : i32
        %dma_start3A_1191 = tpu.memref_slice %arg2[%dma_start3A_1190, %mul3A_1179] : memref<64x1000000xf32, #tpu.memory_space<hbm>> -> memref<64x128xf32, #tpu.memory_space<hbm>>
        tpu.enqueue_dma source(%dma_start3A_1191 : memref<64x128xf32, #tpu.memory_space<hbm>>) target(%dma_start3A_1189 : memref<64x128xf32, #tpu.memory_space<vmem>>) target_semaphore(%arg8 : memref<!tpu.dma_semaphore, #tpu.memory_space<semaphore_mem>>)
      } else {
      }
      %add3A_920 = arith.constant 12 : i32
      %add3A_921 = arith.addi %mul3A_154, %add3A_920 : i32
      %rem3A_922 = arith.constant 7 : i32
      %rem3A_923 = arith.remsi %add3A_921, %rem3A_922 : i32
      %dma_wait3A_924 = arith.constant 0 : i32
      %dma_wait3A_925 = arith.constant 0 : i32
      %dma_wait3A_926 = tpu.memref_slice %arg6[%rem3A_923, %dma_wait3A_924, %dma_wait3A_925] : memref<7x64x128xf32, #tpu.memory_space<vmem>> -> memref<1x64x128xf32, #tpu.memory_space<vmem>>
      %dma_wait3A_927 = tpu.memref_squeeze %dma_wait3A_926 : memref<1x64x128xf32, #tpu.memory_space<vmem>> -> memref<64x128xf32, #tpu.memory_space<vmem>>
      %dma_wait3A_928 = arith.constant 0 : i32
      %dma_wait3A_929 = arith.constant 0 : i32
      %dma_wait3A_930 = tpu.memref_slice %arg2[%dma_wait3A_928, %dma_wait3A_929] : memref<64x1000000xf32, #tpu.memory_space<hbm>> -> memref<64x128xf32, #tpu.memory_space<hbm>>
      %dma_wait3A_931 = arith.constant 0 : i32
      %dma_wait3A_932 = arith.constant 0 : i32
      %dma_wait3A_933 = tpu.memref_slice %arg6[%rem3A_923, %dma_wait3A_931, %dma_wait3A_932] : memref<7x64x128xf32, #tpu.memory_space<vmem>> -> memref<1x64x128xf32, #tpu.memory_space<vmem>>
      %dma_wait3A_934 = tpu.memref_squeeze %dma_wait3A_933 : memref<1x64x128xf32, #tpu.memory_space<vmem>> -> memref<64x128xf32, #tpu.memory_space<vmem>>
      %dma_wait3A_935 = arith.constant 0 : i32
      %dma_wait3A_936 = arith.constant 0 : i32
      %dma_wait3A_937 = tpu.memref_slice %arg2[%dma_wait3A_935, %dma_wait3A_936] : memref<64x1000000xf32, #tpu.memory_space<hbm>> -> memref<64x128xf32, #tpu.memory_space<hbm>>
      tpu.wait_dma2 semaphore(%arg8 : memref<!tpu.dma_semaphore, #tpu.memory_space<semaphore_mem>>) src(%dma_wait3A_937 : memref<64x128xf32, #tpu.memory_space<hbm>>) dst(%dma_wait3A_934 : memref<64x128xf32, #tpu.memory_space<vmem>>)
      %slice3A_938 = vector.extract_strided_slice %get3A_156 {offsets = [12], sizes = [1], strides = [1]} : vector<16xi32> to vector<1xi32>
      %squeeze3A_939 = vector.extract %slice3A_938[0] : i32 from vector<1xi32>
      %and3A_940 = arith.constant 127 : i32
      %and3A_941 = arith.andi %squeeze3A_939, %and3A_940 : i32
      %broadcast_in_dim3A_942 = vector.broadcast %and3A_941 : i32 to vector<16xi32>
      %gather3A_943 = arith.constant 0 : i32
      %gather3A_944 = arith.constant 0 : i32
      %gather3A_945 = tpu.memref_slice %arg6[%rem3A_923, %gather3A_943, %gather3A_944] : memref<7x64x128xf32, #tpu.memory_space<vmem>> -> memref<1x64x128xf32, #tpu.memory_space<vmem>>
      %gather3A_946 = tpu.memref_squeeze %gather3A_945 : memref<1x64x128xf32, #tpu.memory_space<vmem>> -> memref<64x128xf32, #tpu.memory_space<vmem>>
      %gather3A_947 = tpu.vector_load_idx %gather3A_946[%add3A_5, %broadcast_in_dim3A_942] : memref<64x128xf32, #tpu.memory_space<vmem>>[vector<16xi32>, vector<16xi32>], vector<16xf32>,
      %swap3A_948 = arith.index_cast %add3A_921 : i32 to index
      %swap3A_949 = arith.constant 0 : index
      %swap3A_950 = tpu.vector_load %arg7[%swap3A_948, %swap3A_949] {strides = array<i32>} : memref<512x128xf32, #tpu.memory_space<vmem>>, vector<16xf32>,
      tpu.vector_store %arg7[%swap3A_948, %swap3A_949], %gather3A_947 {strides = array<i32>} : memref<512x128xf32, #tpu.memory_space<vmem>>, vector<16xf32>,
      %gather3A_951 = arith.constant 0 : i32
      %gather3A_952 = arith.constant 0 : i32
      %gather3A_953 = tpu.memref_slice %arg6[%rem3A_923, %gather3A_951, %gather3A_952] : memref<7x64x128xf32, #tpu.memory_space<vmem>> -> memref<1x64x128xf32, #tpu.memory_space<vmem>>
      %gather3A_954 = tpu.memref_squeeze %gather3A_953 : memref<1x64x128xf32, #tpu.memory_space<vmem>> -> memref<64x128xf32, #tpu.memory_space<vmem>>
      %gather3A_955 = tpu.vector_load_idx %gather3A_954[%add3A_9, %broadcast_in_dim3A_942] : memref<64x128xf32, #tpu.memory_space<vmem>>[vector<16xi32>, vector<16xi32>], vector<16xf32>,
      %swap3A_956 = arith.index_cast %add3A_921 : i32 to index
      %swap3A_957 = arith.constant 16 : index
      %swap3A_958 = tpu.vector_load %arg7[%swap3A_956, %swap3A_957] {strides = array<i32>} : memref<512x128xf32, #tpu.memory_space<vmem>>, vector<16xf32>,
      tpu.vector_store %arg7[%swap3A_956, %swap3A_957], %gather3A_955 {strides = array<i32>} : memref<512x128xf32, #tpu.memory_space<vmem>>, vector<16xf32>,
      %gather3A_959 = arith.constant 0 : i32
      %gather3A_960 = arith.constant 0 : i32
      %gather3A_961 = tpu.memref_slice %arg6[%rem3A_923, %gather3A_959, %gather3A_960] : memref<7x64x128xf32, #tpu.memory_space<vmem>> -> memref<1x64x128xf32, #tpu.memory_space<vmem>>
      %gather3A_962 = tpu.memref_squeeze %gather3A_961 : memref<1x64x128xf32, #tpu.memory_space<vmem>> -> memref<64x128xf32, #tpu.memory_space<vmem>>
      %gather3A_963 = tpu.vector_load_idx %gather3A_962[%add3A_13, %broadcast_in_dim3A_942] : memref<64x128xf32, #tpu.memory_space<vmem>>[vector<16xi32>, vector<16xi32>], vector<16xf32>,
      %swap3A_964 = arith.index_cast %add3A_921 : i32 to index
      %swap3A_965 = arith.constant 32 : index
      %swap3A_966 = tpu.vector_load %arg7[%swap3A_964, %swap3A_965] {strides = array<i32>} : memref<512x128xf32, #tpu.memory_space<vmem>>, vector<16xf32>,
      tpu.vector_store %arg7[%swap3A_964, %swap3A_965], %gather3A_963 {strides = array<i32>} : memref<512x128xf32, #tpu.memory_space<vmem>>, vector<16xf32>,
      %gather3A_967 = arith.constant 0 : i32
      %gather3A_968 = arith.constant 0 : i32
      %gather3A_969 = tpu.memref_slice %arg6[%rem3A_923, %gather3A_967, %gather3A_968] : memref<7x64x128xf32, #tpu.memory_space<vmem>> -> memref<1x64x128xf32, #tpu.memory_space<vmem>>
      %gather3A_970 = tpu.memref_squeeze %gather3A_969 : memref<1x64x128xf32, #tpu.memory_space<vmem>> -> memref<64x128xf32, #tpu.memory_space<vmem>>
      %gather3A_971 = tpu.vector_load_idx %gather3A_970[%add3A_17, %broadcast_in_dim3A_942] : memref<64x128xf32, #tpu.memory_space<vmem>>[vector<16xi32>, vector<16xi32>], vector<16xf32>,
      %swap3A_972 = arith.index_cast %add3A_921 : i32 to index
      %swap3A_973 = arith.constant 48 : index
      %swap3A_974 = tpu.vector_load %arg7[%swap3A_972, %swap3A_973] {strides = array<i32>} : memref<512x128xf32, #tpu.memory_space<vmem>>, vector<16xf32>,
      tpu.vector_store %arg7[%swap3A_972, %swap3A_973], %gather3A_971 {strides = array<i32>} : memref<512x128xf32, #tpu.memory_space<vmem>>, vector<16xf32>,
      %slice3A_975 = vector.extract_strided_slice %get3A_160 {offsets = [3], sizes = [1], strides = [1]} : vector<16xi32> to vector<1xi32>
      %squeeze3A_976 = vector.extract %slice3A_975[0] : i32 from vector<1xi32>
      %add3A_977 = arith.constant 7 : i32
      %add3A_978 = arith.addi %add3A_921, %add3A_977 : i32
      %lt3A_979 = arith.constant 512 : i32
      %lt3A_980 = arith.cmpi slt, %add3A_978, %lt3A_979 : i32
      %convert_element_type3A_981 = arith.extui %lt3A_980 : i1 to i32
      %cond3A_982 = arith.constant 0 : i32
      %cond3A_983 = arith.cmpi ne, %convert_element_type3A_981, %cond3A_982 : i32
      scf.if %cond3A_983 {
        %shift_right_logical3A_1176 = arith.constant 7 : i32
        %shift_right_logical3A_1177 = arith.shrui %squeeze3A_976, %shift_right_logical3A_1176 : i32
        %mul3A_1178 = arith.constant 128 : i32
        %mul3A_1179 = arith.muli %shift_right_logical3A_1177, %mul3A_1178 : i32
        %dma_start3A_1180 = arith.constant 0 : i32
        %dma_start3A_1181 = arith.constant 0 : i32
        %dma_start3A_1182 = tpu.memref_slice %arg6[%rem3A_923, %dma_start3A_1180, %dma_start3A_1181] : memref<7x64x128xf32, #tpu.memory_space<vmem>> -> memref<1x64x128xf32, #tpu.memory_space<vmem>>
        %dma_start3A_1183 = tpu.memref_squeeze %dma_start3A_1182 : memref<1x64x128xf32, #tpu.memory_space<vmem>> -> memref<64x128xf32, #tpu.memory_space<vmem>>
        %dma_start3A_1184 = arith.constant 0 : i32
        %dma_start3A_1185 = tpu.memref_slice %arg2[%dma_start3A_1184, %mul3A_1179] : memref<64x1000000xf32, #tpu.memory_space<hbm>> -> memref<64x128xf32, #tpu.memory_space<hbm>>
        %dma_start3A_1186 = arith.constant 0 : i32
        %dma_start3A_1187 = arith.constant 0 : i32
        %dma_start3A_1188 = tpu.memref_slice %arg6[%rem3A_923, %dma_start3A_1186, %dma_start3A_1187] : memref<7x64x128xf32, #tpu.memory_space<vmem>> -> memref<1x64x128xf32, #tpu.memory_space<vmem>>
        %dma_start3A_1189 = tpu.memref_squeeze %dma_start3A_1188 : memref<1x64x128xf32, #tpu.memory_space<vmem>> -> memref<64x128xf32, #tpu.memory_space<vmem>>
        %dma_start3A_1190 = arith.constant 0 : i32
        %dma_start3A_1191 = tpu.memref_slice %arg2[%dma_start3A_1190, %mul3A_1179] : memref<64x1000000xf32, #tpu.memory_space<hbm>> -> memref<64x128xf32, #tpu.memory_space<hbm>>
        tpu.enqueue_dma source(%dma_start3A_1191 : memref<64x128xf32, #tpu.memory_space<hbm>>) target(%dma_start3A_1189 : memref<64x128xf32, #tpu.memory_space<vmem>>) target_semaphore(%arg8 : memref<!tpu.dma_semaphore, #tpu.memory_space<semaphore_mem>>)
      } else {
      }
      %add3A_984 = arith.constant 13 : i32
      %add3A_985 = arith.addi %mul3A_154, %add3A_984 : i32
      %rem3A_986 = arith.constant 7 : i32
      %rem3A_987 = arith.remsi %add3A_985, %rem3A_986 : i32
      %dma_wait3A_988 = arith.constant 0 : i32
      %dma_wait3A_989 = arith.constant 0 : i32
      %dma_wait3A_990 = tpu.memref_slice %arg6[%rem3A_987, %dma_wait3A_988, %dma_wait3A_989] : memref<7x64x128xf32, #tpu.memory_space<vmem>> -> memref<1x64x128xf32, #tpu.memory_space<vmem>>
      %dma_wait3A_991 = tpu.memref_squeeze %dma_wait3A_990 : memref<1x64x128xf32, #tpu.memory_space<vmem>> -> memref<64x128xf32, #tpu.memory_space<vmem>>
      %dma_wait3A_992 = arith.constant 0 : i32
      %dma_wait3A_993 = arith.constant 0 : i32
      %dma_wait3A_994 = tpu.memref_slice %arg2[%dma_wait3A_992, %dma_wait3A_993] : memref<64x1000000xf32, #tpu.memory_space<hbm>> -> memref<64x128xf32, #tpu.memory_space<hbm>>
      %dma_wait3A_995 = arith.constant 0 : i32
      %dma_wait3A_996 = arith.constant 0 : i32
      %dma_wait3A_997 = tpu.memref_slice %arg6[%rem3A_987, %dma_wait3A_995, %dma_wait3A_996] : memref<7x64x128xf32, #tpu.memory_space<vmem>> -> memref<1x64x128xf32, #tpu.memory_space<vmem>>
      %dma_wait3A_998 = tpu.memref_squeeze %dma_wait3A_997 : memref<1x64x128xf32, #tpu.memory_space<vmem>> -> memref<64x128xf32, #tpu.memory_space<vmem>>
      %dma_wait3A_999 = arith.constant 0 : i32
      %dma_wait3A_1000 = arith.constant 0 : i32
      %dma_wait3A_1001 = tpu.memref_slice %arg2[%dma_wait3A_999, %dma_wait3A_1000] : memref<64x1000000xf32, #tpu.memory_space<hbm>> -> memref<64x128xf32, #tpu.memory_space<hbm>>
      tpu.wait_dma2 semaphore(%arg8 : memref<!tpu.dma_semaphore, #tpu.memory_space<semaphore_mem>>) src(%dma_wait3A_1001 : memref<64x128xf32, #tpu.memory_space<hbm>>) dst(%dma_wait3A_998 : memref<64x128xf32, #tpu.memory_space<vmem>>)
      %slice3A_1002 = vector.extract_strided_slice %get3A_156 {offsets = [13], sizes = [1], strides = [1]} : vector<16xi32> to vector<1xi32>
      %squeeze3A_1003 = vector.extract %slice3A_1002[0] : i32 from vector<1xi32>
      %and3A_1004 = arith.constant 127 : i32
      %and3A_1005 = arith.andi %squeeze3A_1003, %and3A_1004 : i32
      %broadcast_in_dim3A_1006 = vector.broadcast %and3A_1005 : i32 to vector<16xi32>
      %gather3A_1007 = arith.constant 0 : i32
      %gather3A_1008 = arith.constant 0 : i32
      %gather3A_1009 = tpu.memref_slice %arg6[%rem3A_987, %gather3A_1007, %gather3A_1008] : memref<7x64x128xf32, #tpu.memory_space<vmem>> -> memref<1x64x128xf32, #tpu.memory_space<vmem>>
      %gather3A_1010 = tpu.memref_squeeze %gather3A_1009 : memref<1x64x128xf32, #tpu.memory_space<vmem>> -> memref<64x128xf32, #tpu.memory_space<vmem>>
      %gather3A_1011 = tpu.vector_load_idx %gather3A_1010[%add3A_5, %broadcast_in_dim3A_1006] : memref<64x128xf32, #tpu.memory_space<vmem>>[vector<16xi32>, vector<16xi32>], vector<16xf32>,
      %swap3A_1012 = arith.index_cast %add3A_985 : i32 to index
      %swap3A_1013 = arith.constant 0 : index
      %swap3A_1014 = tpu.vector_load %arg7[%swap3A_1012, %swap3A_1013] {strides = array<i32>} : memref<512x128xf32, #tpu.memory_space<vmem>>, vector<16xf32>,
      tpu.vector_store %arg7[%swap3A_1012, %swap3A_1013], %gather3A_1011 {strides = array<i32>} : memref<512x128xf32, #tpu.memory_space<vmem>>, vector<16xf32>,
      %gather3A_1015 = arith.constant 0 : i32
      %gather3A_1016 = arith.constant 0 : i32
      %gather3A_1017 = tpu.memref_slice %arg6[%rem3A_987, %gather3A_1015, %gather3A_1016] : memref<7x64x128xf32, #tpu.memory_space<vmem>> -> memref<1x64x128xf32, #tpu.memory_space<vmem>>
      %gather3A_1018 = tpu.memref_squeeze %gather3A_1017 : memref<1x64x128xf32, #tpu.memory_space<vmem>> -> memref<64x128xf32, #tpu.memory_space<vmem>>
      %gather3A_1019 = tpu.vector_load_idx %gather3A_1018[%add3A_9, %broadcast_in_dim3A_1006] : memref<64x128xf32, #tpu.memory_space<vmem>>[vector<16xi32>, vector<16xi32>], vector<16xf32>,
      %swap3A_1020 = arith.index_cast %add3A_985 : i32 to index
      %swap3A_1021 = arith.constant 16 : index
      %swap3A_1022 = tpu.vector_load %arg7[%swap3A_1020, %swap3A_1021] {strides = array<i32>} : memref<512x128xf32, #tpu.memory_space<vmem>>, vector<16xf32>,
      tpu.vector_store %arg7[%swap3A_1020, %swap3A_1021], %gather3A_1019 {strides = array<i32>} : memref<512x128xf32, #tpu.memory_space<vmem>>, vector<16xf32>,
      %gather3A_1023 = arith.constant 0 : i32
      %gather3A_1024 = arith.constant 0 : i32
      %gather3A_1025 = tpu.memref_slice %arg6[%rem3A_987, %gather3A_1023, %gather3A_1024] : memref<7x64x128xf32, #tpu.memory_space<vmem>> -> memref<1x64x128xf32, #tpu.memory_space<vmem>>
      %gather3A_1026 = tpu.memref_squeeze %gather3A_1025 : memref<1x64x128xf32, #tpu.memory_space<vmem>> -> memref<64x128xf32, #tpu.memory_space<vmem>>
      %gather3A_1027 = tpu.vector_load_idx %gather3A_1026[%add3A_13, %broadcast_in_dim3A_1006] : memref<64x128xf32, #tpu.memory_space<vmem>>[vector<16xi32>, vector<16xi32>], vector<16xf32>,
      %swap3A_1028 = arith.index_cast %add3A_985 : i32 to index
      %swap3A_1029 = arith.constant 32 : index
      %swap3A_1030 = tpu.vector_load %arg7[%swap3A_1028, %swap3A_1029] {strides = array<i32>} : memref<512x128xf32, #tpu.memory_space<vmem>>, vector<16xf32>,
      tpu.vector_store %arg7[%swap3A_1028, %swap3A_1029], %gather3A_1027 {strides = array<i32>} : memref<512x128xf32, #tpu.memory_space<vmem>>, vector<16xf32>,
      %gather3A_1031 = arith.constant 0 : i32
      %gather3A_1032 = arith.constant 0 : i32
      %gather3A_1033 = tpu.memref_slice %arg6[%rem3A_987, %gather3A_1031, %gather3A_1032] : memref<7x64x128xf32, #tpu.memory_space<vmem>> -> memref<1x64x128xf32, #tpu.memory_space<vmem>>
      %gather3A_1034 = tpu.memref_squeeze %gather3A_1033 : memref<1x64x128xf32, #tpu.memory_space<vmem>> -> memref<64x128xf32, #tpu.memory_space<vmem>>
      %gather3A_1035 = tpu.vector_load_idx %gather3A_1034[%add3A_17, %broadcast_in_dim3A_1006] : memref<64x128xf32, #tpu.memory_space<vmem>>[vector<16xi32>, vector<16xi32>], vector<16xf32>,
      %swap3A_1036 = arith.index_cast %add3A_985 : i32 to index
      %swap3A_1037 = arith.constant 48 : index
      %swap3A_1038 = tpu.vector_load %arg7[%swap3A_1036, %swap3A_1037] {strides = array<i32>} : memref<512x128xf32, #tpu.memory_space<vmem>>, vector<16xf32>,
      tpu.vector_store %arg7[%swap3A_1036, %swap3A_1037], %gather3A_1035 {strides = array<i32>} : memref<512x128xf32, #tpu.memory_space<vmem>>, vector<16xf32>,
      %slice3A_1039 = vector.extract_strided_slice %get3A_160 {offsets = [4], sizes = [1], strides = [1]} : vector<16xi32> to vector<1xi32>
      %squeeze3A_1040 = vector.extract %slice3A_1039[0] : i32 from vector<1xi32>
      %add3A_1041 = arith.constant 7 : i32
      %add3A_1042 = arith.addi %add3A_985, %add3A_1041 : i32
      %lt3A_1043 = arith.constant 512 : i32
      %lt3A_1044 = arith.cmpi slt, %add3A_1042, %lt3A_1043 : i32
      %convert_element_type3A_1045 = arith.extui %lt3A_1044 : i1 to i32
      %cond3A_1046 = arith.constant 0 : i32
      %cond3A_1047 = arith.cmpi ne, %convert_element_type3A_1045, %cond3A_1046 : i32
      scf.if %cond3A_1047 {
        %shift_right_logical3A_1176 = arith.constant 7 : i32
        %shift_right_logical3A_1177 = arith.shrui %squeeze3A_1040, %shift_right_logical3A_1176 : i32
        %mul3A_1178 = arith.constant 128 : i32
        %mul3A_1179 = arith.muli %shift_right_logical3A_1177, %mul3A_1178 : i32
        %dma_start3A_1180 = arith.constant 0 : i32
        %dma_start3A_1181 = arith.constant 0 : i32
        %dma_start3A_1182 = tpu.memref_slice %arg6[%rem3A_987, %dma_start3A_1180, %dma_start3A_1181] : memref<7x64x128xf32, #tpu.memory_space<vmem>> -> memref<1x64x128xf32, #tpu.memory_space<vmem>>
        %dma_start3A_1183 = tpu.memref_squeeze %dma_start3A_1182 : memref<1x64x128xf32, #tpu.memory_space<vmem>> -> memref<64x128xf32, #tpu.memory_space<vmem>>
        %dma_start3A_1184 = arith.constant 0 : i32
        %dma_start3A_1185 = tpu.memref_slice %arg2[%dma_start3A_1184, %mul3A_1179] : memref<64x1000000xf32, #tpu.memory_space<hbm>> -> memref<64x128xf32, #tpu.memory_space<hbm>>
        %dma_start3A_1186 = arith.constant 0 : i32
        %dma_start3A_1187 = arith.constant 0 : i32
        %dma_start3A_1188 = tpu.memref_slice %arg6[%rem3A_987, %dma_start3A_1186, %dma_start3A_1187] : memref<7x64x128xf32, #tpu.memory_space<vmem>> -> memref<1x64x128xf32, #tpu.memory_space<vmem>>
        %dma_start3A_1189 = tpu.memref_squeeze %dma_start3A_1188 : memref<1x64x128xf32, #tpu.memory_space<vmem>> -> memref<64x128xf32, #tpu.memory_space<vmem>>
        %dma_start3A_1190 = arith.constant 0 : i32
        %dma_start3A_1191 = tpu.memref_slice %arg2[%dma_start3A_1190, %mul3A_1179] : memref<64x1000000xf32, #tpu.memory_space<hbm>> -> memref<64x128xf32, #tpu.memory_space<hbm>>
        tpu.enqueue_dma source(%dma_start3A_1191 : memref<64x128xf32, #tpu.memory_space<hbm>>) target(%dma_start3A_1189 : memref<64x128xf32, #tpu.memory_space<vmem>>) target_semaphore(%arg8 : memref<!tpu.dma_semaphore, #tpu.memory_space<semaphore_mem>>)
      } else {
      }
      %add3A_1048 = arith.constant 14 : i32
      %add3A_1049 = arith.addi %mul3A_154, %add3A_1048 : i32
      %rem3A_1050 = arith.constant 7 : i32
      %rem3A_1051 = arith.remsi %add3A_1049, %rem3A_1050 : i32
      %dma_wait3A_1052 = arith.constant 0 : i32
      %dma_wait3A_1053 = arith.constant 0 : i32
      %dma_wait3A_1054 = tpu.memref_slice %arg6[%rem3A_1051, %dma_wait3A_1052, %dma_wait3A_1053] : memref<7x64x128xf32, #tpu.memory_space<vmem>> -> memref<1x64x128xf32, #tpu.memory_space<vmem>>
      %dma_wait3A_1055 = tpu.memref_squeeze %dma_wait3A_1054 : memref<1x64x128xf32, #tpu.memory_space<vmem>> -> memref<64x128xf32, #tpu.memory_space<vmem>>
      %dma_wait3A_1056 = arith.constant 0 : i32
      %dma_wait3A_1057 = arith.constant 0 : i32
      %dma_wait3A_1058 = tpu.memref_slice %arg2[%dma_wait3A_1056, %dma_wait3A_1057] : memref<64x1000000xf32, #tpu.memory_space<hbm>> -> memref<64x128xf32, #tpu.memory_space<hbm>>
      %dma_wait3A_1059 = arith.constant 0 : i32
      %dma_wait3A_1060 = arith.constant 0 : i32
      %dma_wait3A_1061 = tpu.memref_slice %arg6[%rem3A_1051, %dma_wait3A_1059, %dma_wait3A_1060] : memref<7x64x128xf32, #tpu.memory_space<vmem>> -> memref<1x64x128xf32, #tpu.memory_space<vmem>>
      %dma_wait3A_1062 = tpu.memref_squeeze %dma_wait3A_1061 : memref<1x64x128xf32, #tpu.memory_space<vmem>> -> memref<64x128xf32, #tpu.memory_space<vmem>>
      %dma_wait3A_1063 = arith.constant 0 : i32
      %dma_wait3A_1064 = arith.constant 0 : i32
      %dma_wait3A_1065 = tpu.memref_slice %arg2[%dma_wait3A_1063, %dma_wait3A_1064] : memref<64x1000000xf32, #tpu.memory_space<hbm>> -> memref<64x128xf32, #tpu.memory_space<hbm>>
      tpu.wait_dma2 semaphore(%arg8 : memref<!tpu.dma_semaphore, #tpu.memory_space<semaphore_mem>>) src(%dma_wait3A_1065 : memref<64x128xf32, #tpu.memory_space<hbm>>) dst(%dma_wait3A_1062 : memref<64x128xf32, #tpu.memory_space<vmem>>)
      %slice3A_1066 = vector.extract_strided_slice %get3A_156 {offsets = [14], sizes = [1], strides = [1]} : vector<16xi32> to vector<1xi32>
      %squeeze3A_1067 = vector.extract %slice3A_1066[0] : i32 from vector<1xi32>
      %and3A_1068 = arith.constant 127 : i32
      %and3A_1069 = arith.andi %squeeze3A_1067, %and3A_1068 : i32
      %broadcast_in_dim3A_1070 = vector.broadcast %and3A_1069 : i32 to vector<16xi32>
      %gather3A_1071 = arith.constant 0 : i32
      %gather3A_1072 = arith.constant 0 : i32
      %gather3A_1073 = tpu.memref_slice %arg6[%rem3A_1051, %gather3A_1071, %gather3A_1072] : memref<7x64x128xf32, #tpu.memory_space<vmem>> -> memref<1x64x128xf32, #tpu.memory_space<vmem>>
      %gather3A_1074 = tpu.memref_squeeze %gather3A_1073 : memref<1x64x128xf32, #tpu.memory_space<vmem>> -> memref<64x128xf32, #tpu.memory_space<vmem>>
      %gather3A_1075 = tpu.vector_load_idx %gather3A_1074[%add3A_5, %broadcast_in_dim3A_1070] : memref<64x128xf32, #tpu.memory_space<vmem>>[vector<16xi32>, vector<16xi32>], vector<16xf32>,
      %swap3A_1076 = arith.index_cast %add3A_1049 : i32 to index
      %swap3A_1077 = arith.constant 0 : index
      %swap3A_1078 = tpu.vector_load %arg7[%swap3A_1076, %swap3A_1077] {strides = array<i32>} : memref<512x128xf32, #tpu.memory_space<vmem>>, vector<16xf32>,
      tpu.vector_store %arg7[%swap3A_1076, %swap3A_1077], %gather3A_1075 {strides = array<i32>} : memref<512x128xf32, #tpu.memory_space<vmem>>, vector<16xf32>,
      %gather3A_1079 = arith.constant 0 : i32
      %gather3A_1080 = arith.constant 0 : i32
      %gather3A_1081 = tpu.memref_slice %arg6[%rem3A_1051, %gather3A_1079, %gather3A_1080] : memref<7x64x128xf32, #tpu.memory_space<vmem>> -> memref<1x64x128xf32, #tpu.memory_space<vmem>>
      %gather3A_1082 = tpu.memref_squeeze %gather3A_1081 : memref<1x64x128xf32, #tpu.memory_space<vmem>> -> memref<64x128xf32, #tpu.memory_space<vmem>>
      %gather3A_1083 = tpu.vector_load_idx %gather3A_1082[%add3A_9, %broadcast_in_dim3A_1070] : memref<64x128xf32, #tpu.memory_space<vmem>>[vector<16xi32>, vector<16xi32>], vector<16xf32>,
      %swap3A_1084 = arith.index_cast %add3A_1049 : i32 to index
      %swap3A_1085 = arith.constant 16 : index
      %swap3A_1086 = tpu.vector_load %arg7[%swap3A_1084, %swap3A_1085] {strides = array<i32>} : memref<512x128xf32, #tpu.memory_space<vmem>>, vector<16xf32>,
      tpu.vector_store %arg7[%swap3A_1084, %swap3A_1085], %gather3A_1083 {strides = array<i32>} : memref<512x128xf32, #tpu.memory_space<vmem>>, vector<16xf32>,
      %gather3A_1087 = arith.constant 0 : i32
      %gather3A_1088 = arith.constant 0 : i32
      %gather3A_1089 = tpu.memref_slice %arg6[%rem3A_1051, %gather3A_1087, %gather3A_1088] : memref<7x64x128xf32, #tpu.memory_space<vmem>> -> memref<1x64x128xf32, #tpu.memory_space<vmem>>
      %gather3A_1090 = tpu.memref_squeeze %gather3A_1089 : memref<1x64x128xf32, #tpu.memory_space<vmem>> -> memref<64x128xf32, #tpu.memory_space<vmem>>
      %gather3A_1091 = tpu.vector_load_idx %gather3A_1090[%add3A_13, %broadcast_in_dim3A_1070] : memref<64x128xf32, #tpu.memory_space<vmem>>[vector<16xi32>, vector<16xi32>], vector<16xf32>,
      %swap3A_1092 = arith.index_cast %add3A_1049 : i32 to index
      %swap3A_1093 = arith.constant 32 : index
      %swap3A_1094 = tpu.vector_load %arg7[%swap3A_1092, %swap3A_1093] {strides = array<i32>} : memref<512x128xf32, #tpu.memory_space<vmem>>, vector<16xf32>,
      tpu.vector_store %arg7[%swap3A_1092, %swap3A_1093], %gather3A_1091 {strides = array<i32>} : memref<512x128xf32, #tpu.memory_space<vmem>>, vector<16xf32>,
      %gather3A_1095 = arith.constant 0 : i32
      %gather3A_1096 = arith.constant 0 : i32
      %gather3A_1097 = tpu.memref_slice %arg6[%rem3A_1051, %gather3A_1095, %gather3A_1096] : memref<7x64x128xf32, #tpu.memory_space<vmem>> -> memref<1x64x128xf32, #tpu.memory_space<vmem>>
      %gather3A_1098 = tpu.memref_squeeze %gather3A_1097 : memref<1x64x128xf32, #tpu.memory_space<vmem>> -> memref<64x128xf32, #tpu.memory_space<vmem>>
      %gather3A_1099 = tpu.vector_load_idx %gather3A_1098[%add3A_17, %broadcast_in_dim3A_1070] : memref<64x128xf32, #tpu.memory_space<vmem>>[vector<16xi32>, vector<16xi32>], vector<16xf32>,
      %swap3A_1100 = arith.index_cast %add3A_1049 : i32 to index
      %swap3A_1101 = arith.constant 48 : index
      %swap3A_1102 = tpu.vector_load %arg7[%swap3A_1100, %swap3A_1101] {strides = array<i32>} : memref<512x128xf32, #tpu.memory_space<vmem>>, vector<16xf32>,
      tpu.vector_store %arg7[%swap3A_1100, %swap3A_1101], %gather3A_1099 {strides = array<i32>} : memref<512x128xf32, #tpu.memory_space<vmem>>, vector<16xf32>,
      %slice3A_1103 = vector.extract_strided_slice %get3A_160 {offsets = [5], sizes = [1], strides = [1]} : vector<16xi32> to vector<1xi32>
      %squeeze3A_1104 = vector.extract %slice3A_1103[0] : i32 from vector<1xi32>
      %add3A_1105 = arith.constant 7 : i32
      %add3A_1106 = arith.addi %add3A_1049, %add3A_1105 : i32
      %lt3A_1107 = arith.constant 512 : i32
      %lt3A_1108 = arith.cmpi slt, %add3A_1106, %lt3A_1107 : i32
      %convert_element_type3A_1109 = arith.extui %lt3A_1108 : i1 to i32
      %cond3A_1110 = arith.constant 0 : i32
      %cond3A_1111 = arith.cmpi ne, %convert_element_type3A_1109, %cond3A_1110 : i32
      scf.if %cond3A_1111 {
        %shift_right_logical3A_1176 = arith.constant 7 : i32
        %shift_right_logical3A_1177 = arith.shrui %squeeze3A_1104, %shift_right_logical3A_1176 : i32
        %mul3A_1178 = arith.constant 128 : i32
        %mul3A_1179 = arith.muli %shift_right_logical3A_1177, %mul3A_1178 : i32
        %dma_start3A_1180 = arith.constant 0 : i32
        %dma_start3A_1181 = arith.constant 0 : i32
        %dma_start3A_1182 = tpu.memref_slice %arg6[%rem3A_1051, %dma_start3A_1180, %dma_start3A_1181] : memref<7x64x128xf32, #tpu.memory_space<vmem>> -> memref<1x64x128xf32, #tpu.memory_space<vmem>>
        %dma_start3A_1183 = tpu.memref_squeeze %dma_start3A_1182 : memref<1x64x128xf32, #tpu.memory_space<vmem>> -> memref<64x128xf32, #tpu.memory_space<vmem>>
        %dma_start3A_1184 = arith.constant 0 : i32
        %dma_start3A_1185 = tpu.memref_slice %arg2[%dma_start3A_1184, %mul3A_1179] : memref<64x1000000xf32, #tpu.memory_space<hbm>> -> memref<64x128xf32, #tpu.memory_space<hbm>>
        %dma_start3A_1186 = arith.constant 0 : i32
        %dma_start3A_1187 = arith.constant 0 : i32
        %dma_start3A_1188 = tpu.memref_slice %arg6[%rem3A_1051, %dma_start3A_1186, %dma_start3A_1187] : memref<7x64x128xf32, #tpu.memory_space<vmem>> -> memref<1x64x128xf32, #tpu.memory_space<vmem>>
        %dma_start3A_1189 = tpu.memref_squeeze %dma_start3A_1188 : memref<1x64x128xf32, #tpu.memory_space<vmem>> -> memref<64x128xf32, #tpu.memory_space<vmem>>
        %dma_start3A_1190 = arith.constant 0 : i32
        %dma_start3A_1191 = tpu.memref_slice %arg2[%dma_start3A_1190, %mul3A_1179] : memref<64x1000000xf32, #tpu.memory_space<hbm>> -> memref<64x128xf32, #tpu.memory_space<hbm>>
        tpu.enqueue_dma source(%dma_start3A_1191 : memref<64x128xf32, #tpu.memory_space<hbm>>) target(%dma_start3A_1189 : memref<64x128xf32, #tpu.memory_space<vmem>>) target_semaphore(%arg8 : memref<!tpu.dma_semaphore, #tpu.memory_space<semaphore_mem>>)
      } else {
      }
      %add3A_1112 = arith.constant 15 : i32
      %add3A_1113 = arith.addi %mul3A_154, %add3A_1112 : i32
      %rem3A_1114 = arith.constant 7 : i32
      %rem3A_1115 = arith.remsi %add3A_1113, %rem3A_1114 : i32
      %dma_wait3A_1116 = arith.constant 0 : i32
      %dma_wait3A_1117 = arith.constant 0 : i32
      %dma_wait3A_1118 = tpu.memref_slice %arg6[%rem3A_1115, %dma_wait3A_1116, %dma_wait3A_1117] : memref<7x64x128xf32, #tpu.memory_space<vmem>> -> memref<1x64x128xf32, #tpu.memory_space<vmem>>
      %dma_wait3A_1119 = tpu.memref_squeeze %dma_wait3A_1118 : memref<1x64x128xf32, #tpu.memory_space<vmem>> -> memref<64x128xf32, #tpu.memory_space<vmem>>
      %dma_wait3A_1120 = arith.constant 0 : i32
      %dma_wait3A_1121 = arith.constant 0 : i32
      %dma_wait3A_1122 = tpu.memref_slice %arg2[%dma_wait3A_1120, %dma_wait3A_1121] : memref<64x1000000xf32, #tpu.memory_space<hbm>> -> memref<64x128xf32, #tpu.memory_space<hbm>>
      %dma_wait3A_1123 = arith.constant 0 : i32
      %dma_wait3A_1124 = arith.constant 0 : i32
      %dma_wait3A_1125 = tpu.memref_slice %arg6[%rem3A_1115, %dma_wait3A_1123, %dma_wait3A_1124] : memref<7x64x128xf32, #tpu.memory_space<vmem>> -> memref<1x64x128xf32, #tpu.memory_space<vmem>>
      %dma_wait3A_1126 = tpu.memref_squeeze %dma_wait3A_1125 : memref<1x64x128xf32, #tpu.memory_space<vmem>> -> memref<64x128xf32, #tpu.memory_space<vmem>>
      %dma_wait3A_1127 = arith.constant 0 : i32
      %dma_wait3A_1128 = arith.constant 0 : i32
      %dma_wait3A_1129 = tpu.memref_slice %arg2[%dma_wait3A_1127, %dma_wait3A_1128] : memref<64x1000000xf32, #tpu.memory_space<hbm>> -> memref<64x128xf32, #tpu.memory_space<hbm>>
      tpu.wait_dma2 semaphore(%arg8 : memref<!tpu.dma_semaphore, #tpu.memory_space<semaphore_mem>>) src(%dma_wait3A_1129 : memref<64x128xf32, #tpu.memory_space<hbm>>) dst(%dma_wait3A_1126 : memref<64x128xf32, #tpu.memory_space<vmem>>)
      %slice3A_1130 = vector.extract_strided_slice %get3A_156 {offsets = [15], sizes = [1], strides = [1]} : vector<16xi32> to vector<1xi32>
      %squeeze3A_1131 = vector.extract %slice3A_1130[0] : i32 from vector<1xi32>
      %and3A_1132 = arith.constant 127 : i32
      %and3A_1133 = arith.andi %squeeze3A_1131, %and3A_1132 : i32
      %broadcast_in_dim3A_1134 = vector.broadcast %and3A_1133 : i32 to vector<16xi32>
      %gather3A_1135 = arith.constant 0 : i32
      %gather3A_1136 = arith.constant 0 : i32
      %gather3A_1137 = tpu.memref_slice %arg6[%rem3A_1115, %gather3A_1135, %gather3A_1136] : memref<7x64x128xf32, #tpu.memory_space<vmem>> -> memref<1x64x128xf32, #tpu.memory_space<vmem>>
      %gather3A_1138 = tpu.memref_squeeze %gather3A_1137 : memref<1x64x128xf32, #tpu.memory_space<vmem>> -> memref<64x128xf32, #tpu.memory_space<vmem>>
      %gather3A_1139 = tpu.vector_load_idx %gather3A_1138[%add3A_5, %broadcast_in_dim3A_1134] : memref<64x128xf32, #tpu.memory_space<vmem>>[vector<16xi32>, vector<16xi32>], vector<16xf32>,
      %swap3A_1140 = arith.index_cast %add3A_1113 : i32 to index
      %swap3A_1141 = arith.constant 0 : index
      %swap3A_1142 = tpu.vector_load %arg7[%swap3A_1140, %swap3A_1141] {strides = array<i32>} : memref<512x128xf32, #tpu.memory_space<vmem>>, vector<16xf32>,
      tpu.vector_store %arg7[%swap3A_1140, %swap3A_1141], %gather3A_1139 {strides = array<i32>} : memref<512x128xf32, #tpu.memory_space<vmem>>, vector<16xf32>,
      %gather3A_1143 = arith.constant 0 : i32
      %gather3A_1144 = arith.constant 0 : i32
      %gather3A_1145 = tpu.memref_slice %arg6[%rem3A_1115, %gather3A_1143, %gather3A_1144] : memref<7x64x128xf32, #tpu.memory_space<vmem>> -> memref<1x64x128xf32, #tpu.memory_space<vmem>>
      %gather3A_1146 = tpu.memref_squeeze %gather3A_1145 : memref<1x64x128xf32, #tpu.memory_space<vmem>> -> memref<64x128xf32, #tpu.memory_space<vmem>>
      %gather3A_1147 = tpu.vector_load_idx %gather3A_1146[%add3A_9, %broadcast_in_dim3A_1134] : memref<64x128xf32, #tpu.memory_space<vmem>>[vector<16xi32>, vector<16xi32>], vector<16xf32>,
      %swap3A_1148 = arith.index_cast %add3A_1113 : i32 to index
      %swap3A_1149 = arith.constant 16 : index
      %swap3A_1150 = tpu.vector_load %arg7[%swap3A_1148, %swap3A_1149] {strides = array<i32>} : memref<512x128xf32, #tpu.memory_space<vmem>>, vector<16xf32>,
      tpu.vector_store %arg7[%swap3A_1148, %swap3A_1149], %gather3A_1147 {strides = array<i32>} : memref<512x128xf32, #tpu.memory_space<vmem>>, vector<16xf32>,
      %gather3A_1151 = arith.constant 0 : i32
      %gather3A_1152 = arith.constant 0 : i32
      %gather3A_1153 = tpu.memref_slice %arg6[%rem3A_1115, %gather3A_1151, %gather3A_1152] : memref<7x64x128xf32, #tpu.memory_space<vmem>> -> memref<1x64x128xf32, #tpu.memory_space<vmem>>
      %gather3A_1154 = tpu.memref_squeeze %gather3A_1153 : memref<1x64x128xf32, #tpu.memory_space<vmem>> -> memref<64x128xf32, #tpu.memory_space<vmem>>
      %gather3A_1155 = tpu.vector_load_idx %gather3A_1154[%add3A_13, %broadcast_in_dim3A_1134] : memref<64x128xf32, #tpu.memory_space<vmem>>[vector<16xi32>, vector<16xi32>], vector<16xf32>,
      %swap3A_1156 = arith.index_cast %add3A_1113 : i32 to index
      %swap3A_1157 = arith.constant 32 : index
      %swap3A_1158 = tpu.vector_load %arg7[%swap3A_1156, %swap3A_1157] {strides = array<i32>} : memref<512x128xf32, #tpu.memory_space<vmem>>, vector<16xf32>,
      tpu.vector_store %arg7[%swap3A_1156, %swap3A_1157], %gather3A_1155 {strides = array<i32>} : memref<512x128xf32, #tpu.memory_space<vmem>>, vector<16xf32>,
      %gather3A_1159 = arith.constant 0 : i32
      %gather3A_1160 = arith.constant 0 : i32
      %gather3A_1161 = tpu.memref_slice %arg6[%rem3A_1115, %gather3A_1159, %gather3A_1160] : memref<7x64x128xf32, #tpu.memory_space<vmem>> -> memref<1x64x128xf32, #tpu.memory_space<vmem>>
      %gather3A_1162 = tpu.memref_squeeze %gather3A_1161 : memref<1x64x128xf32, #tpu.memory_space<vmem>> -> memref<64x128xf32, #tpu.memory_space<vmem>>
      %gather3A_1163 = tpu.vector_load_idx %gather3A_1162[%add3A_17, %broadcast_in_dim3A_1134] : memref<64x128xf32, #tpu.memory_space<vmem>>[vector<16xi32>, vector<16xi32>], vector<16xf32>,
      %swap3A_1164 = arith.index_cast %add3A_1113 : i32 to index
      %swap3A_1165 = arith.constant 48 : index
      %swap3A_1166 = tpu.vector_load %arg7[%swap3A_1164, %swap3A_1165] {strides = array<i32>} : memref<512x128xf32, #tpu.memory_space<vmem>>, vector<16xf32>,
      tpu.vector_store %arg7[%swap3A_1164, %swap3A_1165], %gather3A_1163 {strides = array<i32>} : memref<512x128xf32, #tpu.memory_space<vmem>>, vector<16xf32>,
      %slice3A_1167 = vector.extract_strided_slice %get3A_160 {offsets = [6], sizes = [1], strides = [1]} : vector<16xi32> to vector<1xi32>
      %squeeze3A_1168 = vector.extract %slice3A_1167[0] : i32 from vector<1xi32>
      %add3A_1169 = arith.constant 7 : i32
      %add3A_1170 = arith.addi %add3A_1113, %add3A_1169 : i32
      %lt3A_1171 = arith.constant 512 : i32
      %lt3A_1172 = arith.cmpi slt, %add3A_1170, %lt3A_1171 : i32
      %convert_element_type3A_1173 = arith.extui %lt3A_1172 : i1 to i32
      %cond3A_1174 = arith.constant 0 : i32
      %cond3A_1175 = arith.cmpi ne, %convert_element_type3A_1173, %cond3A_1174 : i32
      scf.if %cond3A_1175 {
        %shift_right_logical3A_1176 = arith.constant 7 : i32
        %shift_right_logical3A_1177 = arith.shrui %squeeze3A_1168, %shift_right_logical3A_1176 : i32
        %mul3A_1178 = arith.constant 128 : i32
        %mul3A_1179 = arith.muli %shift_right_logical3A_1177, %mul3A_1178 : i32
        %dma_start3A_1180 = arith.constant 0 : i32
        %dma_start3A_1181 = arith.constant 0 : i32
        %dma_start3A_1182 = tpu.memref_slice %arg6[%rem3A_1115, %dma_start3A_1180, %dma_start3A_1181] : memref<7x64x128xf32, #tpu.memory_space<vmem>> -> memref<1x64x128xf32, #tpu.memory_space<vmem>>
        %dma_start3A_1183 = tpu.memref_squeeze %dma_start3A_1182 : memref<1x64x128xf32, #tpu.memory_space<vmem>> -> memref<64x128xf32, #tpu.memory_space<vmem>>
        %dma_start3A_1184 = arith.constant 0 : i32
        %dma_start3A_1185 = tpu.memref_slice %arg2[%dma_start3A_1184, %mul3A_1179] : memref<64x1000000xf32, #tpu.memory_space<hbm>> -> memref<64x128xf32, #tpu.memory_space<hbm>>
        %dma_start3A_1186 = arith.constant 0 : i32
        %dma_start3A_1187 = arith.constant 0 : i32
        %dma_start3A_1188 = tpu.memref_slice %arg6[%rem3A_1115, %dma_start3A_1186, %dma_start3A_1187] : memref<7x64x128xf32, #tpu.memory_space<vmem>> -> memref<1x64x128xf32, #tpu.memory_space<vmem>>
        %dma_start3A_1189 = tpu.memref_squeeze %dma_start3A_1188 : memref<1x64x128xf32, #tpu.memory_space<vmem>> -> memref<64x128xf32, #tpu.memory_space<vmem>>
        %dma_start3A_1190 = arith.constant 0 : i32
        %dma_start3A_1191 = tpu.memref_slice %arg2[%dma_start3A_1190, %mul3A_1179] : memref<64x1000000xf32, #tpu.memory_space<hbm>> -> memref<64x128xf32, #tpu.memory_space<hbm>>
        tpu.enqueue_dma source(%dma_start3A_1191 : memref<64x128xf32, #tpu.memory_space<hbm>>) target(%dma_start3A_1189 : memref<64x128xf32, #tpu.memory_space<vmem>>) target_semaphore(%arg8 : memref<!tpu.dma_semaphore, #tpu.memory_space<semaphore_mem>>)
      } else {
      }
    }
    %scan3A_151 = arith.constant 32 : i32
    "tpu.region"() ({
      %run_scoped3A = tpu.sem_alloc : memref<!tpu.dma_semaphore, #tpu.memory_space<semaphore_mem>>
      %dma_start3A_152 = arith.constant 0 : i32
      %dma_start3A_153 = tpu.memref_slice %arg4[%mul3A_2, %dma_start3A_152] : memref<16384x128xf32, #tpu.memory_space<hbm>> -> memref<512x128xf32, #tpu.memory_space<hbm>>
      %dma_start3A_154 = arith.constant 0 : i32
      %dma_start3A_155 = tpu.memref_slice %arg4[%mul3A_2, %dma_start3A_154] : memref<16384x128xf32, #tpu.memory_space<hbm>> -> memref<512x128xf32, #tpu.memory_space<hbm>>
      tpu.enqueue_dma source(%arg7 : memref<512x128xf32, #tpu.memory_space<vmem>>) target(%dma_start3A_155 : memref<512x128xf32, #tpu.memory_space<hbm>>) target_semaphore(%run_scoped3A : memref<!tpu.dma_semaphore, #tpu.memory_space<semaphore_mem>>)
      %dma_wait3A = arith.constant 0 : i32
      %dma_wait3A_156 = tpu.memref_slice %arg4[%mul3A_2, %dma_wait3A] : memref<16384x128xf32, #tpu.memory_space<hbm>> -> memref<512x128xf32, #tpu.memory_space<hbm>>
      %dma_wait3A_157 = arith.constant 0 : i32
      %dma_wait3A_158 = tpu.memref_slice %arg4[%mul3A_2, %dma_wait3A_157] : memref<16384x128xf32, #tpu.memory_space<hbm>> -> memref<512x128xf32, #tpu.memory_space<hbm>>
      tpu.wait_dma2 semaphore(%run_scoped3A : memref<!tpu.dma_semaphore, #tpu.memory_space<semaphore_mem>>) src(%arg7 : memref<512x128xf32, #tpu.memory_space<vmem>>) dst(%dma_wait3A_158 : memref<512x128xf32, #tpu.memory_space<hbm>>)
      tpu.yield
    }) : () -> ()
    return
  }
}

module attributes {stable_mosaic.version = 14 : i64} {
  func.func @_proj_body(%arg0: i32, %arg1: memref<2048x128xf32, #tpu.memory_space<vmem>>, %arg2: memref<64x1024xf32, #tpu.memory_space<vmem>>, %arg3: memref<1x1024xf32, #tpu.memory_space<vmem>>, %arg4: memref<2048x1024xf32, #tpu.memory_space<vmem>>) attributes {dimension_semantics = [#tpu.dimension_semantics<arbitrary>], iteration_bounds = array<i64: 8>, scalar_prefetch = 0 : i64, scratch_operands = 0 : i64, tpu.core_type = #tpu.core_type<tc>, window_params = [{transform_indices = @transform_0, window_bounds = array<i64: 2048, 128>}, {pipeline_mode = #tpu.pipeline_mode<synchronous>, transform_indices = @transform_1, window_bounds = array<i64: 64, 1024>}, {pipeline_mode = #tpu.pipeline_mode<synchronous>, transform_indices = @transform_2, window_bounds = array<i64: 1, 1024>}, {transform_indices = @transform_3, window_bounds = array<i64: 2048, 1024>}]} {
    %get3A = arith.constant 0 : index
    %get3A_0 = arith.constant 0 : index
    %get3A_1 = vector.load %arg1[%get3A, %get3A_0] : memref<2048x128xf32, #tpu.memory_space<vmem>>, vector<2048x64xf32>
    %get3A_2 = arith.constant 0 : index
    %get3A_3 = arith.constant 0 : index
    %get3A_4 = vector.load %arg2[%get3A_2, %get3A_3] : memref<64x1024xf32, #tpu.memory_space<vmem>>, vector<64x1024xf32>
    %dot_general3A = arith.constant dense<0.000000e+00> : vector<2048x1024xf32>
    %dot_general3A_5 = tpu.matmul %get3A_1, %get3A_4, %dot_general3A {dimension_numbers = #tpu.dot_dimension_numbers<[1], [0], [0], [1], [0, 0, 1, 1], [], []>, transpose_lhs_hint = false} : vector<2048x64xf32>, vector<64x1024xf32>, vector<2048x1024xf32> -> vector<2048x1024xf32>
    %get3A_6 = arith.constant 0 : index
    %get3A_7 = arith.constant 0 : index
    %get3A_8 = vector.load %arg3[%get3A_6, %get3A_7] : memref<1x1024xf32, #tpu.memory_space<vmem>>, vector<1x1024xf32>
    %add3A = vector.broadcast %get3A_8 : vector<1x1024xf32> to vector<2048x1024xf32>
    %add3A_9 = arith.addf %dot_general3A_5, %add3A : vector<2048x1024xf32>
    %swap3A = arith.constant 0 : index
    %swap3A_10 = arith.constant 0 : index
    %swap3A_11 = vector.load %arg4[%swap3A, %swap3A_10] : memref<2048x1024xf32, #tpu.memory_space<vmem>>, vector<2048x1024xf32>
    tpu.vector_store %arg4[%swap3A, %swap3A_10], %add3A_9 {strides = array<i32>} : memref<2048x1024xf32, #tpu.memory_space<vmem>>, vector<2048x1024xf32>,
    return
  }
  func.func @transform_0(%arg0: i32) -> (i32, i32) {
    %c0_i32 = arith.constant 0 : i32
    %c0_i32_0 = arith.constant 0 : i32
    return %arg0, %c0_i32 : i32, i32
  }
  func.func @transform_1(%arg0: i32) -> (i32, i32) {
    %c0_i32 = arith.constant 0 : i32
    %c0_i32_0 = arith.constant 0 : i32
    %c0_i32_1 = arith.constant 0 : i32
    return %c0_i32, %c0_i32_0 : i32, i32
  }
  func.func @transform_2(%arg0: i32) -> (i32, i32) {
    %c0_i32 = arith.constant 0 : i32
    %c0_i32_0 = arith.constant 0 : i32
    %c0_i32_1 = arith.constant 0 : i32
    return %c0_i32, %c0_i32_0 : i32, i32
  }
  func.func @transform_3(%arg0: i32) -> (i32, i32) {
    %add3A = arith.constant 0 : i32
    %add3A_0 = arith.addi %add3A, %arg0 : i32
    %c0_i32 = arith.constant 0 : i32
    %c0_i32_1 = arith.constant 0 : i32
    return %add3A_0, %c0_i32 : i32, i32
  }
}

</mosaic_0001>

<sc_bundles>
// kernel: kernel.4.cloned.1.call-start
scs
__scs_entry_jumppad:
0x0: {  	(pc) =	sbr.rel $0x88, $3  }
0x1: {  	(tag) =	ssettag $0x0;
	lr =	simm.s32 $0x1  }
0x2: {  	[smem:$0x3F9D] =	sst lr;
	_ =	strace $0xD0000000  }
0x3: {  	_ = 	snop  }
0x4: {  	_ = 	snop  }
0x5: {  	_ = 	snop  }
0x6: {  	_ = 	snop  }
0x7: {  	_ = 	snop  }
__scs_overlays_trampoline_lowered:
0x8: {  	[smem:$0x3FAC] =	sst s0  }
0x9: {  	[smem:$0x3FAD] =	sst s1  }
0xa: {  	[smem:$0x3FAE] =	sst s2  }
0xb: {  	[smem:$0x3FAF] =	sst s3  }
0xc: {  	[smem:$0x3FB0] =	sst s4  }
0xd: {  	[smem:$0x3FB1] =	sst s5  }
0xe: {  	[smem:$0x3FB2] =	sst s6  }
0xf: {  	[smem:$0x3FB3] =	sst s7  }
0x10: {  	[smem:$0x3FB4] =	sst s8  }
0x11: {  	[smem:$0x3FB5] =	sst s9;
	s0 =	simm.s32 @!p0 $0x0  }
0x12: {  	s1 =	sld [smem:$0x3F9B];
	s0 =	simm.s32 @p0 $0x1  }
0x13: {  	[smem:$0x3FB6] =	sst s0;
	s0 =	simm.s32 @!p1 $0x0  }
0x14: {  	s2 =	sld [smem:$0x3F9A];
	s0 =	simm.s32 @p1 $0x1  }
0x15: {  	[smem:$0x3FB7] =	sst s0;
	s0 =	simm.s32 @!p2 $0x0  }
0x16: {  	s3 =	sld [smem:$0x3FDB];
	s0 =	simm.s32 @p2 $0x1  }
0x17: {  	s4 =	simm.s32 $0x1BF5;
	[smem:$0x3FB9] =	sst s0  }
0x18: {  	s0 =	sld [smem:$0x3F9C];
	_ =	swait.ge [sflag:s4], $0x0  }
0x19: {  	s7 =	sld [smem:$0x3F9D]  }
0x1a: {  	s8 =	sadd.s32 $0xFFFFE003, lr  }
0x1b: {  	s9 =	sadd.s32 $0xFFFFFEF7, lr;
	s5 =	simm.s32 $0xFFFFFFFF;
	p2 =	slt.u32 s8, $0xFFFFF086  }
0x1c: {  	p1 =	slt.u32 s9, $0xF7A;
	s5 =	simm.s32 @!p2 $0x0  }
0x1d: {  	s5 =	simm.s32 @p1 $0x1;
	p0 =	seq.s32 s7, s2  }
0x1e: {  	s7 =	smul.u32 @!p0 $0xF7A, s2;
	p2 =	seq.s32 @!p0 s5, $0x0  }
0x1f: {  	s9 =	smul.u32 $0xF7A, s1;
	s8 =	simm.s32 @!p0 $0x1BF5;
	p2 =	por !p2, p0  }
0x20: {  	[sflag:s8] =	ssyncset.s32 @!p0 $0xFFFFF086;
	s6 =	sadd.s32 @!p0 s3, s7;
	s7 =	simm.s32 @!p0 $0x108  }
0x21: {  	s3 =	sadd.s32 s3, s9;
	s6 =	sadd.s32 @!p0 $0x88, s6;
	s7 =	simm.s32 @p2 $0x1082  }
0x22: {  	[simem:s7], [sflag:s8] =	dma.local @!p0 [hbm:s6], $0xF7A  }
0x23: {  	s9 =	sor.u32 $0xD0000000, s2;
	s6 =	simm.s32 $0x108;
	_ =	swait.ge @!p0 [sflag:s8], $0x0  }
0x24: {  	s3 =	sadd.s32 $0x88, s3;
	s6 =	simm.s32 @!p1 $0x1082;
	[sflag:s4] =	ssyncset.s32 $0xFFFFF086  }
0x25: {  	[simem:s6], [sflag:s4] =	dma.local [hbm:s3], $0xF7A  }
0x26: {  	[smem:$0x3F9D] =	sst s1;
	(tag) =	ssettag s2;
	_ =	strace s9  }
0x27: {  	s1 =	sld [smem:$0x3FAD]  }
0x28: {  	s2 =	sld [smem:$0x3FAE]  }
0x29: {  	s4 =	sld [smem:$0x3FB0]  }
0x2a: {  	p0 =	seq.s32 s5, $0x0;
	s5 =	sld [smem:$0x3FB1]  }
0x2b: {  	s6 =	sld [smem:$0x3FB2]  }
0x2c: {  	s7 =	sld [smem:$0x3FB3]  }
0x2d: {  	s3 =	simm.s32 $0x108;
	s8 =	sld [smem:$0x3FB4]  }
0x2e: {  	s3 =	simm.s32 @!p0 $0x1082;
	s9 =	sld [smem:$0x3FB5]  }
0x2f: {  	lr =	sadd.s32 s0, s3;
	s0 =	sld [smem:$0x3FAC]  }
0x30: {  	s3 =	sld [smem:$0x3FAF]  }
0x31: {  	[smem:$0x3FB8] =	sst s10  }
0x32: {  	s10 =	sld [smem:$0x3FB6];
	_ =	sdelay $0x3  }
0x33: {  	p0 =	seq.s32 s10, $0x1;
	s10 =	sld [smem:$0x3FB8];
	_ =	sdelay $0x3  }
0x34: {  	[smem:$0x3FB8] =	sst s10  }
0x35: {  	s10 =	sld [smem:$0x3FB7];
	_ =	sdelay $0x3  }
0x36: {  	p1 =	seq.s32 s10, $0x1;
	s10 =	sld [smem:$0x3FB8];
	_ =	sdelay $0x3  }
0x37: {  	[smem:$0x3FB8] =	sst s10  }
0x38: {  	s10 =	sld [smem:$0x3FB9]  }
0x39: {  	_ = 	snop;
	(pc) =	sbr.ind lr, $3  }
0x3a: {  	_ = 	snop  }
0x3b: {  	_ = 	snop  }
0x3c: {  	p2 =	seq.s32 s10, $0x1;
	s10 =	sld [smem:$0x3FB8]  }
0x3d: {  	_ =	shalt  }
0x3e: {  	_ =	shalt  }
0x3f: {  	_ =	shalt  }
0x40: {  	_ =	shalt  }
0x41: {  	_ =	shalt  }
0x42: {  	_ =	shalt  }
0x43: {  	_ =	shalt  }
0x44: {  	_ =	shalt  }
0x45: {  	_ =	shalt  }
0x46: {  	_ =	shalt  }
0x47: {  	_ =	shalt  }
0x48: {  	_ =	shalt  }
0x49: {  	_ =	shalt  }
0x4a: {  	_ =	shalt  }
0x4b: {  	_ =	shalt  }
0x4c: {  	_ =	shalt  }
0x4d: {  	_ =	shalt  }
0x4e: {  	_ =	shalt  }
0x4f: {  	_ =	shalt  }
0x50: {  	_ =	shalt  }
0x51: {  	_ =	shalt  }
0x52: {  	_ =	shalt  }
0x53: {  	_ =	shalt  }
0x54: {  	_ =	shalt  }
0x55: {  	_ =	shalt  }
0x56: {  	_ =	shalt  }
0x57: {  	_ =	shalt  }
0x58: {  	_ =	shalt  }
0x59: {  	_ =	shalt  }
0x5a: {  	_ =	shalt  }
0x5b: {  	_ =	shalt  }
0x5c: {  	_ =	shalt  }
0x5d: {  	_ =	shalt  }
0x5e: {  	_ =	shalt  }
0x5f: {  	_ =	shalt  }
0x60: {  	_ =	shalt  }
0x61: {  	_ =	shalt  }
0x62: {  	_ =	shalt  }
0x63: {  	_ =	shalt  }
0x64: {  	_ =	shalt  }
0x65: {  	_ =	shalt  }
0x66: {  	_ =	shalt  }
0x67: {  	_ =	shalt  }
0x68: {  	_ =	shalt  }
0x69: {  	_ =	shalt  }
0x6a: {  	_ =	shalt  }
0x6b: {  	_ =	shalt  }
0x6c: {  	_ =	shalt  }
0x6d: {  	_ =	shalt  }
0x6e: {  	_ =	shalt  }
0x6f: {  	_ =	shalt  }
0x70: {  	_ =	shalt  }
0x71: {  	_ =	shalt  }
0x72: {  	_ =	shalt  }
0x73: {  	_ =	shalt  }
0x74: {  	_ =	shalt  }
0x75: {  	_ =	shalt  }
0x76: {  	_ =	shalt  }
0x77: {  	_ =	shalt  }
0x78: {  	_ =	shalt  }
0x79: {  	_ =	shalt  }
0x7a: {  	_ =	shalt  }
0x7b: {  	_ =	shalt  }
0x7c: {  	_ =	shalt  }
0x7d: {  	_ =	shalt  }
0x7e: {  	_ =	shalt  }
0x7f: {  	_ =	shalt  }
0x80: {  	_ =	shalt  }
0x81: {  	_ =	shalt  }
0x82: {  	_ =	shalt  }
0x83: {  	_ =	shalt  }
0x84: {  	_ =	shalt  }
0x85: {  	_ =	shalt  }
0x86: {  	_ =	shalt  }
0x87: {  	_ =	shalt  }
.Lfunc_end0:
.L_simem_size_0:
called_computation_lowered:
.L_overlay_start_0:
0x88: {  	s2 =	sld [smem:$0x3FD9]  }
0x89: {  	s3 =	sld [smem:$0x3FFE];
	_ =	sdelay $0x1  }
0x8a: {  	s1 =	srdreg.scid  }
0x8b: {  	s0 =	sand.u32 $0x1, s1  }
0x8c: {  	s18 =	sshll.u32 s0, $0xA;
	s2 =	sadd.s32 s3, s2  }
0x8d: {  	s2 =	sadd.s32 s2, s18  }
0x8e: {  	[smem:$0x3FC4] =	sst s2  }
0x8f: {  	_ = 	snop  }
0x90: {  	s2 =	sld [smem:$0x3FC9]  }
0x91: {  	s19 =	sld [smem:$0x3FC8]  }
0x92: {  	s4 =	sld [smem:$0x3FD0];
	(tm) =	ssettm $0x1  }
0x93: {  	s5 =	sld [smem:$0x3FFB];
	_ =	sdelay $0x3  }
0x94: {  	_ =	strace s5  }
0x95: {  	s5 =	sld [smem:$0x3FFC];
	_ =	sdelay $0x3  }
0x96: {  	_ =	strace s5  }
0x97: {  	s5 =	sld [smem:$0x3FFD];
	_ =	sdelay $0x3  }
0x98: {  	_ =	strace s5  }
0x99: {  	_ =	strace $0x8FFFFFFF  }
0x9a: {  	s20 =	sld [smem:$0x3FDB];
	_ =	sdelay $0x1  }
0x9b: {  	s6 =	simm.s32 $_scs_section_size  }
0x9c: {  	s7 =	simm.s32 $_size__tile_overlayer_lowered;
	s8 =	simm.s32 $_tile_overlayer_lowered  }
0x9d: {  	s23 =	simm.s32 $0x1BFF;
	s22 =	sshll.u32 s8, $0x1;
	s5 =	sadd.s32 s6, s20  }
0x9e: {  	s9 =	simm.s32 $0x0;
	s21 =	sshll.u32 s7, $0x1;
	s7 =	sadd.s32 s22, s5  }
0x9f: {  	[timem:s9], [sflag:s23] =	dma.local [hbm:s7], s21  }
0xa0: {  	_ =	swait.ge [sflag:s23], s21  }
0xa1: {  	s6 =	ssub.s32 $0x0, s21;
	[sflag:s23] =	ssyncset.done $0x0  }
0xa2: {  	[sflag:s23] =	ssyncadd.s32 s6;
	_ =	sdelay $0x1  }
0xa3: {  	s24 =	simm.s32 $0x1B8B  }
0xa4: {  	_ =	swait.ge [sflag:s24], $0x1  }
0xa5: {  	[sflag:s24] =	ssyncset.done $0x0  }
0xa6: {  	s25 =	simm.s32 $0x1B8E;
	[sflag:s24] =	ssyncadd.s32 $0xFFFFFFFF  }
0xa7: {  	s26 =	simm.s32 $execute0_lowered;
	[smem:$0x3FD2] =	sst s25  }
0xa8: {  	s6 =	sshll.u32 s26, $0x1;
	_ =	strace $0x80000046;
	[dreg:$0x1] =	wrdreg $0xFFFFFFFF  }
0xa9: {  	s28 =	simm.s32 $_size_execute0_lowered;
	s5 =	sadd.s32 s5, s6;
	[dreg:$0x0] =	wrdreg $0x0  }
0xaa: {  	s6 =	sshll.u32 s28, $0x1;
	[dreg:$0x2] =	wrdreg s5  }
0xab: {  	[dreg:$0x3] =	wrdreg s6  }
0xac: {  	[dreg:$0x4] =	wrdreg $0xC0  }
0xad: {  	_ =	task [dreg:s9], $0x5FFFF  }
0xae: {  	[dreg:$0x1] =	wrdreg $0xFFFFFFFF  }
0xaf: {  	[dreg:$0x0] =	wrdreg $0x60  }
0xb0: {  	[dreg:$0x2] =	wrdreg s19  }
0xb1: {  	[dreg:$0x3] =	wrdreg s2  }
0xb2: {  	[dreg:$0x4] =	wrdreg s4  }
0xb3: {  	[dreg:$0x5] =	wrdreg $0x9  }
0xb4: {  	_ =	task.clear_ibuf [dreg:s9], $0x6FFFF;
	_ =	strace $0x90000046  }
0xb5: {  	s29 =	simm.s32 $0x9;
	_ =	strace $0x80000048  }
0xb6: {  	_ =	swait.ge [sflag:s29], $0x1  }
0xb7: {  	[sflag:s29] =	ssyncadd.s32 $0xFFFFFFFF  }
0xb8: {  	_ =	strace $0x90000048  }
0xb9: {  	_ =	sfence  }
0xba: {  	s30 =	sld [smem:$0x0];
	_ =	sdelay $0x2  }
0xbb: {  	s31 =	sshll.u32 s1, $0xD;
	s1 =	sshrl.u32 s1, $0x2  }
0xbc: {  	s3 =	sand.u32 $0x4000, s31;
	s1 =	sadd.s32 s1, s30  }
0xbd: {  	s0 =	sor.u32 s3, s0;
	s1 =	sshll.u32 s1, $0x11  }
0xbe: {  	s0 =	sor.u32 s1, s0  }
0xbf: {  	s0 =	sadd.s32 $0x8F2B, s0  }
0xc0: {  	[sflag:s0] =	ssyncadd.remote.s32 $0x1  }
0xc1: {  	_ =	sfence.sel $0xFFFF  }
0xc2: {  	[dreg:$0x0] =	wrdreg $0xFFFFFFFF;
	(pc) =	sbr.abs _section_cstart, $3  }
0xc3: {  	[dreg:$0x1] =	wrdreg $0xFFFFFFFF  }
0xc4: {  	_ =	task.clear_ibuf [dreg:s9], $0x2FFFF;
	_ =	strace $0x9FFFFFFF  }
0xc5: {  	(tm) =	ssettm $0x7FFFFFFF  }
tec
execute0_lowered:
.L_overlay_start_1:
0x0: {  	(tag) =	ssettag $0x1  }
0x1: {  	s1 =	rddreg [dreg:$0x0]  }
0x2: {  	s4 =	rddreg [dreg:$0x1]  }
0x3: {  	s5 =	rddreg [dreg:$0x2]  }
0x4: {  	s3 =	srdreg.scid;
	s0 =	stileid.u32  }
0x5: {  	s12 =	simm.s32 $0x4280;
	s13 =	simm.s32 $0x6280;
	s14 =	simm.s32 $0x8280  }
0x6: {  	s15 =	simm.s32 $0xA280;
	s16 =	simm.s32 $0xC280;
	s17 =	simm.s32 $0x1  }
0x7: {  	s18 =	simm.s32 $0xE280;
	s19 =	simm.s32 $0x0;
	s6 =	sand.u32 $0x1, s3  }
0x8: {  	s3 =	simm.s32 $0x0;
	s7 =	sshll.u32 s0, $0xA;
	s8 =	sshll.u32 s6, $0x9  }
.Ltmp0:
0x9: {  	[smem:$0x7FF] =	sst s3;
	s6 =	ssub.s32 $0x2, s6;
	(pc) =	sbr.rel .LBB2_1-.Ltmp0, $4  }
0xa: {  	v0 =	vlaneseq.u32;
	s7 =	sor.u32 s8, s7;
	_ =	strace $0x80000047;
	s31 =	sshrl.u32 s6, $0x1  }
0xb: {  	v0 =	vmul.u32 $0x80, v0;
	s8 =	simm.s32 $0x400;
	s9 =	sshrl.u32 s7, $0x3;
	s7 =	sshll.u32 s7, $0x4  }
0xc: {  	s6 =	ssub.s32 s6, s31;
	s4 =	sadd.s32 s4, s9;
	s5 =	sadd.s32 s5, s7  }
0xd: {  	v1 =	vor.u32 $0x800, v0;
	v2 =	vor.u32 $0x1000, v0;
	v3 =	vor.u32 $0x1800, v0;
	s6 =	smax.u32 s6, $0x1;
	s7 =	simm.s32 $0x2;
	s9 =	simm.s32 $0x7A1400  }
.LBB2_4:
0xe: {  	s19 =	sadd.s32 $0x1, s19  }
0xf: {  	p0 =	sne.s32 s19, s6  }
.Ltmp1:
0x10: {  	_ = 	snop;
	(pc) =	sbr.rel @!p0 .LBB2_5-.Ltmp1, $4  }
0x11: {  	[hbm4b:s5+s3] =	stream.linear.scatter [tilespmem:s18], [sflag:$0x2], $0x10000, $0x38;
	[tilespmem:$0x1E280] =	vst v63  }
0x12: {  	_ =	swait.ge [sflag:s7], $0x10000  }
0x13: {  	[sflag:s7] =	ssyncset.done $0x0  }
0x14: {  	[sflag:s7] =	ssyncadd.s32 $0xFFFF0000  }
.LBB2_1:
0x15: {  	[tilespmem:s3], [sflag:$0x2] =	stream.linear.gather [hbm4b:s4+s3], $0x200, $0x38;
	[tilespmem:$0x1E280] =	vst v63  }
0x16: {  	_ =	swait.ge [sflag:s7], $0x200  }
0x17: {  	[sflag:s7] =	ssyncset.done $0x0  }
0x18: {  	[sflag:s7] =	ssyncadd.s32 $0xFFFFFE00  }
0x19: {  	v4 =	vld [tilespmem:$0x0];
	_ =	sdelay $0x4  }
0x1a: {  	(v2sf) =	vpush v4, $0x0;
	_ =	sdelay $0x1  }
0x1b: {  	(v2sf) =	vpush v4, $0x1;
	_ =	sdelay $0x3  }
0x1c: {  	(v2sf) =	vpush v4, $0x2  }
0x1d: {  	(v2sf) =	vpush v4, $0x3;
	_ =	sdelay $0x1  }
0x1e: {  	(v2sf) =	vpush v4, $0x4;
	_ =	sdelay $0x5  }
0x1f: {  	s20 =	spop (v2sf);
	(v2sf) =	vpush v4, $0x5;
	_ =	sdelay $0x1  }
0x20: {  	s21 =	spop (v2sf);
	(v2sf) =	vpush v4, $0x6  }
0x21: {  	s20 =	sand.u32 $0xFFFFF80, s20  }
0x22: {  	s0 =	simm.s32 $0x280;
	s20 =	sadd.s32 s1, s20  }
0x23: {  	[tilespmem:s0], [sflag:$0x1] =	stream.strided.gather [hbm4b:s20+s8], $0x2000, s9, s8, $0x38;
	[tilespmem:$0x1E280] =	vst v63  }
0x24: {  	s22 =	simm.s32 $0x2280;
	s20 =	sand.u32 $0xFFFFF80, s21;
	s21 =	spop (v2sf)  }
0x25: {  	s20 =	sadd.s32 s1, s20;
	s23 =	sand.u32 $0xFFFFF80, s21;
	s24 =	spop (v2sf)  }
0x26: {  	[tilespmem:s22], [sflag:$0x1] =	stream.strided.gather [hbm4b:s20+s8], $0x2000, s9, s8, $0x38;
	[tilespmem:$0x1E280] =	vst v63  }
0x27: {  	s20 =	sadd.s32 s1, s23;
	s25 =	sand.u32 $0xFFFFF80, s24;
	s26 =	spop (v2sf)  }
0x28: {  	[tilespmem:s12], [sflag:$0x1] =	stream.strided.gather [hbm4b:s20+s8], $0x2000, s9, s8, $0x38;
	[tilespmem:$0x1E280] =	vst v63  }
0x29: {  	s28 =	sand.u32 $0xFFFFF80, s26;
	s20 =	sadd.s32 s1, s25  }
0x2a: {  	[tilespmem:s13], [sflag:$0x1] =	stream.strided.gather [hbm4b:s20+s8], $0x2000, s9, s8, $0x38;
	[tilespmem:$0x1E280] =	vst v63  }
0x2b: {  	s20 =	sadd.s32 s1, s28  }
0x2c: {  	[tilespmem:s14], [sflag:$0x1] =	stream.strided.gather [hbm4b:s20+s8], $0x2000, s9, s8, $0x38;
	[tilespmem:$0x1E280] =	vst v63  }
0x2d: {  	s29 =	spop (v2sf)  }
0x2e: {  	s30 =	sand.u32 $0xFFFFF80, s29  }
0x2f: {  	s31 =	spop (v2sf);
	s20 =	sadd.s32 s1, s30  }
0x30: {  	[tilespmem:s15], [sflag:$0x1] =	stream.strided.gather [hbm4b:s20+s8], $0x2000, s9, s8, $0x38;
	[tilespmem:$0x1E280] =	vst v63  }
0x31: {  	s20 =	sand.u32 $0xFFFFF80, s31  }
0x32: {  	s20 =	sadd.s32 s1, s20  }
0x33: {  	[tilespmem:s16], [sflag:$0x1] =	stream.strided.gather [hbm4b:s20+s8], $0x2000, s9, s8, $0x38;
	[tilespmem:$0x1E280] =	vst v63  }
0x34: {  	s21 =	simm.s32 $0xE680;
	s22 =	simm.s32 $0x0;
	s20 =	simm.s32 $0x10  }
.LBB2_2:
0x35: {  	v5 =	vld [tilespmem:s20+$0xFFFFFFF0];
	_ =	sdelay $0x3  }
0x36: {  	v4 =	vld [tilespmem:s20+$0x0];
	_ =	swait.ge [sflag:s17], $0x2000  }
0x37: {  	(v2sf) =	vpush v5, $0x0;
	_ =	sdelay $0x6  }
0x38: {  	s23 =	sand.u32 $0xFFFF, s22  }
0x39: {  	s23 =	smul.u32 $0x2493, s23;
	_ =	sdelay $0x1  }
0x3a: {  	s23 =	sshrl.u32 s23, $0x10  }
0x3b: {  	s24 =	ssub.s32 s22, s23  }
0x3c: {  	s24 =	sand.u32 $0xFFFE, s24  }
0x3d: {  	s24 =	sshrl.u32 s24, $0x1  }
0x3e: {  	s23 =	sadd.s32 s23, s24  }
0x3f: {  	s23 =	sshrl.u32 s23, $0x2;
	s28 =	spop (v2sf)  }
0x40: {  	s23 =	smul.u32 $0x7, s23;
	s24 =	sand.u32 $0x7F, s28  }
0x41: {  	v6 =	vor.u32 s24, v0  }
0x42: {  	s23 =	ssub.s32 s22, s23  }
0x43: {  	s23 =	sand.u32 $0xFFFF, s23  }
0x44: {  	[sflag:s17] =	ssyncset.done $0x0;
	s23 =	sshll.u32 s23, $0xD  }
0x45: {  	[sflag:s17] =	ssyncadd.s32 $0xFFFFE000;
	s23 =	sor.u32 $0x280, s23  }
0x46: {  	v6 =	vld.idx.msk [tilespmem:v6+s23+$0x0], $0xffff  }
0x47: {  	v7 =	vor.u32 s24, v1;
	_ =	sdelay $0x3  }
0x48: {  	[tilespmem:s21+$0xFFFFFC00] =	vst v6  }
0x49: {  	(v2sf) =	vpush v5, $0x7;
	v6 =	vld.idx.msk [tilespmem:v7+s23+$0x0], $0xffff  }
0x4a: {  	v7 =	vor.u32 s24, v2;
	_ =	sdelay $0x3  }
0x4b: {  	[tilespmem:s21+$0xFFFFFC10] =	vst v6  }
0x4c: {  	v6 =	vld.idx.msk [tilespmem:v7+s23+$0x0], $0xffff  }
0x4d: {  	v7 =	vor.u32 s24, v3;
	_ =	sdelay $0x3  }
0x4e: {  	[tilespmem:s21+$0xFFFFFC20] =	vst v6  }
0x4f: {  	v6 =	vld.idx.msk [tilespmem:v7+s23+$0x0], $0xffff;
	_ =	sdelay $0x2  }
0x50: {  	s24 =	spop (v2sf)  }
0x51: {  	s25 =	sand.u32 $0xFFFFF80, s24  }
0x52: {  	s25 =	sadd.s32 s1, s25;
	[tilespmem:s21+$0xFFFFFC30] =	vst v6  }
0x53: {  	[tilespmem:s23], [sflag:$0x1] =	stream.strided.gather [hbm4b:s25+s8], $0x2000, s9, s8, $0x38;
	[tilespmem:$0x1E280] =	vst v63  }
0x54: {  	_ =	swait.ge [sflag:s17], $0x2000  }
0x55: {  	(v2sf) =	vpush v5, $0x1;
	_ =	sdelay $0x5  }
0x56: {  	s23 =	smul.u32 $0x2493, s22;
	_ =	sdelay $0x1  }
0x57: {  	s29 =	sadd.s32 $0x2493, s23  }
0x58: {  	s26 =	sadd.s32 $0x1, s22;
	s25 =	sshrl.u32 s29, $0x10  }
0x59: {  	s28 =	ssub.s32 s26, s25  }
0x5a: {  	s28 =	sand.u32 $0xFFFE, s28  }
0x5b: {  	s28 =	sshrl.u32 s28, $0x1  }
0x5c: {  	s25 =	sadd.s32 s25, s28  }
0x5d: {  	s25 =	sand.u32 $0xFFFC, s25  }
0x5e: {  	s25 =	sshrl.u32 s25, $0x2;
	s30 =	spop (v2sf)  }
0x5f: {  	s25 =	smul.u32 $0x7, s25;
	s28 =	sand.u32 $0x7F, s30  }
0x60: {  	v6 =	vor.u32 s28, v0  }
0x61: {  	s25 =	ssub.s32 s26, s25  }
0x62: {  	s25 =	sand.u32 $0xFFFF, s25  }
0x63: {  	[sflag:s17] =	ssyncset.done $0x0;
	s25 =	sshll.u32 s25, $0xD  }
0x64: {  	[sflag:s17] =	ssyncadd.s32 $0xFFFFE000;
	s31 =	sor.u32 $0x280, s25  }
0x65: {  	v6 =	vld.idx.msk [tilespmem:v6+s31+$0x0], $0xffff  }
0x66: {  	v7 =	vor.u32 s28, v1;
	_ =	sdelay $0x3  }
0x67: {  	[tilespmem:s21+$0xFFFFFC80] =	vst v6  }
0x68: {  	(v2sf) =	vpush v5, $0x8;
	v6 =	vld.idx.msk [tilespmem:v7+s31+$0x0], $0xffff  }
0x69: {  	v7 =	vor.u32 s28, v2;
	_ =	sdelay $0x3  }
0x6a: {  	[tilespmem:s21+$0xFFFFFC90] =	vst v6  }
0x6b: {  	v6 =	vld.idx.msk [tilespmem:v7+s31+$0x0], $0xffff  }
0x6c: {  	v7 =	vor.u32 s28, v3;
	_ =	sdelay $0x3  }
0x6d: {  	[tilespmem:s21+$0xFFFFFCA0] =	vst v6  }
0x6e: {  	v6 =	vld.idx.msk [tilespmem:v7+s31+$0x0], $0xffff;
	_ =	sdelay $0x2  }
0x6f: {  	s25 =	spop (v2sf)  }
0x70: {  	s0 =	sand.u32 $0xFFFFF80, s25  }
0x71: {  	s28 =	sadd.s32 s1, s0;
	[tilespmem:s21+$0xFFFFFCB0] =	vst v6  }
0x72: {  	[tilespmem:s31], [sflag:$0x1] =	stream.strided.gather [hbm4b:s28+s8], $0x2000, s9, s8, $0x38;
	[tilespmem:$0x1E280] =	vst v63  }
0x73: {  	_ =	swait.ge [sflag:s17], $0x2000  }
0x74: {  	(v2sf) =	vpush v5, $0x2;
	_ =	sdelay $0x7  }
0x75: {  	s2 =	sadd.s32 $0x4926, s23  }
0x76: {  	s10 =	sadd.s32 $0x2, s22;
	s26 =	sshrl.u32 s2, $0x10  }
0x77: {  	s29 =	ssub.s32 s10, s26  }
0x78: {  	s29 =	sand.u32 $0xFFFE, s29  }
0x79: {  	s29 =	sshrl.u32 s29, $0x1  }
0x7a: {  	s26 =	sadd.s32 s26, s29  }
0x7b: {  	s26 =	sand.u32 $0xFFFC, s26  }
0x7c: {  	s26 =	sshrl.u32 s26, $0x2;
	s11 =	spop (v2sf)  }
0x7d: {  	s26 =	smul.u32 $0x7, s26;
	s29 =	sand.u32 $0x7F, s11  }
0x7e: {  	v6 =	vor.u32 s29, v0  }
0x7f: {  	s26 =	ssub.s32 s10, s26  }
0x80: {  	s26 =	sand.u32 $0xFFFF, s26  }
0x81: {  	s26 =	sshll.u32 s26, $0xD;
	[sflag:s17] =	ssyncset.done $0x0  }
0x82: {  	s26 =	sor.u32 $0x280, s26;
	[sflag:s17] =	ssyncadd.s32 $0xFFFFE000  }
0x83: {  	v6 =	vld.idx.msk [tilespmem:v6+s26+$0x0], $0xffff  }
0x84: {  	v7 =	vor.u32 s29, v1;
	_ =	sdelay $0x3  }
0x85: {  	[tilespmem:s21+$0xFFFFFD00] =	vst v6  }
0x86: {  	(v2sf) =	vpush v5, $0x9;
	v6 =	vld.idx.msk [tilespmem:v7+s26+$0x0], $0xffff  }
0x87: {  	v7 =	vor.u32 s29, v2;
	_ =	sdelay $0x3  }
0x88: {  	[tilespmem:s21+$0xFFFFFD10] =	vst v6  }
0x89: {  	v6 =	vld.idx.msk [tilespmem:v7+s26+$0x0], $0xffff  }
0x8a: {  	v7 =	vor.u32 s29, v3;
	_ =	sdelay $0x3  }
0x8b: {  	[tilespmem:s21+$0xFFFFFD20] =	vst v6  }
0x8c: {  	v6 =	vld.idx.msk [tilespmem:v7+s26+$0x0], $0xffff;
	_ =	sdelay $0x2  }
0x8d: {  	s28 =	spop (v2sf)  }
0x8e: {  	s30 =	sand.u32 $0xFFFFF80, s28  }
0x8f: {  	s29 =	sadd.s32 s1, s30;
	[tilespmem:s21+$0xFFFFFD30] =	vst v6  }
0x90: {  	[tilespmem:s26], [sflag:$0x1] =	stream.strided.gather [hbm4b:s29+s8], $0x2000, s9, s8, $0x38;
	[tilespmem:$0x1E280] =	vst v63  }
0x91: {  	_ =	swait.ge [sflag:s17], $0x2000  }
0x92: {  	(v2sf) =	vpush v5, $0x3;
	_ =	sdelay $0x7  }
0x93: {  	s31 =	sadd.s32 $0x6DB9, s23  }
0x94: {  	s0 =	sadd.s32 $0x3, s22;
	s26 =	sshrl.u32 s31, $0x10  }
0x95: {  	s30 =	ssub.s32 s0, s26  }
0x96: {  	s30 =	sand.u32 $0xFFFE, s30  }
0x97: {  	s30 =	sshrl.u32 s30, $0x1  }
0x98: {  	s26 =	sadd.s32 s26, s30  }
0x99: {  	s26 =	sand.u32 $0xFFFC, s26  }
0x9a: {  	s26 =	sshrl.u32 s26, $0x2;
	s2 =	spop (v2sf)  }
0x9b: {  	s26 =	smul.u32 $0x7, s26;
	s30 =	sand.u32 $0x7F, s2  }
0x9c: {  	v6 =	vor.u32 s30, v0  }
0x9d: {  	s26 =	ssub.s32 s0, s26  }
0x9e: {  	s26 =	sand.u32 $0xFFFF, s26  }
0x9f: {  	[sflag:s17] =	ssyncset.done $0x0;
	s26 =	sshll.u32 s26, $0xD  }
0xa0: {  	[sflag:s17] =	ssyncadd.s32 $0xFFFFE000;
	s10 =	sor.u32 $0x280, s26  }
0xa1: {  	v6 =	vld.idx.msk [tilespmem:v6+s10+$0x0], $0xffff  }
0xa2: {  	v7 =	vor.u32 s30, v1;
	_ =	sdelay $0x3  }
0xa3: {  	[tilespmem:s21+$0xFFFFFD80] =	vst v6  }
0xa4: {  	(v2sf) =	vpush v5, $0xA;
	v6 =	vld.idx.msk [tilespmem:v7+s10+$0x0], $0xffff  }
0xa5: {  	v7 =	vor.u32 s30, v2;
	_ =	sdelay $0x3  }
0xa6: {  	[tilespmem:s21+$0xFFFFFD90] =	vst v6  }
0xa7: {  	v6 =	vld.idx.msk [tilespmem:v7+s10+$0x0], $0xffff  }
0xa8: {  	v7 =	vor.u32 s30, v3;
	_ =	sdelay $0x3  }
0xa9: {  	[tilespmem:s21+$0xFFFFFDA0] =	vst v6  }
0xaa: {  	v6 =	vld.idx.msk [tilespmem:v7+s10+$0x0], $0xffff;
	_ =	sdelay $0x2  }
0xab: {  	s26 =	spop (v2sf)  }
0xac: {  	s11 =	sand.u32 $0xFFFFF80, s26  }
0xad: {  	s30 =	sadd.s32 s1, s11;
	[tilespmem:s21+$0xFFFFFDB0] =	vst v6  }
0xae: {  	[tilespmem:s10], [sflag:$0x1] =	stream.strided.gather [hbm4b:s30+s8], $0x2000, s9, s8, $0x38;
	[tilespmem:$0x1E280] =	vst v63  }
0xaf: {  	_ =	swait.ge [sflag:s17], $0x2000  }
0xb0: {  	(v2sf) =	vpush v5, $0x4;
	_ =	sdelay $0x7  }
0xb1: {  	s31 =	sadd.s32 $0x924C, s23  }
0xb2: {  	s29 =	sshrl.u32 s31, $0x10;
	s0 =	sadd.s32 $0x4, s22  }
0xb3: {  	s31 =	ssub.s32 s0, s29  }
0xb4: {  	s31 =	sand.u32 $0xFFFE, s31  }
0xb5: {  	s31 =	sshrl.u32 s31, $0x1  }
0xb6: {  	s29 =	sadd.s32 s29, s31  }
0xb7: {  	s29 =	sand.u32 $0xFFFC, s29  }
0xb8: {  	s29 =	sshrl.u32 s29, $0x2;
	s2 =	spop (v2sf)  }
0xb9: {  	s29 =	smul.u32 $0x7, s29;
	s31 =	sand.u32 $0x7F, s2  }
0xba: {  	v6 =	vor.u32 s31, v0  }
0xbb: {  	s29 =	ssub.s32 s0, s29  }
0xbc: {  	s29 =	sand.u32 $0xFFFF, s29  }
0xbd: {  	s29 =	sshll.u32 s29, $0xD;
	[sflag:s17] =	ssyncset.done $0x0  }
0xbe: {  	s10 =	sor.u32 $0x280, s29;
	[sflag:s17] =	ssyncadd.s32 $0xFFFFE000  }
0xbf: {  	v6 =	vld.idx.msk [tilespmem:v6+s10+$0x0], $0xffff  }
0xc0: {  	v7 =	vor.u32 s31, v1;
	_ =	sdelay $0x3  }
0xc1: {  	[tilespmem:s21+$0xFFFFFE00] =	vst v6  }
0xc2: {  	(v2sf) =	vpush v5, $0xB;
	v6 =	vld.idx.msk [tilespmem:v7+s10+$0x0], $0xffff  }
0xc3: {  	v7 =	vor.u32 s31, v2;
	_ =	sdelay $0x3  }
0xc4: {  	[tilespmem:s21+$0xFFFFFE10] =	vst v6  }
0xc5: {  	v6 =	vld.idx.msk [tilespmem:v7+s10+$0x0], $0xffff  }
0xc6: {  	v7 =	vor.u32 s31, v3;
	_ =	sdelay $0x3  }
0xc7: {  	[tilespmem:s21+$0xFFFFFE20] =	vst v6  }
0xc8: {  	v6 =	vld.idx.msk [tilespmem:v7+s10+$0x0], $0xffff;
	_ =	sdelay $0x2  }
0xc9: {  	s29 =	spop (v2sf)  }
0xca: {  	s11 =	sand.u32 $0xFFFFF80, s29  }
0xcb: {  	s31 =	sadd.s32 s1, s11;
	[tilespmem:s21+$0xFFFFFE30] =	vst v6  }
0xcc: {  	[tilespmem:s10], [sflag:$0x1] =	stream.strided.gather [hbm4b:s31+s8], $0x2000, s9, s8, $0x38;
	[tilespmem:$0x1E280] =	vst v63  }
0xcd: {  	_ =	swait.ge [sflag:s17], $0x2000  }
0xce: {  	(v2sf) =	vpush v5, $0x5;
	_ =	sdelay $0x7  }
0xcf: {  	s0 =	sadd.s32 $0xB6DF, s23  }
0xd0: {  	s30 =	sshrl.u32 s0, $0x10;
	s2 =	sadd.s32 $0x5, s22  }
0xd1: {  	s0 =	ssub.s32 s2, s30  }
0xd2: {  	s0 =	sand.u32 $0xFFFE, s0  }
0xd3: {  	s0 =	sshrl.u32 s0, $0x1  }
0xd4: {  	s0 =	sadd.s32 s30, s0  }
0xd5: {  	s0 =	sand.u32 $0xFFFC, s0  }
0xd6: {  	s0 =	sshrl.u32 s0, $0x2;
	s10 =	spop (v2sf)  }
0xd7: {  	s0 =	smul.u32 $0x7, s0;
	s30 =	sand.u32 $0x7F, s10  }
0xd8: {  	v6 =	vor.u32 s30, v0  }
0xd9: {  	s0 =	ssub.s32 s2, s0  }
0xda: {  	s0 =	sand.u32 $0xFFFF, s0  }
0xdb: {  	s0 =	sshll.u32 s0, $0xD;
	[sflag:s17] =	ssyncset.done $0x0  }
0xdc: {  	s0 =	sor.u32 $0x280, s0;
	[sflag:s17] =	ssyncadd.s32 $0xFFFFE000  }
0xdd: {  	v6 =	vld.idx.msk [tilespmem:v6+s0+$0x0], $0xffff  }
0xde: {  	v7 =	vor.u32 s30, v1;
	_ =	sdelay $0x3  }
0xdf: {  	[tilespmem:s21+$0xFFFFFE80] =	vst v6  }
0xe0: {  	(v2sf) =	vpush v5, $0xC;
	v6 =	vld.idx.msk [tilespmem:v7+s0+$0x0], $0xffff  }
0xe1: {  	v7 =	vor.u32 s30, v2;
	_ =	sdelay $0x3  }
0xe2: {  	[tilespmem:s21+$0xFFFFFE90] =	vst v6  }
0xe3: {  	v6 =	vld.idx.msk [tilespmem:v7+s0+$0x0], $0xffff  }
0xe4: {  	v7 =	vor.u32 s30, v3;
	_ =	sdelay $0x3  }
0xe5: {  	[tilespmem:s21+$0xFFFFFEA0] =	vst v6  }
0xe6: {  	v6 =	vld.idx.msk [tilespmem:v7+s0+$0x0], $0xffff;
	_ =	sdelay $0x2  }
0xe7: {  	s30 =	spop (v2sf)  }
0xe8: {  	s11 =	sand.u32 $0xFFFFF80, s30  }
0xe9: {  	s31 =	sadd.s32 s1, s11;
	[tilespmem:s21+$0xFFFFFEB0] =	vst v6  }
0xea: {  	[tilespmem:s0], [sflag:$0x1] =	stream.strided.gather [hbm4b:s31+s8], $0x2000, s9, s8, $0x38;
	[tilespmem:$0x1E280] =	vst v63  }
0xeb: {  	_ =	swait.ge [sflag:s17], $0x2000  }
0xec: {  	(v2sf) =	vpush v5, $0x6;
	_ =	sdelay $0x7  }
0xed: {  	s2 =	sadd.s32 $0xDB72, s23  }
0xee: {  	s10 =	sadd.s32 $0x6, s22;
	s0 =	sshrl.u32 s2, $0x10  }
0xef: {  	s2 =	ssub.s32 s10, s0  }
0xf0: {  	s2 =	sand.u32 $0xFFFE, s2  }
0xf1: {  	s2 =	sshrl.u32 s2, $0x1  }
0xf2: {  	s0 =	sadd.s32 s0, s2  }
0xf3: {  	s0 =	sand.u32 $0xFFFC, s0  }
0xf4: {  	s0 =	sshrl.u32 s0, $0x2;
	s11 =	spop (v2sf)  }
0xf5: {  	s0 =	smul.u32 $0x7, s0;
	s2 =	sand.u32 $0x7F, s11  }
0xf6: {  	v6 =	vor.u32 s2, v0  }
0xf7: {  	s0 =	ssub.s32 s10, s0  }
0xf8: {  	s0 =	sand.u32 $0xFFFF, s0  }
0xf9: {  	[sflag:s17] =	ssyncset.done $0x0;
	s0 =	sshll.u32 s0, $0xD  }
0xfa: {  	[sflag:s17] =	ssyncadd.s32 $0xFFFFE000;
	s0 =	sor.u32 $0x280, s0  }
0xfb: {  	v6 =	vld.idx.msk [tilespmem:v6+s0+$0x0], $0xffff  }
0xfc: {  	v7 =	vor.u32 s2, v1;
	_ =	sdelay $0x3  }
0xfd: {  	[tilespmem:s21+$0xFFFFFF00] =	vst v6  }
0xfe: {  	(v2sf) =	vpush v5, $0xD;
	v6 =	vld.idx.msk [tilespmem:v7+s0+$0x0], $0xffff  }
0xff: {  	v7 =	vor.u32 s2, v2;
	_ =	sdelay $0x3  }
0x100: {  	[tilespmem:s21+$0xFFFFFF10] =	vst v6  }
0x101: {  	v6 =	vld.idx.msk [tilespmem:v7+s0+$0x0], $0xffff  }
0x102: {  	s31 =	sadd.s32 $0x10005, s23;
	v7 =	vor.u32 s2, v3  }
0x103: {  	s10 =	sadd.s32 $0x7, s22;
	s2 =	sshrl.u32 s31, $0x10  }
0x104: {  	s11 =	ssub.s32 s10, s2  }
0x105: {  	s31 =	sand.u32 $0xFFFE, s11  }
0x106: {  	s31 =	sshrl.u32 s31, $0x1;
	[tilespmem:s21+$0xFFFFFF20] =	vst v6  }
0x107: {  	s2 =	sadd.s32 s2, s31;
	v6 =	vld.idx.msk [tilespmem:v7+s0+$0x0], $0xffff  }
0x108: {  	s2 =	sand.u32 $0xFFFC, s2  }
0x109: {  	s2 =	sshrl.u32 s2, $0x2  }
0x10a: {  	s31 =	spop (v2sf);
	s2 =	smul.u32 $0x7, s2  }
0x10b: {  	s24 =	sand.u32 $0x7F, s24;
	s11 =	sand.u32 $0xFFFFF80, s31  }
0x10c: {  	s11 =	sadd.s32 s1, s11;
	s10 =	ssub.s32 s10, s2;
	[tilespmem:s21+$0xFFFFFF30] =	vst v6;
	v6 =	vor.u32 s24, v0  }
0x10d: {  	[tilespmem:s0], [sflag:$0x1] =	stream.strided.gather [hbm4b:s11+s8], $0x2000, s9, s8, $0x38;
	[tilespmem:$0x1E280] =	vst v63  }
0x10e: {  	s0 =	sand.u32 $0xFFFF, s10;
	_ =	swait.ge [sflag:s17], $0x2000  }
0x10f: {  	s0 =	sshll.u32 s0, $0xD;
	[sflag:s17] =	ssyncset.done $0x0  }
0x110: {  	s0 =	sor.u32 $0x280, s0;
	[sflag:s17] =	ssyncadd.s32 $0xFFFFE000  }
0x111: {  	v6 =	vld.idx.msk [tilespmem:v6+s0+$0x0], $0xffff  }
0x112: {  	v7 =	vor.u32 s24, v1;
	_ =	sdelay $0x3  }
0x113: {  	[tilespmem:s21+$0xFFFFFF80] =	vst v6  }
0x114: {  	(v2sf) =	vpush v5, $0xE;
	v6 =	vld.idx.msk [tilespmem:v7+s0+$0x0], $0xffff  }
0x115: {  	v7 =	vor.u32 s24, v2;
	_ =	sdelay $0x3  }
0x116: {  	[tilespmem:s21+$0xFFFFFF90] =	vst v6  }
0x117: {  	v6 =	vld.idx.msk [tilespmem:v7+s0+$0x0], $0xffff  }
0x118: {  	s11 =	sadd.s32 $0x12498, s23;
	v7 =	vor.u32 s24, v3  }
0x119: {  	s10 =	sadd.s32 $0x8, s22;
	s2 =	sshrl.u32 s11, $0x10  }
0x11a: {  	s24 =	ssub.s32 s10, s2  }
0x11b: {  	s11 =	sand.u32 $0xFFFE, s24  }
0x11c: {  	s11 =	sshrl.u32 s11, $0x1;
	[tilespmem:s21+$0xFFFFFFA0] =	vst v6  }
0x11d: {  	s2 =	sadd.s32 s2, s11;
	v6 =	vld.idx.msk [tilespmem:v7+s0+$0x0], $0xffff  }
0x11e: {  	s2 =	sand.u32 $0xFFFC, s2  }
0x11f: {  	s2 =	sshrl.u32 s2, $0x2  }
0x120: {  	s24 =	spop (v2sf);
	s2 =	smul.u32 $0x7, s2  }
0x121: {  	s25 =	sand.u32 $0x7F, s25;
	s11 =	sand.u32 $0xFFFFF80, s24  }
0x122: {  	s11 =	sadd.s32 s1, s11;
	s10 =	ssub.s32 s10, s2;
	[tilespmem:s21+$0xFFFFFFB0] =	vst v6;
	v6 =	vor.u32 s25, v0  }
0x123: {  	[tilespmem:s0], [sflag:$0x1] =	stream.strided.gather [hbm4b:s11+s8], $0x2000, s9, s8, $0x38;
	[tilespmem:$0x1E280] =	vst v63  }
0x124: {  	s0 =	sand.u32 $0xFFFF, s10;
	_ =	swait.ge [sflag:s17], $0x2000  }
0x125: {  	s0 =	sshll.u32 s0, $0xD;
	[sflag:s17] =	ssyncset.done $0x0  }
0x126: {  	s0 =	sor.u32 $0x280, s0;
	[sflag:s17] =	ssyncadd.s32 $0xFFFFE000  }
0x127: {  	v6 =	vld.idx.msk [tilespmem:v6+s0+$0x0], $0xffff  }
0x128: {  	v7 =	vor.u32 s25, v1;
	_ =	sdelay $0x3  }
0x129: {  	[tilespmem:s21+$0x0] =	vst v6  }
0x12a: {  	(v2sf) =	vpush v5, $0xF;
	v6 =	vld.idx.msk [tilespmem:v7+s0+$0x0], $0xffff  }
0x12b: {  	v5 =	vor.u32 s25, v2;
	_ =	sdelay $0x3  }
0x12c: {  	[tilespmem:s21+$0x10] =	vst v6  }
0x12d: {  	v5 =	vld.idx.msk [tilespmem:v5+s0+$0x0], $0xffff  }
0x12e: {  	v6 =	vor.u32 s25, v3;
	_ =	sdelay $0x1  }
0x12f: {  	s11 =	sadd.s32 $0x1492B, s23  }
0x130: {  	s10 =	sadd.s32 $0x9, s22;
	s2 =	sshrl.u32 s11, $0x10  }
0x131: {  	s23 =	ssub.s32 s10, s2;
	[tilespmem:s21+$0x20] =	vst v5  }
0x132: {  	s11 =	sand.u32 $0xFFFE, s23;
	v5 =	vld.idx.msk [tilespmem:v6+s0+$0x0], $0xffff  }
0x133: {  	s11 =	sshrl.u32 s11, $0x1  }
0x134: {  	s2 =	sadd.s32 s2, s11  }
0x135: {  	s2 =	sand.u32 $0xFFFC, s2;
	s23 =	spop (v2sf)  }
0x136: {  	s2 =	sshrl.u32 s2, $0x2;
	s25 =	sand.u32 $0xFFFFF80, s23  }
0x137: {  	s28 =	sand.u32 $0x7F, s28;
	s2 =	smul.u32 $0x7, s2;
	s11 =	sadd.s32 s1, s25;
	[tilespmem:s21+$0x30] =	vst v5  }
0x138: {  	v5 =	vor.u32 s28, v0;
	[tilespmem:s0], [sflag:$0x1] =	stream.strided.gather [hbm4b:s11+s8], $0x2000, s9, s8, $0x38;
	[tilespmem:$0x1E280] =	vst v63  }
0x139: {  	s11 =	ssub.s32 s10, s2  }
0x13a: {  	s0 =	sand.u32 $0xFFFF, s11;
	_ =	swait.ge [sflag:s17], $0x2000  }
0x13b: {  	s0 =	sshll.u32 s0, $0xD;
	[sflag:s17] =	ssyncset.done $0x0  }
0x13c: {  	s0 =	sor.u32 $0x280, s0;
	[sflag:s17] =	ssyncadd.s32 $0xFFFFE000  }
0x13d: {  	v5 =	vld.idx.msk [tilespmem:v5+s0+$0x0], $0xffff  }
0x13e: {  	v6 =	vor.u32 s28, v1;
	_ =	sdelay $0x3  }
0x13f: {  	p0 =	seq.s32 s22, $0x1F0;
	[tilespmem:s21+$0x80] =	vst v5  }
0x140: {  	(v2sf) =	vpush @!p0 v4, $0x0;
	v5 =	vld.idx.msk [tilespmem:v6+s0+$0x0], $0xffff  }
0x141: {  	v6 =	vor.u32 s28, v2;
	_ =	sdelay $0x3  }
0x142: {  	s2 =	sadd.s32 $0xA, s22;
	[tilespmem:s21+$0x90] =	vst v5  }
0x143: {  	s25 =	smul.u32 $0x2493, s2;
	v5 =	vld.idx.msk [tilespmem:v6+s0+$0x0], $0xffff  }
0x144: {  	v6 =	vor.u32 s28, v3  }
0x145: {  	s10 =	sshrl.u32 s25, $0x10  }
0x146: {  	s28 =	ssub.s32 s2, s10  }
0x147: {  	s11 =	sand.u32 $0xFFFE, s28  }
0x148: {  	s11 =	sshrl.u32 s11, $0x1;
	[tilespmem:s21+$0xA0] =	vst v5  }
0x149: {  	s10 =	sadd.s32 s10, s11;
	v5 =	vld.idx.msk [tilespmem:v6+s0+$0x0], $0xffff  }
0x14a: {  	s10 =	sand.u32 $0xFFFC, s10  }
0x14b: {  	s10 =	sshrl.u32 s10, $0x2  }
0x14c: {  	s26 =	sand.u32 $0x7F, s26;
	s25 =	spop @!p0 (v2sf);
	s10 =	smul.u32 $0x7, s10  }
0x14d: {  	s28 =	simm.s32 @!p0 $0x7A1400;
	s11 =	sand.u32 @!p0 $0xFFFFF80, s25  }
0x14e: {  	s25 =	simm.s32 @!p0 $0x400;
	s11 =	sadd.s32 @!p0 s1, s11;
	s10 =	ssub.s32 s2, s10;
	[tilespmem:s21+$0xB0] =	vst v5;
	v5 =	vor.u32 s26, v0  }
0x14f: {  	[tilespmem:s0], [sflag:$0x1] =	stream.strided.gather @!p0 [hbm4b:s11+s25], $0x2000, s28, s25, $0x38;
	[tilespmem:$0x1E280] =	vst v63  }
0x150: {  	s0 =	sand.u32 $0xFFFF, s10;
	_ =	swait.ge [sflag:s17], $0x2000  }
0x151: {  	s0 =	sshll.u32 s0, $0xD;
	[sflag:s17] =	ssyncset.done $0x0  }
0x152: {  	s0 =	sor.u32 $0x280, s0;
	[sflag:s17] =	ssyncadd.s32 $0xFFFFE000  }
0x153: {  	v5 =	vld.idx.msk [tilespmem:v5+s0+$0x0], $0xffff  }
0x154: {  	v6 =	vor.u32 s26, v1;
	_ =	sdelay $0x3  }
0x155: {  	[tilespmem:s21+$0x100] =	vst v5  }
0x156: {  	(v2sf) =	vpush @!p0 v4, $0x1;
	v5 =	vld.idx.msk [tilespmem:v6+s0+$0x0], $0xffff  }
0x157: {  	v6 =	vor.u32 s26, v2;
	_ =	sdelay $0x3  }
0x158: {  	[tilespmem:s21+$0x110] =	vst v5  }
0x159: {  	v5 =	vld.idx.msk [tilespmem:v6+s0+$0x0], $0xffff  }
0x15a: {  	s2 =	sadd.s32 $0xB, s22;
	v6 =	vor.u32 s26, v3  }
0x15b: {  	s11 =	smul.u32 $0x2493, s2;
	_ =	sdelay $0x1  }
0x15c: {  	s10 =	sshrl.u32 s11, $0x10  }
0x15d: {  	s26 =	ssub.s32 s2, s10;
	[tilespmem:s21+$0x120] =	vst v5  }
0x15e: {  	s11 =	sand.u32 $0xFFFE, s26;
	v5 =	vld.idx.msk [tilespmem:v6+s0+$0x0], $0xffff  }
0x15f: {  	s11 =	sshrl.u32 s11, $0x1  }
0x160: {  	s10 =	sadd.s32 s10, s11  }
0x161: {  	s11 =	spop @!p0 (v2sf);
	s10 =	sand.u32 $0xFFFC, s10  }
0x162: {  	s11 =	sand.u32 @!p0 $0xFFFFF80, s11;
	s10 =	sshrl.u32 s10, $0x2  }
0x163: {  	s26 =	sand.u32 $0x7F, s29;
	s11 =	sadd.s32 @!p0 s1, s11;
	s10 =	smul.u32 $0x7, s10;
	[tilespmem:s21+$0x130] =	vst v5  }
0x164: {  	v5 =	vor.u32 s26, v0;
	[tilespmem:s0], [sflag:$0x1] =	stream.strided.gather @!p0 [hbm4b:s11+s25], $0x2000, s28, s25, $0x38;
	[tilespmem:$0x1E280] =	vst v63  }
0x165: {  	s11 =	ssub.s32 s2, s10  }
0x166: {  	s0 =	sand.u32 $0xFFFF, s11;
	_ =	swait.ge [sflag:s17], $0x2000  }
0x167: {  	s0 =	sshll.u32 s0, $0xD;
	[sflag:s17] =	ssyncset.done $0x0  }
0x168: {  	s0 =	sor.u32 $0x280, s0;
	[sflag:s17] =	ssyncadd.s32 $0xFFFFE000  }
0x169: {  	v5 =	vld.idx.msk [tilespmem:v5+s0+$0x0], $0xffff  }
0x16a: {  	v6 =	vor.u32 s26, v1;
	_ =	sdelay $0x3  }
0x16b: {  	[tilespmem:s21+$0x180] =	vst v5  }
0x16c: {  	(v2sf) =	vpush @!p0 v4, $0x2;
	v5 =	vld.idx.msk [tilespmem:v6+s0+$0x0], $0xffff  }
0x16d: {  	v6 =	vor.u32 s26, v2;
	_ =	sdelay $0x3  }
0x16e: {  	s29 =	sadd.s32 $0xC, s22;
	[tilespmem:s21+$0x190] =	vst v5  }
0x16f: {  	s11 =	smul.u32 $0x2493, s29;
	v5 =	vld.idx.msk [tilespmem:v6+s0+$0x0], $0xffff  }
0x170: {  	v6 =	vor.u32 s26, v3  }
0x171: {  	s10 =	sshrl.u32 s11, $0x10  }
0x172: {  	s26 =	ssub.s32 s29, s10  }
0x173: {  	s11 =	sand.u32 $0xFFFE, s26  }
0x174: {  	s11 =	sshrl.u32 s11, $0x1;
	[tilespmem:s21+$0x1A0] =	vst v5  }
0x175: {  	s10 =	sadd.s32 s10, s11;
	v5 =	vld.idx.msk [tilespmem:v6+s0+$0x0], $0xffff  }
0x176: {  	s10 =	sand.u32 $0xFFFC, s10  }
0x177: {  	s10 =	sshrl.u32 s10, $0x2  }
0x178: {  	s11 =	spop @!p0 (v2sf);
	s10 =	smul.u32 $0x7, s10  }
0x179: {  	s26 =	sand.u32 $0x7F, s30;
	s11 =	sand.u32 @!p0 $0xFFFFF80, s11  }
0x17a: {  	s11 =	sadd.s32 @!p0 s1, s11;
	s29 =	ssub.s32 s29, s10;
	[tilespmem:s21+$0x1B0] =	vst v5;
	v5 =	vor.u32 s26, v0  }
0x17b: {  	[tilespmem:s0], [sflag:$0x1] =	stream.strided.gather @!p0 [hbm4b:s11+s25], $0x2000, s28, s25, $0x38;
	[tilespmem:$0x1E280] =	vst v63  }
0x17c: {  	s0 =	sand.u32 $0xFFFF, s29;
	_ =	swait.ge [sflag:s17], $0x2000  }
0x17d: {  	s0 =	sshll.u32 s0, $0xD;
	[sflag:s17] =	ssyncset.done $0x0  }
0x17e: {  	s0 =	sor.u32 $0x280, s0;
	[sflag:s17] =	ssyncadd.s32 $0xFFFFE000  }
0x17f: {  	v5 =	vld.idx.msk [tilespmem:v5+s0+$0x0], $0xffff  }
0x180: {  	v6 =	vor.u32 s26, v1;
	_ =	sdelay $0x3  }
0x181: {  	[tilespmem:s21+$0x200] =	vst v5  }
0x182: {  	(v2sf) =	vpush @!p0 v4, $0x3;
	v5 =	vld.idx.msk [tilespmem:v6+s0+$0x0], $0xffff  }
0x183: {  	v6 =	vor.u32 s26, v2;
	_ =	sdelay $0x3  }
0x184: {  	s30 =	sadd.s32 $0xD, s22;
	[tilespmem:s21+$0x210] =	vst v5  }
0x185: {  	s11 =	smul.u32 $0x2493, s30;
	v5 =	vld.idx.msk [tilespmem:v6+s0+$0x0], $0xffff  }
0x186: {  	v6 =	vor.u32 s26, v3  }
0x187: {  	s10 =	sshrl.u32 s11, $0x10  }
0x188: {  	s26 =	ssub.s32 s30, s10  }
0x189: {  	s11 =	sand.u32 $0xFFFE, s26  }
0x18a: {  	s11 =	sshrl.u32 s11, $0x1;
	[tilespmem:s21+$0x220] =	vst v5  }
0x18b: {  	s10 =	sadd.s32 s10, s11;
	v5 =	vld.idx.msk [tilespmem:v6+s0+$0x0], $0xffff  }
0x18c: {  	s10 =	sand.u32 $0xFFFC, s10  }
0x18d: {  	s10 =	sshrl.u32 s10, $0x2  }
0x18e: {  	s11 =	spop @!p0 (v2sf);
	s10 =	smul.u32 $0x7, s10  }
0x18f: {  	s29 =	sand.u32 $0x7F, s31;
	s11 =	sand.u32 @!p0 $0xFFFFF80, s11  }
0x190: {  	s11 =	sadd.s32 @!p0 s1, s11;
	s30 =	ssub.s32 s30, s10;
	[tilespmem:s21+$0x230] =	vst v5;
	v5 =	vor.u32 s29, v0  }
0x191: {  	[tilespmem:s0], [sflag:$0x1] =	stream.strided.gather @!p0 [hbm4b:s11+s25], $0x2000, s28, s25, $0x38;
	[tilespmem:$0x1E280] =	vst v63  }
0x192: {  	s0 =	sand.u32 $0xFFFF, s30;
	_ =	swait.ge [sflag:s17], $0x2000  }
0x193: {  	s0 =	sshll.u32 s0, $0xD;
	[sflag:s17] =	ssyncset.done $0x0  }
0x194: {  	s0 =	sor.u32 $0x280, s0;
	[sflag:s17] =	ssyncadd.s32 $0xFFFFE000  }
0x195: {  	v5 =	vld.idx.msk [tilespmem:v5+s0+$0x0], $0xffff  }
0x196: {  	v6 =	vor.u32 s29, v1;
	_ =	sdelay $0x3  }
0x197: {  	[tilespmem:s21+$0x280] =	vst v5  }
0x198: {  	(v2sf) =	vpush @!p0 v4, $0x4;
	v5 =	vld.idx.msk [tilespmem:v6+s0+$0x0], $0xffff  }
0x199: {  	v6 =	vor.u32 s29, v2;
	_ =	sdelay $0x3  }
0x19a: {  	s31 =	sadd.s32 $0xE, s22;
	[tilespmem:s21+$0x290] =	vst v5  }
0x19b: {  	s26 =	smul.u32 $0x2493, s31;
	v5 =	vld.idx.msk [tilespmem:v6+s0+$0x0], $0xffff  }
0x19c: {  	v6 =	vor.u32 s29, v3  }
0x19d: {  	s10 =	sshrl.u32 s26, $0x10  }
0x19e: {  	s29 =	ssub.s32 s31, s10  }
0x19f: {  	s11 =	sand.u32 $0xFFFE, s29  }
0x1a0: {  	s11 =	sshrl.u32 s11, $0x1;
	[tilespmem:s21+$0x2A0] =	vst v5  }
0x1a1: {  	s10 =	sadd.s32 s10, s11;
	v5 =	vld.idx.msk [tilespmem:v6+s0+$0x0], $0xffff  }
0x1a2: {  	s10 =	sand.u32 $0xFFFC, s10  }
0x1a3: {  	s10 =	sshrl.u32 s10, $0x2  }
0x1a4: {  	s11 =	spop @!p0 (v2sf);
	s10 =	smul.u32 $0x7, s10  }
0x1a5: {  	s24 =	sand.u32 $0x7F, s24;
	s11 =	sand.u32 @!p0 $0xFFFFF80, s11  }
0x1a6: {  	s11 =	sadd.s32 @!p0 s1, s11;
	s30 =	ssub.s32 s31, s10;
	[tilespmem:s21+$0x2B0] =	vst v5;
	v5 =	vor.u32 s24, v0  }
0x1a7: {  	[tilespmem:s0], [sflag:$0x1] =	stream.strided.gather @!p0 [hbm4b:s11+s25], $0x2000, s28, s25, $0x38;
	[tilespmem:$0x1E280] =	vst v63  }
0x1a8: {  	s0 =	sand.u32 $0xFFFF, s30;
	_ =	swait.ge [sflag:s17], $0x2000  }
0x1a9: {  	s0 =	sshll.u32 s0, $0xD;
	[sflag:s17] =	ssyncset.done $0x0  }
0x1aa: {  	s0 =	sor.u32 $0x280, s0;
	[sflag:s17] =	ssyncadd.s32 $0xFFFFE000  }
0x1ab: {  	v5 =	vld.idx.msk [tilespmem:v5+s0+$0x0], $0xffff  }
0x1ac: {  	v6 =	vor.u32 s24, v1;
	_ =	sdelay $0x3  }
0x1ad: {  	[tilespmem:s21+$0x300] =	vst v5  }
0x1ae: {  	(v2sf) =	vpush @!p0 v4, $0x5;
	v5 =	vld.idx.msk [tilespmem:v6+s0+$0x0], $0xffff  }
0x1af: {  	v6 =	vor.u32 s24, v2;
	_ =	sdelay $0x3  }
0x1b0: {  	s31 =	sadd.s32 $0xF, s22;
	[tilespmem:s21+$0x310] =	vst v5  }
0x1b1: {  	s26 =	smul.u32 $0x2493, s31;
	v5 =	vld.idx.msk [tilespmem:v6+s0+$0x0], $0xffff  }
0x1b2: {  	v6 =	vor.u32 s24, v3  }
0x1b3: {  	s10 =	sshrl.u32 s26, $0x10  }
0x1b4: {  	s29 =	ssub.s32 s31, s10  }
0x1b5: {  	s11 =	sand.u32 $0xFFFE, s29  }
0x1b6: {  	s11 =	sshrl.u32 s11, $0x1;
	[tilespmem:s21+$0x320] =	vst v5  }
0x1b7: {  	s10 =	sadd.s32 s10, s11;
	v5 =	vld.idx.msk [tilespmem:v6+s0+$0x0], $0xffff  }
0x1b8: {  	s10 =	sand.u32 $0xFFFC, s10  }
0x1b9: {  	s10 =	sshrl.u32 s10, $0x2  }
0x1ba: {  	s10 =	smul.u32 $0x7, s10;
	s11 =	spop @!p0 (v2sf)  }
0x1bb: {  	s30 =	sand.u32 $0x7F, s23;
	s11 =	sand.u32 @!p0 $0xFFFFF80, s11  }
0x1bc: {  	s31 =	ssub.s32 s31, s10;
	s11 =	sadd.s32 @!p0 s1, s11;
	[tilespmem:s21+$0x330] =	vst v5;
	v5 =	vor.u32 s30, v0  }
0x1bd: {  	[tilespmem:s0], [sflag:$0x1] =	stream.strided.gather @!p0 [hbm4b:s11+s25], $0x2000, s28, s25, $0x38;
	[tilespmem:$0x1E280] =	vst v63  }
0x1be: {  	s0 =	sand.u32 $0xFFFF, s31;
	_ =	swait.ge [sflag:s17], $0x2000  }
0x1bf: {  	s0 =	sshll.u32 s0, $0xD;
	[sflag:s17] =	ssyncset.done $0x0  }
0x1c0: {  	s23 =	sor.u32 $0x280, s0;
	[sflag:s17] =	ssyncadd.s32 $0xFFFFE000  }
0x1c1: {  	v5 =	vld.idx.msk [tilespmem:v5+s23+$0x0], $0xffff  }
0x1c2: {  	v6 =	vor.u32 s30, v1;
	_ =	sdelay $0x3  }
0x1c3: {  	[tilespmem:s21+$0x380] =	vst v5  }
0x1c4: {  	v5 =	vld.idx.msk [tilespmem:v6+s23+$0x0], $0xffff  }
0x1c5: {  	v6 =	vor.u32 s30, v2;
	_ =	sdelay $0x3  }
0x1c6: {  	[tilespmem:s21+$0x390] =	vst v5  }
0x1c7: {  	v5 =	vld.idx.msk [tilespmem:v6+s23+$0x0], $0xffff  }
0x1c8: {  	v6 =	vor.u32 s30, v3;
	_ =	sdelay $0x3  }
0x1c9: {  	[tilespmem:s21+$0x3A0] =	vst v5  }
0x1ca: {  	v5 =	vld.idx.msk [tilespmem:v6+s23+$0x0], $0xffff  }
.Ltmp2:
0x1cb: {  	_ = 	snop;
	(pc) =	sbr.rel @p0 .LBB2_4-.Ltmp2, $2  }
0x1cc: {  	_ =	sdelay $0x2  }
0x1cd: {  	[tilespmem:s21+$0x3B0] =	vst v5  }
0x1ce: {  	(v2sf) =	vpush v4, $0x6;
	_ =	sdelay $0xd  }
.Ltmp3:
0x1cf: {  	_ = 	snop;
	(pc) =	sbr.rel .LBB2_2-.Ltmp3, $4  }
0x1d0: {  	s0 =	spop (v2sf)  }
0x1d1: {  	s22 =	sadd.s32 $0x10, s22;
	s0 =	sand.u32 $0xFFFFF80, s0  }
0x1d2: {  	s20 =	sadd.s32 $0x10, s20;
	s21 =	sadd.s32 $0x800, s21;
	s0 =	sadd.s32 s1, s0  }
0x1d3: {  	[tilespmem:s23], [sflag:$0x1] =	stream.strided.gather [hbm4b:s0+s8], $0x2000, s9, s8, $0x38;
	[tilespmem:$0x1E280] =	vst v63  }
.LBB2_5:
0x1d4: {  	_ =	sfence.sel $0x180000  }
0x1d5: {  	[bflag:$0x0] =	sbarrier.arrive $0xFFFF  }
0x1d6: {  	_ =	strace $0x90000047  }
0x1d7: {  	s0 =	stileid.u32;
	[bflag:$0x2] =	sbarrier.arrive $0xFFFF  }
0x1d8: {  	p0 =	sne.s32 s0, $0x0;
	s0 =	rddreg [dreg:$0x3]  }
0x1d9: {  	s0 =	sadd.s32 @!p0 $0x100000, s0  }
0x1da: {  	[sflag:s0] =	ssyncadd.tile.s32 @!p0 $0x1;
	_ =	shalt  }
.Lfunc_end2:
_tile_overlayer_lowered:
.L_overlay_start_2:
0x1db: {  	(tag) =	ssettag $0x2  }
0x1dc: {  	s0 =	rddreg [dreg:$0x0];
	s2 =	stileid.u32  }
0x1dd: {  	s1 =	rddreg [dreg:$0x1];
	p0 =	sne.s32 s2, $0x0  }
0x1de: {  	s3 =	rddreg [dreg:$0x2];
	[bflag:$0x3] =	sbarrier.arrive $0xFFFF;
	s2 =	simm.s32 @!p0 $0x1C02  }
0x1df: {  	[timem:s3], [sflag:s2] =	dma.local @!p0 [hbm:s0], s1  }
0x1e0: {  	s0 =	simm.s32 @!p0 $0x2  }
0x1e1: {  	_ =	swait.ge @!p0 [sflag:s0], s1  }
0x1e2: {  	s1 =	ssub.s32 @!p0 $0x0, s1;
	[sflag:s0] =	ssyncset.done @!p0 $0x0  }
0x1e3: {  	[sflag:s0] =	ssyncadd.s32 @!p0 s1  }
0x1e4: {  	[bflag:$0x3] =	sbarrier.arrive $0xFFFF  }
0x1e5: {  	_ =	shalt  }

</sc_bundles>
